<compile_context>
chip_gen: v7x
topology: tpu7x:2x2x1
jax: 0.10.2.dev20260603
libtpu: 0.0.44.dev20260713+nightly
codegen_flags: <defaults>
</compile_context>

<pallas_src>
import functools

import jax
import jax.numpy as jnp
from jax import lax
from jax.experimental import pallas as pl
from jax.experimental.pallas import tpu as pltpu
from jax.experimental.pallas import tpu_sc as plsc

_NC = 2
_NS = 16
_NW = _NC * _NS
_CH = 128


def _silu(v):
    return v * (1.0 / (1.0 + jnp.exp(-v)))


def _sc_gather(table, idx2):
    two_e = idx2.shape[0]
    per_w = two_e // _NW
    n_chunks = per_w // _CH
    n_pairs = n_chunks // 2
    assert n_chunks == 2 * n_pairs
    rem = per_w - n_chunks * _CH
    mesh = plsc.VectorSubcoreMesh(core_axis_name="c", subcore_axis_name="s")

    @functools.partial(
        pl.kernel,
        out_type=jax.ShapeDtypeStruct((two_e, 128), jnp.float32),
        mesh=mesh,
        scratch_types=[
            pltpu.VMEM((per_w,), jnp.int32),
            pltpu.VMEM((_CH, 128), jnp.float32),
            pltpu.VMEM((_CH, 128), jnp.float32),
            pltpu.VMEM_SHARED((table.shape[0], 128), jnp.float32),
            pltpu.SemaphoreType.DMA,
            pltpu.SemaphoreType.DMA,
        ],
    )
    def gather_k(t_hbm, idx_hbm, out_hbm, idx_all, buf0, buf1, tbl, sg0, sg1):
        sid = lax.axis_index("s")
        wid = sid * _NC + lax.axis_index("c")
        base0 = wid * per_w
        nrows = table.shape[0]
        trows = (nrows // _NS) & ~7
        tlast = nrows - (_NS - 1) * trows

        @pl.when(sid < _NS - 1)
        def _():
            s = pl.ds(sid * trows, trows)
            pltpu.sync_copy(t_hbm.at[s], tbl.at[s])

        @pl.when(sid == _NS - 1)
        def _():
            s = pl.ds((_NS - 1) * trows, tlast)
            pltpu.sync_copy(t_hbm.at[s], tbl.at[s])

        pltpu.sync_copy(idx_hbm.at[pl.ds(base0, per_w)], idx_all)
        plsc.subcore_barrier()

        def fire(i, buf, sem):
            pltpu.async_copy(tbl.at[idx_all.at[pl.ds(i * _CH, _CH)]], buf, sem)

        def wait(i, buf, sem):
            pltpu.make_async_copy(
                tbl.at[idx_all.at[pl.ds(i * _CH, _CH)]], buf, sem).wait()

        def wb(i, buf):
            pltpu.sync_copy(buf, out_hbm.at[pl.ds(base0 + i * _CH, _CH)])

        fire(0, buf0, sg0)

        def body(o, carry):
            i0 = 2 * o
            fire(i0 + 1, buf1, sg1)
            wait(i0, buf0, sg0)
            wb(i0, buf0)

            @pl.when(o < n_pairs - 1)
            def _():
                fire(i0 + 2, buf0, sg0)

            wait(i0 + 1, buf1, sg1)
            wb(i0 + 1, buf1)
            return carry

        lax.fori_loop(0, n_pairs, body, 0)
        if rem:
            tbase = n_chunks * _CH
            pltpu.sync_copy(
                tbl.at[idx_all.at[pl.ds(tbase, rem)]],
                buf0.at[pl.ds(0, rem)])
            pltpu.sync_copy(buf0.at[pl.ds(0, rem)],
                            out_hbm.at[pl.ds(base0 + tbase, rem)])

    return gather_k(table, idx2)


def _sc_scatter(m2, xc, senders, initm, initx):
    e, hdim = m2.shape
    n = initm.shape[0]
    per_t = e // _NS
    n_chunks = per_t // _CH
    n_pairs = n_chunks // 2
    assert n_chunks == 2 * n_pairs
    rem = per_t - n_chunks * _CH
    mesh = plsc.VectorSubcoreMesh(core_axis_name="c", subcore_axis_name="s")

    @functools.partial(
        pl.kernel,
        out_type=(
            jax.ShapeDtypeStruct((n, hdim), jnp.float32),
            jax.ShapeDtypeStruct((n, hdim), jnp.float32),
        ),
        mesh=mesh,
    scratch_types=[
            pltpu.VMEM((_CH,), jnp.int32),
            pltpu.VMEM((_CH,), jnp.int32),
            pltpu.VMEM((_CH, hdim), jnp.float32),
            pltpu.VMEM((_CH, hdim), jnp.float32),
            pltpu.VMEM((max(rem, 8),), jnp.int32),
            pltpu.VMEM((max(rem, 8), hdim), jnp.float32),
            pltpu.VMEM_SHARED((n, hdim), jnp.float32),
            pltpu.SemaphoreType.DMA,
            pltpu.SemaphoreType.DMA,
        ],
    )
    def scatter_k(m_hbm, x_hbm, idx_hbm, im_hbm, ix_hbm, om_hbm, ox_hbm,
                  idxc0, idxc1, buf0, buf1, idxt, buft, acc, sl0, sl1):
        cid = lax.axis_index("c")
        sid = lax.axis_index("s")
        rows = (n // _NS) & ~7
        last = n - (_NS - 1) * rows

        def sliced(op):
            @pl.when(sid < _NS - 1)
            def _():
                op(pl.ds(sid * rows, rows))

            @pl.when(sid == _NS - 1)
            def _():
                op(pl.ds((_NS - 1) * rows, last))

        @pl.when(cid == 0)
        def _():
            sliced(lambda s: pltpu.sync_copy(im_hbm.at[s], acc.at[s]))

        @pl.when(cid == 1)
        def _():
            sliced(lambda s: pltpu.sync_copy(ix_hbm.at[s], acc.at[s]))

        base0 = sid * per_t
        plsc.subcore_barrier()

        def run(src_hbm):
            def fire(i, buf, idxc, sem):
                pltpu.async_copy(
                    src_hbm.at[pl.ds(base0 + i * _CH, _CH)], buf, sem)
                pltpu.async_copy(
                    idx_hbm.at[pl.ds(base0 + i * _CH, _CH)], idxc, sem)

            def drain(i, buf, idxc, sem):
                pltpu.make_async_copy(
                    src_hbm.at[pl.ds(base0 + i * _CH, _CH)], buf, sem).wait()
                pltpu.make_async_copy(
                    idx_hbm.at[pl.ds(base0 + i * _CH, _CH)], idxc, sem).wait()
                pltpu.sync_copy(buf, acc.at[idxc], add=True)

            fire(0, buf0, idxc0, sl0)

            def body(o, carry):
                i0 = 2 * o
                fire(i0 + 1, buf1, idxc1, sl1)
                drain(i0, buf0, idxc0, sl0)

                @pl.when(o < n_pairs - 1)
                def _():
                    fire(i0 + 2, buf0, idxc0, sl0)

                drain(i0 + 1, buf1, idxc1, sl1)
                return carry

            lax.fori_loop(0, n_pairs, body, 0)
            if rem:
                tbase = base0 + n_chunks * _CH
                pltpu.sync_copy(src_hbm.at[pl.ds(tbase, rem)], buft)
                pltpu.sync_copy(idx_hbm.at[pl.ds(tbase, rem)], idxt)
                pltpu.sync_copy(buft, acc.at[idxt], add=True)

        @pl.when(cid == 0)
        def _():
            run(m_hbm)

        @pl.when(cid == 1)
        def _():
            run(x_hbm)

        plsc.subcore_barrier()

        @pl.when(cid == 0)
        def _():
            sliced(lambda s: pltpu.sync_copy(acc.at[s], om_hbm.at[s]))

        @pl.when(cid == 1)
        def _():
            sliced(lambda s: pltpu.sync_copy(acc.at[s], ox_hbm.at[s]))

    return scatter_k(m2, xc, senders, initm, initx)


def _tc_edge(prows, edge_attr, Ae, Ao, Be, Bo, wd, C4, be1, We2, be2,
             Wx1, bx1, Wx2, bx2, e):
    hdim = 128
    be_blk = 3200
    nb = e // be_blk

    def body(ps_ref, pr_ref, ea_ref, ae_ref, ao_ref, bbe_ref, bbo_ref, wd_ref,
             c4_ref, b1_ref, w2_ref, b2_ref, wx1_ref, bx1_ref, wx2_ref,
             bx2_ref, m_ref, xc_ref):
        ps = ps_ref[...]
        pr = pr_ref[...]
        us = lax.bitcast_convert_type(ps[:, 0:64], jnp.uint32)
        ur = lax.bitcast_convert_type(pr[:, 0:64], jnp.uint32)
        bf = jnp.bfloat16
        hse = lax.bitcast_convert_type(us << 16, jnp.float32).astype(bf)
        hso = lax.bitcast_convert_type(us & jnp.uint32(0xFFFF0000), jnp.float32).astype(bf)
        hre = lax.bitcast_convert_type(ur << 16, jnp.float32).astype(bf)
        hro = lax.bitcast_convert_type(ur & jnp.uint32(0xFFFF0000), jnp.float32).astype(bf)
        dx = ps[:, 64:67] - pr[:, 64:67]
        dist = jnp.sum(dx * dx, axis=1, keepdims=True)
        dot = lambda a, b: jnp.dot(a, b, preferred_element_type=jnp.float32)
        m1 = (dot(hse, ae_ref[...]) + dot(hso, ao_ref[...])
              + dot(hre, bbe_ref[...]) + dot(hro, bbo_ref[...])
              + dist * wd_ref[...]
              + dot(ea_ref[...], c4_ref[...])
              + b1_ref[...])
        m1 = _silu(m1)
        m2 = _silu(dot(m1.astype(bf), w2_ref[...]) + b2_ref[...])
        t = _silu(dot(m2.astype(bf), wx1_ref[...]) + bx1_ref[...])
        w = dot(t.astype(bf), wx2_ref[...]) + bx2_ref[...]
        m_ref[...] = m2
        xc_ref[...] = jnp.concatenate(
            [dx * w, jnp.ones_like(w), jnp.zeros((dx.shape[0], 124), jnp.float32)],
            axis=1)

    full = lambda a: pl.BlockSpec(a.shape, lambda i: (0,) * a.ndim)
    return pl.pallas_call(
        body,
        grid=(nb,),
        in_specs=[
            pl.BlockSpec((be_blk, 128), lambda i: (i, 0)),
            pl.BlockSpec((be_blk, 128), lambda i: (nb + i, 0)),
            pl.BlockSpec((be_blk, 4), lambda i: (i, 0)),
            full(Ae), full(Ao), full(Be), full(Bo), full(wd), full(C4),
            full(be1), full(We2), full(be2), full(Wx1), full(bx1),
            full(Wx2), full(bx2),
        ],
        out_specs=(
            pl.BlockSpec((be_blk, hdim), lambda i: (i, 0)),
            pl.BlockSpec((be_blk, 128), lambda i: (i, 0)),
        ),
        out_shape=(
            jax.ShapeDtypeStruct((e, hdim), jnp.float32),
            jax.ShapeDtypeStruct((e, 128), jnp.float32),
        ),
    )(prows, prows, edge_attr, Ae, Ao, Be, Bo, wd, C4, be1, We2, be2,
      Wx1, bx1, Wx2, bx2)


def _tc_node(h, x, pm, pxc, Wh1, bh1, Wh2, bh2):
    n, hdim = h.shape
    bn = 1000
    nb = n // bn

    def body(h_ref, x_ref, pm_ref, pxc_ref, w1_ref, b1_ref, w2_ref, b2_ref,
             hn_ref, xn_ref):
        hblk = h_ref[...]
        mi = pm_ref[...]
        xc = pxc_ref[...]
        cnt = xc[:, 3:4]
        xn_ref[...] = x_ref[...] + xc[:, 0:3] / cnt
        w1 = w1_ref[...]
        u = _silu(jnp.dot(hblk, w1[0:hdim], preferred_element_type=jnp.float32)
                  + jnp.dot(mi, w1[hdim:], preferred_element_type=jnp.float32)
                  + b1_ref[...])
        hn_ref[...] = hblk + jnp.dot(u, w2_ref[...], preferred_element_type=jnp.float32) \
            + b2_ref[...]

    full = lambda a: pl.BlockSpec(a.shape, lambda i: (0,) * a.ndim)
    return pl.pallas_call(
        body,
        grid=(nb,),
        in_specs=[
            pl.BlockSpec((bn, hdim), lambda i: (i, 0)),
            pl.BlockSpec((bn, 3), lambda i: (i, 0)),
            pl.BlockSpec((bn, hdim), lambda i: (i, 0)),
            pl.BlockSpec((bn, 128), lambda i: (i, 0)),
            full(Wh1), full(bh1), full(Wh2), full(bh2),
        ],
        out_specs=(
            pl.BlockSpec((bn, hdim), lambda i: (i, 0)),
            pl.BlockSpec((bn, 3), lambda i: (i, 0)),
        ),
        out_shape=(
            jax.ShapeDtypeStruct((n, hdim), jnp.float32),
            jax.ShapeDtypeStruct((n, 3), jnp.float32),
        ),
    )(h, x, pm, pxc, Wh1, bh1, Wh2, bh2)


def kernel(edge_index, h, x, edge_attr, We1, be1, We2, be2, Wh1, bh1, Wh2, bh2,
           Wx1, bx1, Wx2, bx2):
    n, hdim = h.shape
    e = edge_index.shape[1]
    e2 = e // 2
    senders = edge_index[0].astype(jnp.int32)
    receivers = edge_index[1].astype(jnp.int32)

    hu = lax.bitcast_convert_type(h.astype(jnp.bfloat16), jnp.uint16)
    packed = hu[:, 0::2].astype(jnp.uint32) | (hu[:, 1::2].astype(jnp.uint32) << 16)
    table = jnp.concatenate(
        [lax.bitcast_convert_type(packed, jnp.float32), x,
         jnp.zeros((n, 61), jnp.float32)], axis=1)

    bf = jnp.bfloat16
    ew = (We1[0:hdim][0::2].astype(bf), We1[0:hdim][1::2].astype(bf),
          We1[hdim:2 * hdim][0::2].astype(bf), We1[hdim:2 * hdim][1::2].astype(bf),
          We1[2 * hdim:2 * hdim + 1], We1[2 * hdim + 1:],
          be1.reshape(1, hdim), We2.astype(bf), be2.reshape(1, hdim),
          Wx1.astype(bf), bx1.reshape(1, hdim), Wx2.astype(bf),
          bx2.reshape(1, 1))

    sA, rA = senders[0:e2], receivers[0:e2]
    sB, rB = senders[e2:], receivers[e2:]
    prowsA = _sc_gather(table, jnp.concatenate([sA, rA]))
    m2A, xcA = _tc_edge(prowsA, edge_attr[0:e2], *ew, e2)
    prowsB = _sc_gather(table, jnp.concatenate([sB, rB]))
    m2B, xcB = _tc_edge(prowsB, edge_attr[e2:], *ew, e2)

    zm = jnp.zeros((n, hdim), jnp.float32)
    pmA, pxA = _sc_scatter(m2A, xcA, sA, zm, zm)
    pmB, pxB = _sc_scatter(m2B, xcB, sB, pmA, pxA)
    return _tc_node(h, x, pmB, pxB,
                    Wh1, bh1.reshape(1, hdim), Wh2, bh2.reshape(1, hdim))

# --- scband reference (transcript-rebuilt; emitter-appended) ---
"""Pipeline reference for scband-egnn-layer-10368051052943 (READ-ONLY COPY).

The authoritative reference and input builder live on the scoring server;
editing this copy changes nothing except your own understanding.
"""

import jax, jax.numpy as jnp
import numpy as np

N = 10000
E = 320000
H = 128
DE = 4


def setup_inputs(seed: int = 0) -> dict:
    key = jax.random.key(seed)
    ks = jax.random.split(key, 12)
    edge_index = jax.random.randint(ks[0], (2, E), 0, N)
    h = jax.random.normal(ks[1], (N, H), jnp.float32)
    x = jax.random.normal(ks[2], (N, 3), jnp.float32)
    edge_attr = jax.random.normal(ks[3], (E, DE), jnp.float32)

    def dense(k, fi, fo):
        lim = (1.0 / fi) ** 0.5
        return jax.random.uniform(k, (fi, fo), jnp.float32, -lim, lim)

    We1 = dense(ks[4], 2 * H + 1 + DE, H)
    be1 = jnp.zeros((H,), jnp.float32)
    We2 = dense(ks[5], H, H)
    be2 = jnp.zeros((H,), jnp.float32)
    Wh1 = dense(ks[6], 2 * H, H)
    bh1 = jnp.zeros((H,), jnp.float32)
    Wh2 = dense(ks[7], H, H)
    bh2 = jnp.zeros((H,), jnp.float32)
    Wx1 = dense(ks[8], H, H)
    bx1 = jnp.zeros((H,), jnp.float32)
    std = 0.001 * (2.0 / H) ** 0.5  # custom_xavier_uniform_init(gain=0.001)
    Wx2 = jax.random.uniform(ks[9], (H, 1), jnp.float32, -std, std)
    bx2 = jnp.zeros((1,), jnp.float32)
    return {
        'edge_index': edge_index, 'h': h, 'x': x, 'edge_attr': edge_attr,
        'We1': We1, 'be1': be1, 'We2': We2, 'be2': be2,
        'Wh1': Wh1, 'bh1': bh1, 'Wh2': Wh2, 'bh2': bh2,
        'Wx1': Wx1, 'bx1': bx1, 'Wx2': Wx2, 'bx2': bx2,
    }


def reference(edge_index, h, x, edge_attr, We1, be1, We2, be2, Wh1, bh1, Wh2, bh2, Wx1, bx1, Wx2, bx2):
    act = jax.nn.silu
    senders = edge_index[0]
    receivers = edge_index[1]
    x_i = x[senders]
    x_j = x[receivers]
    # compute_radial: ||x_i - x_j||^2
    dist = jnp.sum((x_i - x_j) ** 2, axis=1, keepdims=True)
    # message_fn: phi_e(h_i, h_j, dist, a_ij)
    m_in = jnp.concatenate([h[senders], h[receivers], dist, edge_attr], axis=1)
    m = act(m_in @ We1 + be1)
    m_ij = act(m @ We2 + be2)
    # pos_agg_update_fn: x + mean_j (x_i - x_j) * phi_x(m_ij)
    w = act(m_ij @ Wx1 + bx1) @ Wx2 + bx2
    x_ij = (x_i - x_j) * w
    seg_sum = jax.ops.segment_sum(x_ij, senders, num_segments=N)
    seg_cnt = jax.ops.segment_sum(jnp.ones_like(x_ij), senders, num_segments=N)
    x_new = x + seg_sum / seg_cnt
    # agg_update_fn: h + phi_h(h, sum_j m_ij)
    m_i = jax.ops.segment_sum(m_ij, senders, num_segments=N)
    upd = jnp.concatenate([h, m_i], axis=1)
    h_new = h + (act(upd @ Wh1 + bh1) @ Wh2 + bh2)
    return (h_new, x_new)

if __name__ == "__main__":
    import jax
    _d = setup_inputs()
    print(jax.jit(kernel)(*tuple(_d.values())))

</pallas_src>

<mosaic_0001>
#map = affine_map<(d0, d1) -> (0, 0)>
#map1 = affine_map<(d0, d1) -> (0)>
module attributes {stable_mosaic.version = 14 : i64} {
  func.func @gather_k(%arg0: i32, %arg1: i32, %arg2: memref<10000x128xf32, #tpu.memory_space<hbm>>, %arg3: memref<320000xi32, #tpu.memory_space<hbm>>, %arg4: memref<320000x128xf32, #tpu.memory_space<hbm>>, %arg5: memref<10000xi32, #tpu.memory_space<vmem>>, %arg6: memref<128x128xf32, #tpu.memory_space<vmem>>, %arg7: memref<128x128xf32, #tpu.memory_space<vmem>>, %arg8: memref<10000x128xf32, #tpu.memory_space<vmem_shared>>, %arg9: memref<!tpu.dma_semaphore, #tpu.memory_space<semaphore_mem>>, %arg10: memref<!tpu.dma_semaphore, #tpu.memory_space<semaphore_mem>>) attributes {dimension_semantics = [#tpu.dimension_semantics<core_parallel>, #tpu.dimension_semantics<subcore_parallel>], iteration_bounds = array<i64: 2, 16>, scalar_prefetch = 0 : i64, scratch_operands = 6 : i64, tpu.core_type = #tpu.core_type<sc_vector_subcore>, window_params = [{transform_indices = #map}, {transform_indices = #map1}, {transform_indices = #map}]} {
    %mul3A = arith.constant 2 : i32
    %mul3A_0 = arith.muli %arg1, %mul3A : i32
    %add3A = arith.addi %mul3A_0, %arg0 : i32
    %mul3A_1 = arith.constant 10000 : i32
    %mul3A_2 = arith.muli %add3A, %mul3A_1 : i32
    %lt3A = arith.constant 15 : i32
    %lt3A_3 = arith.cmpi slt, %arg1, %lt3A : i32
    %convert_element_type3A = arith.extui %lt3A_3 : i1 to i32
    %cond3A = arith.constant 0 : i32
    %cond3A_4 = arith.cmpi ne, %convert_element_type3A, %cond3A : i32
    scf.if %cond3A_4 {
      %mul3A_20 = arith.constant 624 : i32
      %mul3A_21 = arith.muli %arg1, %mul3A_20 : i32
      "tpu.region"() ({
        %run_scoped3A = tpu.sem_alloc : memref<!tpu.dma_semaphore, #tpu.memory_space<semaphore_mem>>
        %dma_start3A_22 = arith.constant 0 : i32
        %dma_start3A_23 = tpu.memref_slice %arg8[%mul3A_21, %dma_start3A_22] : memref<10000x128xf32, #tpu.memory_space<vmem_shared>> -> memref<624x128xf32, #tpu.memory_space<vmem_shared>>
        %dma_start3A_24 = arith.constant 0 : i32
        %dma_start3A_25 = tpu.memref_slice %arg2[%mul3A_21, %dma_start3A_24] : memref<10000x128xf32, #tpu.memory_space<hbm>> -> memref<624x128xf32, #tpu.memory_space<hbm>>
        tpu.enqueue_dma source(%dma_start3A_25 : memref<624x128xf32, #tpu.memory_space<hbm>>) target(%dma_start3A_23 : memref<624x128xf32, #tpu.memory_space<vmem_shared>>) target_semaphore(%run_scoped3A : memref<!tpu.dma_semaphore, #tpu.memory_space<semaphore_mem>>)
        %dma_wait3A = arith.constant 0 : i32
        %dma_wait3A_26 = tpu.memref_slice %arg8[%mul3A_21, %dma_wait3A] : memref<10000x128xf32, #tpu.memory_space<vmem_shared>> -> memref<624x128xf32, #tpu.memory_space<vmem_shared>>
        %dma_wait3A_27 = arith.constant 0 : i32
        %dma_wait3A_28 = tpu.memref_slice %arg2[%mul3A_21, %dma_wait3A_27] : memref<10000x128xf32, #tpu.memory_space<hbm>> -> memref<624x128xf32, #tpu.memory_space<hbm>>
        tpu.wait_dma2 semaphore(%run_scoped3A : memref<!tpu.dma_semaphore, #tpu.memory_space<semaphore_mem>>) src(%dma_wait3A_28 : memref<624x128xf32, #tpu.memory_space<hbm>>) dst(%dma_wait3A_26 : memref<624x128xf32, #tpu.memory_space<vmem_shared>>)
        tpu.yield
      }) : () -> ()
    } else {
    }
    %eq3A = arith.constant 15 : i32
    %eq3A_5 = arith.cmpi eq, %arg1, %eq3A : i32
    %convert_element_type3A_6 = arith.extui %eq3A_5 : i1 to i32
    %cond3A_7 = arith.constant 0 : i32
    %cond3A_8 = arith.cmpi ne, %convert_element_type3A_6, %cond3A_7 : i32
    scf.if %cond3A_8 {
      "tpu.region"() ({
        %run_scoped3A = tpu.sem_alloc : memref<!tpu.dma_semaphore, #tpu.memory_space<semaphore_mem>>
        %dma_start3A_20 = arith.constant 9360 : i32
        %dma_start3A_21 = arith.constant 0 : i32
        %dma_start3A_22 = tpu.memref_slice %arg8[%dma_start3A_20, %dma_start3A_21] : memref<10000x128xf32, #tpu.memory_space<vmem_shared>> -> memref<640x128xf32, #tpu.memory_space<vmem_shared>>
        %dma_start3A_23 = arith.constant 9360 : i32
        %dma_start3A_24 = arith.constant 0 : i32
        %dma_start3A_25 = tpu.memref_slice %arg2[%dma_start3A_23, %dma_start3A_24] : memref<10000x128xf32, #tpu.memory_space<hbm>> -> memref<640x128xf32, #tpu.memory_space<hbm>>
        tpu.enqueue_dma source(%dma_start3A_25 : memref<640x128xf32, #tpu.memory_space<hbm>>) target(%dma_start3A_22 : memref<640x128xf32, #tpu.memory_space<vmem_shared>>) target_semaphore(%run_scoped3A : memref<!tpu.dma_semaphore, #tpu.memory_space<semaphore_mem>>)
        %dma_wait3A = arith.constant 9360 : i32
        %dma_wait3A_26 = arith.constant 0 : i32
        %dma_wait3A_27 = tpu.memref_slice %arg8[%dma_wait3A, %dma_wait3A_26] : memref<10000x128xf32, #tpu.memory_space<vmem_shared>> -> memref<640x128xf32, #tpu.memory_space<vmem_shared>>
        %dma_wait3A_28 = arith.constant 9360 : i32
        %dma_wait3A_29 = arith.constant 0 : i32
        %dma_wait3A_30 = tpu.memref_slice %arg2[%dma_wait3A_28, %dma_wait3A_29] : memref<10000x128xf32, #tpu.memory_space<hbm>> -> memref<640x128xf32, #tpu.memory_space<hbm>>
        tpu.wait_dma2 semaphore(%run_scoped3A : memref<!tpu.dma_semaphore, #tpu.memory_space<semaphore_mem>>) src(%dma_wait3A_30 : memref<640x128xf32, #tpu.memory_space<hbm>>) dst(%dma_wait3A_27 : memref<640x128xf32, #tpu.memory_space<vmem_shared>>)
        tpu.yield
      }) : () -> ()
    } else {
    }
    "tpu.region"() ({
      %run_scoped3A = tpu.sem_alloc : memref<!tpu.dma_semaphore, #tpu.memory_space<semaphore_mem>>
      %dma_start3A_20 = tpu.memref_slice %arg3[%mul3A_2] : memref<320000xi32, #tpu.memory_space<hbm>> -> memref<10000xi32, #tpu.memory_space<hbm>>
      %dma_start3A_21 = tpu.memref_slice %arg3[%mul3A_2] : memref<320000xi32, #tpu.memory_space<hbm>> -> memref<10000xi32, #tpu.memory_space<hbm>>
      tpu.enqueue_dma source(%dma_start3A_21 : memref<10000xi32, #tpu.memory_space<hbm>>) target(%arg5 : memref<10000xi32, #tpu.memory_space<vmem>>) target_semaphore(%run_scoped3A : memref<!tpu.dma_semaphore, #tpu.memory_space<semaphore_mem>>)
      %dma_wait3A = tpu.memref_slice %arg3[%mul3A_2] : memref<320000xi32, #tpu.memory_space<hbm>> -> memref<10000xi32, #tpu.memory_space<hbm>>
      %dma_wait3A_22 = tpu.memref_slice %arg3[%mul3A_2] : memref<320000xi32, #tpu.memory_space<hbm>> -> memref<10000xi32, #tpu.memory_space<hbm>>
      tpu.wait_dma2 semaphore(%run_scoped3A : memref<!tpu.dma_semaphore, #tpu.memory_space<semaphore_mem>>) src(%dma_wait3A_22 : memref<10000xi32, #tpu.memory_space<hbm>>) dst(%arg5 : memref<10000xi32, #tpu.memory_space<vmem>>)
      tpu.yield
    }) : () -> ()
    %barrier3A = arith.constant 0 : index
    tpu.barrier barrier_id(%barrier3A)
    %dma_start3A = arith.constant 0 : i32
    %dma_start3A_9 = tpu.memref_slice %arg5[%dma_start3A] : memref<10000xi32, #tpu.memory_space<vmem>> -> memref<128xi32, #tpu.memory_space<vmem>>
    %dma_start3A_10 = arith.constant 0 : i32
    %dma_start3A_11 = arith.constant 0 : i32
    %dma_start3A_12 = tpu.memref_slice %arg8[%dma_start3A_10, %dma_start3A_11] : memref<10000x128xf32, #tpu.memory_space<vmem_shared>> -> memref<10000x128xf32, #tpu.memory_space<vmem_shared>>
    tpu.enqueue_indirect_dma source(%dma_start3A_12 : memref<10000x128xf32, #tpu.memory_space<vmem_shared>>) target(%arg6 : memref<128x128xf32, #tpu.memory_space<vmem>>) offsets(%dma_start3A_9 : memref<128xi32, #tpu.memory_space<vmem>>) semaphore(%arg9 : memref<!tpu.dma_semaphore, #tpu.memory_space<semaphore_mem>>)
    %scan3A = arith.constant 0 : i32
    %scan3A_13 = arith.constant 0 : i32
    %scan3A_14 = arith.constant 39 : i32
    %scan3A_15 = arith.addi %scan3A_13, %scan3A_14 : i32
    %scan3A_16 = arith.constant 1 : i32
    scf.for %scan3A_20 = %scan3A_13 to %scan3A_15 step %scan3A_16  : i32 {
      %mul3A_21 = arith.constant 2 : i32
      %mul3A_22 = arith.muli %mul3A_21, %scan3A_20 : i32
      %add3A_23 = arith.constant 1 : i32
      %add3A_24 = arith.addi %mul3A_22, %add3A_23 : i32
      %mul3A_25 = arith.constant 128 : i32
      %mul3A_26 = arith.muli %add3A_24, %mul3A_25 : i32
      %dma_start3A_27 = tpu.memref_slice %arg5[%mul3A_26] : memref<10000xi32, #tpu.memory_space<vmem>> -> memref<128xi32, #tpu.memory_space<vmem>>
      %dma_start3A_28 = arith.constant 0 : i32
      %dma_start3A_29 = arith.constant 0 : i32
      %dma_start3A_30 = tpu.memref_slice %arg8[%dma_start3A_28, %dma_start3A_29] : memref<10000x128xf32, #tpu.memory_space<vmem_shared>> -> memref<10000x128xf32, #tpu.memory_space<vmem_shared>>
      tpu.enqueue_indirect_dma source(%dma_start3A_30 : memref<10000x128xf32, #tpu.memory_space<vmem_shared>>) target(%arg7 : memref<128x128xf32, #tpu.memory_space<vmem>>) offsets(%dma_start3A_27 : memref<128xi32, #tpu.memory_space<vmem>>) semaphore(%arg10 : memref<!tpu.dma_semaphore, #tpu.memory_space<semaphore_mem>>)
      %mul3A_31 = arith.constant 128 : i32
      %mul3A_32 = arith.muli %mul3A_22, %mul3A_31 : i32
      %dma_wait3A = tpu.memref_slice %arg5[%mul3A_32] : memref<10000xi32, #tpu.memory_space<vmem>> -> memref<128xi32, #tpu.memory_space<vmem>>
      %dma_wait3A_33 = arith.constant 0 : i32
      %dma_wait3A_34 = arith.constant 0 : i32
      %dma_wait3A_35 = tpu.memref_slice %arg8[%dma_wait3A_33, %dma_wait3A_34] : memref<10000x128xf32, #tpu.memory_space<vmem_shared>> -> memref<10000x128xf32, #tpu.memory_space<vmem_shared>>
      tpu.wait_indirect_dma semaphore(%arg9 : memref<!tpu.dma_semaphore, #tpu.memory_space<semaphore_mem>>) src(%dma_wait3A_35 : memref<10000x128xf32, #tpu.memory_space<vmem_shared>>) dst(%arg6 : memref<128x128xf32, #tpu.memory_space<vmem>>)
      %mul3A_36 = arith.constant 128 : i32
      %mul3A_37 = arith.muli %mul3A_22, %mul3A_36 : i32
      %add3A_38 = arith.addi %mul3A_2, %mul3A_37 : i32
      "tpu.region"() ({
        %run_scoped3A = tpu.sem_alloc : memref<!tpu.dma_semaphore, #tpu.memory_space<semaphore_mem>>
        %dma_start3A_57 = arith.constant 0 : i32
        %dma_start3A_58 = tpu.memref_slice %arg4[%add3A_38, %dma_start3A_57] : memref<320000x128xf32, #tpu.memory_space<hbm>> -> memref<128x128xf32, #tpu.memory_space<hbm>>
        %dma_start3A_59 = arith.constant 0 : i32
        %dma_start3A_60 = tpu.memref_slice %arg4[%add3A_38, %dma_start3A_59] : memref<320000x128xf32, #tpu.memory_space<hbm>> -> memref<128x128xf32, #tpu.memory_space<hbm>>
        tpu.enqueue_dma source(%arg6 : memref<128x128xf32, #tpu.memory_space<vmem>>) target(%dma_start3A_60 : memref<128x128xf32, #tpu.memory_space<hbm>>) target_semaphore(%run_scoped3A : memref<!tpu.dma_semaphore, #tpu.memory_space<semaphore_mem>>)
        %dma_wait3A_61 = arith.constant 0 : i32
        %dma_wait3A_62 = tpu.memref_slice %arg4[%add3A_38, %dma_wait3A_61] : memref<320000x128xf32, #tpu.memory_space<hbm>> -> memref<128x128xf32, #tpu.memory_space<hbm>>
        %dma_wait3A_63 = arith.constant 0 : i32
        %dma_wait3A_64 = tpu.memref_slice %arg4[%add3A_38, %dma_wait3A_63] : memref<320000x128xf32, #tpu.memory_space<hbm>> -> memref<128x128xf32, #tpu.memory_space<hbm>>
        tpu.wait_dma2 semaphore(%run_scoped3A : memref<!tpu.dma_semaphore, #tpu.memory_space<semaphore_mem>>) src(%arg6 : memref<128x128xf32, #tpu.memory_space<vmem>>) dst(%dma_wait3A_64 : memref<128x128xf32, #tpu.memory_space<hbm>>)
        tpu.yield
      }) : () -> ()
      %lt3A_39 = arith.constant 38 : i32
      %lt3A_40 = arith.cmpi slt, %scan3A_20, %lt3A_39 : i32
      %convert_element_type3A_41 = arith.extui %lt3A_40 : i1 to i32
      %cond3A_42 = arith.constant 0 : i32
      %cond3A_43 = arith.cmpi ne, %convert_element_type3A_41, %cond3A_42 : i32
      scf.if %cond3A_43 {
        %add3A_57 = arith.constant 2 : i32
        %add3A_58 = arith.addi %mul3A_22, %add3A_57 : i32
        %mul3A_59 = arith.constant 128 : i32
        %mul3A_60 = arith.muli %add3A_58, %mul3A_59 : i32
        %dma_start3A_61 = tpu.memref_slice %arg5[%mul3A_60] : memref<10000xi32, #tpu.memory_space<vmem>> -> memref<128xi32, #tpu.memory_space<vmem>>
        %dma_start3A_62 = arith.constant 0 : i32
        %dma_start3A_63 = arith.constant 0 : i32
        %dma_start3A_64 = tpu.memref_slice %arg8[%dma_start3A_62, %dma_start3A_63] : memref<10000x128xf32, #tpu.memory_space<vmem_shared>> -> memref<10000x128xf32, #tpu.memory_space<vmem_shared>>
        tpu.enqueue_indirect_dma source(%dma_start3A_64 : memref<10000x128xf32, #tpu.memory_space<vmem_shared>>) target(%arg6 : memref<128x128xf32, #tpu.memory_space<vmem>>) offsets(%dma_start3A_61 : memref<128xi32, #tpu.memory_space<vmem>>) semaphore(%arg9 : memref<!tpu.dma_semaphore, #tpu.memory_space<semaphore_mem>>)
      } else {
      }
      %add3A_44 = arith.constant 1 : i32
      %add3A_45 = arith.addi %mul3A_22, %add3A_44 : i32
      %mul3A_46 = arith.constant 128 : i32
      %mul3A_47 = arith.muli %add3A_45, %mul3A_46 : i32
      %dma_wait3A_48 = tpu.memref_slice %arg5[%mul3A_47] : memref<10000xi32, #tpu.memory_space<vmem>> -> memref<128xi32, #tpu.memory_space<vmem>>
      %dma_wait3A_49 = arith.constant 0 : i32
      %dma_wait3A_50 = arith.constant 0 : i32
      %dma_wait3A_51 = tpu.memref_slice %arg8[%dma_wait3A_49, %dma_wait3A_50] : memref<10000x128xf32, #tpu.memory_space<vmem_shared>> -> memref<10000x128xf32, #tpu.memory_space<vmem_shared>>
      tpu.wait_indirect_dma semaphore(%arg10 : memref<!tpu.dma_semaphore, #tpu.memory_space<semaphore_mem>>) src(%dma_wait3A_51 : memref<10000x128xf32, #tpu.memory_space<vmem_shared>>) dst(%arg7 : memref<128x128xf32, #tpu.memory_space<vmem>>)
      %add3A_52 = arith.constant 1 : i32
      %add3A_53 = arith.addi %mul3A_22, %add3A_52 : i32
      %mul3A_54 = arith.constant 128 : i32
      %mul3A_55 = arith.muli %add3A_53, %mul3A_54 : i32
      %add3A_56 = arith.addi %mul3A_2, %mul3A_55 : i32
      "tpu.region"() ({
        %run_scoped3A = tpu.sem_alloc : memref<!tpu.dma_semaphore, #tpu.memory_space<semaphore_mem>>
        %dma_start3A_57 = arith.constant 0 : i32
        %dma_start3A_58 = tpu.memref_slice %arg4[%add3A_56, %dma_start3A_57] : memref<320000x128xf32, #tpu.memory_space<hbm>> -> memref<128x128xf32, #tpu.memory_space<hbm>>
        %dma_start3A_59 = arith.constant 0 : i32
        %dma_start3A_60 = tpu.memref_slice %arg4[%add3A_56, %dma_start3A_59] : memref<320000x128xf32, #tpu.memory_space<hbm>> -> memref<128x128xf32, #tpu.memory_space<hbm>>
        tpu.enqueue_dma source(%arg7 : memref<128x128xf32, #tpu.memory_space<vmem>>) target(%dma_start3A_60 : memref<128x128xf32, #tpu.memory_space<hbm>>) target_semaphore(%run_scoped3A : memref<!tpu.dma_semaphore, #tpu.memory_space<semaphore_mem>>)
        %dma_wait3A_61 = arith.constant 0 : i32
        %dma_wait3A_62 = tpu.memref_slice %arg4[%add3A_56, %dma_wait3A_61] : memref<320000x128xf32, #tpu.memory_space<hbm>> -> memref<128x128xf32, #tpu.memory_space<hbm>>
        %dma_wait3A_63 = arith.constant 0 : i32
        %dma_wait3A_64 = tpu.memref_slice %arg4[%add3A_56, %dma_wait3A_63] : memref<320000x128xf32, #tpu.memory_space<hbm>> -> memref<128x128xf32, #tpu.memory_space<hbm>>
        tpu.wait_dma2 semaphore(%run_scoped3A : memref<!tpu.dma_semaphore, #tpu.memory_space<semaphore_mem>>) src(%arg7 : memref<128x128xf32, #tpu.memory_space<vmem>>) dst(%dma_wait3A_64 : memref<128x128xf32, #tpu.memory_space<hbm>>)
        tpu.yield
      }) : () -> ()
    }
    %scan3A_17 = arith.constant 39 : i32
    "tpu.region"() ({
      %run_scoped3A = tpu.sem_alloc : memref<!tpu.dma_semaphore, #tpu.memory_space<semaphore_mem>>
      %dma_start3A_20 = arith.constant 0 : i32
      %dma_start3A_21 = arith.constant 0 : i32
      %dma_start3A_22 = tpu.memref_slice %arg6[%dma_start3A_20, %dma_start3A_21] : memref<128x128xf32, #tpu.memory_space<vmem>> -> memref<16x128xf32, #tpu.memory_space<vmem>>
      %dma_start3A_23 = arith.constant 9984 : i32
      %dma_start3A_24 = tpu.memref_slice %arg5[%dma_start3A_23] : memref<10000xi32, #tpu.memory_space<vmem>> -> memref<16xi32, #tpu.memory_space<vmem>>
      %dma_start3A_25 = arith.constant 0 : i32
      %dma_start3A_26 = arith.constant 0 : i32
      %dma_start3A_27 = tpu.memref_slice %arg8[%dma_start3A_25, %dma_start3A_26] : memref<10000x128xf32, #tpu.memory_space<vmem_shared>> -> memref<10000x128xf32, #tpu.memory_space<vmem_shared>>
      tpu.enqueue_indirect_dma source(%dma_start3A_27 : memref<10000x128xf32, #tpu.memory_space<vmem_shared>>) target(%dma_start3A_22 : memref<16x128xf32, #tpu.memory_space<vmem>>) offsets(%dma_start3A_24 : memref<16xi32, #tpu.memory_space<vmem>>) semaphore(%run_scoped3A : memref<!tpu.dma_semaphore, #tpu.memory_space<semaphore_mem>>)
      %dma_wait3A = arith.constant 0 : i32
      %dma_wait3A_28 = arith.constant 0 : i32
      %dma_wait3A_29 = tpu.memref_slice %arg6[%dma_wait3A, %dma_wait3A_28] : memref<128x128xf32, #tpu.memory_space<vmem>> -> memref<16x128xf32, #tpu.memory_space<vmem>>
      %dma_wait3A_30 = arith.constant 9984 : i32
      %dma_wait3A_31 = tpu.memref_slice %arg5[%dma_wait3A_30] : memref<10000xi32, #tpu.memory_space<vmem>> -> memref<16xi32, #tpu.memory_space<vmem>>
      %dma_wait3A_32 = arith.constant 0 : i32
      %dma_wait3A_33 = arith.constant 0 : i32
      %dma_wait3A_34 = tpu.memref_slice %arg8[%dma_wait3A_32, %dma_wait3A_33] : memref<10000x128xf32, #tpu.memory_space<vmem_shared>> -> memref<10000x128xf32, #tpu.memory_space<vmem_shared>>
      tpu.wait_indirect_dma semaphore(%run_scoped3A : memref<!tpu.dma_semaphore, #tpu.memory_space<semaphore_mem>>) src(%dma_wait3A_34 : memref<10000x128xf32, #tpu.memory_space<vmem_shared>>) dst(%dma_wait3A_29 : memref<16x128xf32, #tpu.memory_space<vmem>>)
      tpu.yield
    }) : () -> ()
    %add3A_18 = arith.constant 9984 : i32
    %add3A_19 = arith.addi %mul3A_2, %add3A_18 : i32
    "tpu.region"() ({
      %run_scoped3A = tpu.sem_alloc : memref<!tpu.dma_semaphore, #tpu.memory_space<semaphore_mem>>
      %dma_start3A_20 = arith.constant 0 : i32
      %dma_start3A_21 = arith.constant 0 : i32
      %dma_start3A_22 = tpu.memref_slice %arg6[%dma_start3A_20, %dma_start3A_21] : memref<128x128xf32, #tpu.memory_space<vmem>> -> memref<16x128xf32, #tpu.memory_space<vmem>>
      %dma_start3A_23 = arith.constant 0 : i32
      %dma_start3A_24 = tpu.memref_slice %arg4[%add3A_19, %dma_start3A_23] : memref<320000x128xf32, #tpu.memory_space<hbm>> -> memref<16x128xf32, #tpu.memory_space<hbm>>
      %dma_start3A_25 = arith.constant 0 : i32
      %dma_start3A_26 = tpu.memref_slice %arg4[%add3A_19, %dma_start3A_25] : memref<320000x128xf32, #tpu.memory_space<hbm>> -> memref<16x128xf32, #tpu.memory_space<hbm>>
      %dma_start3A_27 = arith.constant 0 : i32
      %dma_start3A_28 = arith.constant 0 : i32
      %dma_start3A_29 = tpu.memref_slice %arg6[%dma_start3A_27, %dma_start3A_28] : memref<128x128xf32, #tpu.memory_space<vmem>> -> memref<16x128xf32, #tpu.memory_space<vmem>>
      tpu.enqueue_dma source(%dma_start3A_29 : memref<16x128xf32, #tpu.memory_space<vmem>>) target(%dma_start3A_26 : memref<16x128xf32, #tpu.memory_space<hbm>>) target_semaphore(%run_scoped3A : memref<!tpu.dma_semaphore, #tpu.memory_space<semaphore_mem>>)
      %dma_wait3A = arith.constant 0 : i32
      %dma_wait3A_30 = arith.constant 0 : i32
      %dma_wait3A_31 = tpu.memref_slice %arg6[%dma_wait3A, %dma_wait3A_30] : memref<128x128xf32, #tpu.memory_space<vmem>> -> memref<16x128xf32, #tpu.memory_space<vmem>>
      %dma_wait3A_32 = arith.constant 0 : i32
      %dma_wait3A_33 = tpu.memref_slice %arg4[%add3A_19, %dma_wait3A_32] : memref<320000x128xf32, #tpu.memory_space<hbm>> -> memref<16x128xf32, #tpu.memory_space<hbm>>
      %dma_wait3A_34 = arith.constant 0 : i32
      %dma_wait3A_35 = tpu.memref_slice %arg4[%add3A_19, %dma_wait3A_34] : memref<320000x128xf32, #tpu.memory_space<hbm>> -> memref<16x128xf32, #tpu.memory_space<hbm>>
      %dma_wait3A_36 = arith.constant 0 : i32
      %dma_wait3A_37 = arith.constant 0 : i32
      %dma_wait3A_38 = tpu.memref_slice %arg6[%dma_wait3A_36, %dma_wait3A_37] : memref<128x128xf32, #tpu.memory_space<vmem>> -> memref<16x128xf32, #tpu.memory_space<vmem>>
      tpu.wait_dma2 semaphore(%run_scoped3A : memref<!tpu.dma_semaphore, #tpu.memory_space<semaphore_mem>>) src(%dma_wait3A_38 : memref<16x128xf32, #tpu.memory_space<vmem>>) dst(%dma_wait3A_35 : memref<16x128xf32, #tpu.memory_space<hbm>>)
      tpu.yield
    }) : () -> ()
    return
  }
}

#map = affine_map<(d0, d1) -> (0, 0)>
#map1 = affine_map<(d0, d1) -> (0)>
module attributes {stable_mosaic.version = 14 : i64} {
  func.func @scatter_k(%arg0: i32, %arg1: i32, %arg2: memref<160000x128xf32, #tpu.memory_space<hbm>>, %arg3: memref<160000x128xf32, #tpu.memory_space<hbm>>, %arg4: memref<160000xi32, #tpu.memory_space<hbm>>, %arg5: memref<10000x128xf32, #tpu.memory_space<hbm>>, %arg6: memref<10000x128xf32, #tpu.memory_space<hbm>>, %arg7: memref<10000x128xf32, #tpu.memory_space<hbm>>, %arg8: memref<10000x128xf32, #tpu.memory_space<hbm>>, %arg9: memref<128xi32, #tpu.memory_space<vmem>>, %arg10: memref<128xi32, #tpu.memory_space<vmem>>, %arg11: memref<128x128xf32, #tpu.memory_space<vmem>>, %arg12: memref<128x128xf32, #tpu.memory_space<vmem>>, %arg13: memref<16xi32, #tpu.memory_space<vmem>>, %arg14: memref<16x128xf32, #tpu.memory_space<vmem>>, %arg15: memref<10000x128xf32, #tpu.memory_space<vmem_shared>>, %arg16: memref<!tpu.dma_semaphore, #tpu.memory_space<semaphore_mem>>, %arg17: memref<!tpu.dma_semaphore, #tpu.memory_space<semaphore_mem>>) attributes {dimension_semantics = [#tpu.dimension_semantics<core_parallel>, #tpu.dimension_semantics<subcore_parallel>], iteration_bounds = array<i64: 2, 16>, scalar_prefetch = 0 : i64, scratch_operands = 9 : i64, tpu.core_type = #tpu.core_type<sc_vector_subcore>, window_params = [{transform_indices = #map}, {transform_indices = #map}, {transform_indices = #map1}, {transform_indices = #map}, {transform_indices = #map}, {transform_indices = #map}, {transform_indices = #map}]} {
    %eq3A = arith.constant 0 : i32
    %eq3A_0 = arith.cmpi eq, %arg0, %eq3A : i32
    %convert_element_type3A = arith.extui %eq3A_0 : i1 to i32
    %cond3A = arith.constant 0 : i32
    %cond3A_1 = arith.cmpi ne, %convert_element_type3A, %cond3A : i32
    scf.if %cond3A_1 {
      %lt3A = arith.constant 15 : i32
      %lt3A_29 = arith.cmpi slt, %arg1, %lt3A : i32
      %convert_element_type3A_30 = arith.extui %lt3A_29 : i1 to i32
      %cond3A_31 = arith.constant 0 : i32
      %cond3A_32 = arith.cmpi ne, %convert_element_type3A_30, %cond3A_31 : i32
      scf.if %cond3A_32 {
        %mul3A_38 = arith.constant 624 : i32
        %mul3A_39 = arith.muli %arg1, %mul3A_38 : i32
        "tpu.region"() ({
          %run_scoped3A = tpu.sem_alloc : memref<!tpu.dma_semaphore, #tpu.memory_space<semaphore_mem>>
          %dma_start3A = arith.constant 0 : i32
          %dma_start3A_40 = tpu.memref_slice %arg15[%mul3A_39, %dma_start3A] : memref<10000x128xf32, #tpu.memory_space<vmem_shared>> -> memref<624x128xf32, #tpu.memory_space<vmem_shared>>
          %dma_start3A_41 = arith.constant 0 : i32
          %dma_start3A_42 = tpu.memref_slice %arg5[%mul3A_39, %dma_start3A_41] : memref<10000x128xf32, #tpu.memory_space<hbm>> -> memref<624x128xf32, #tpu.memory_space<hbm>>
          tpu.enqueue_dma source(%dma_start3A_42 : memref<624x128xf32, #tpu.memory_space<hbm>>) target(%dma_start3A_40 : memref<624x128xf32, #tpu.memory_space<vmem_shared>>) target_semaphore(%run_scoped3A : memref<!tpu.dma_semaphore, #tpu.memory_space<semaphore_mem>>)
          %dma_wait3A = arith.constant 0 : i32
          %dma_wait3A_43 = tpu.memref_slice %arg15[%mul3A_39, %dma_wait3A] : memref<10000x128xf32, #tpu.memory_space<vmem_shared>> -> memref<624x128xf32, #tpu.memory_space<vmem_shared>>
          %dma_wait3A_44 = arith.constant 0 : i32
          %dma_wait3A_45 = tpu.memref_slice %arg5[%mul3A_39, %dma_wait3A_44] : memref<10000x128xf32, #tpu.memory_space<hbm>> -> memref<624x128xf32, #tpu.memory_space<hbm>>
          tpu.wait_dma2 semaphore(%run_scoped3A : memref<!tpu.dma_semaphore, #tpu.memory_space<semaphore_mem>>) src(%dma_wait3A_45 : memref<624x128xf32, #tpu.memory_space<hbm>>) dst(%dma_wait3A_43 : memref<624x128xf32, #tpu.memory_space<vmem_shared>>)
          tpu.yield
        }) : () -> ()
      } else {
      }
      %eq3A_33 = arith.constant 15 : i32
      %eq3A_34 = arith.cmpi eq, %arg1, %eq3A_33 : i32
      %convert_element_type3A_35 = arith.extui %eq3A_34 : i1 to i32
      %cond3A_36 = arith.constant 0 : i32
      %cond3A_37 = arith.cmpi ne, %convert_element_type3A_35, %cond3A_36 : i32
      scf.if %cond3A_37 {
        "tpu.region"() ({
          %run_scoped3A = tpu.sem_alloc : memref<!tpu.dma_semaphore, #tpu.memory_space<semaphore_mem>>
          %dma_start3A = arith.constant 9360 : i32
          %dma_start3A_38 = arith.constant 0 : i32
          %dma_start3A_39 = tpu.memref_slice %arg15[%dma_start3A, %dma_start3A_38] : memref<10000x128xf32, #tpu.memory_space<vmem_shared>> -> memref<640x128xf32, #tpu.memory_space<vmem_shared>>
          %dma_start3A_40 = arith.constant 9360 : i32
          %dma_start3A_41 = arith.constant 0 : i32
          %dma_start3A_42 = tpu.memref_slice %arg5[%dma_start3A_40, %dma_start3A_41] : memref<10000x128xf32, #tpu.memory_space<hbm>> -> memref<640x128xf32, #tpu.memory_space<hbm>>
          tpu.enqueue_dma source(%dma_start3A_42 : memref<640x128xf32, #tpu.memory_space<hbm>>) target(%dma_start3A_39 : memref<640x128xf32, #tpu.memory_space<vmem_shared>>) target_semaphore(%run_scoped3A : memref<!tpu.dma_semaphore, #tpu.memory_space<semaphore_mem>>)
          %dma_wait3A = arith.constant 9360 : i32
          %dma_wait3A_43 = arith.constant 0 : i32
          %dma_wait3A_44 = tpu.memref_slice %arg15[%dma_wait3A, %dma_wait3A_43] : memref<10000x128xf32, #tpu.memory_space<vmem_shared>> -> memref<640x128xf32, #tpu.memory_space<vmem_shared>>
          %dma_wait3A_45 = arith.constant 9360 : i32
          %dma_wait3A_46 = arith.constant 0 : i32
          %dma_wait3A_47 = tpu.memref_slice %arg5[%dma_wait3A_45, %dma_wait3A_46] : memref<10000x128xf32, #tpu.memory_space<hbm>> -> memref<640x128xf32, #tpu.memory_space<hbm>>
          tpu.wait_dma2 semaphore(%run_scoped3A : memref<!tpu.dma_semaphore, #tpu.memory_space<semaphore_mem>>) src(%dma_wait3A_47 : memref<640x128xf32, #tpu.memory_space<hbm>>) dst(%dma_wait3A_44 : memref<640x128xf32, #tpu.memory_space<vmem_shared>>)
          tpu.yield
        }) : () -> ()
      } else {
      }
    } else {
    }
    %eq3A_2 = arith.constant 1 : i32
    %eq3A_3 = arith.cmpi eq, %arg0, %eq3A_2 : i32
    %convert_element_type3A_4 = arith.extui %eq3A_3 : i1 to i32
    %cond3A_5 = arith.constant 0 : i32
    %cond3A_6 = arith.cmpi ne, %convert_element_type3A_4, %cond3A_5 : i32
    scf.if %cond3A_6 {
      %lt3A = arith.constant 15 : i32
      %lt3A_29 = arith.cmpi slt, %arg1, %lt3A : i32
      %convert_element_type3A_30 = arith.extui %lt3A_29 : i1 to i32
      %cond3A_31 = arith.constant 0 : i32
      %cond3A_32 = arith.cmpi ne, %convert_element_type3A_30, %cond3A_31 : i32
      scf.if %cond3A_32 {
        %mul3A_38 = arith.constant 624 : i32
        %mul3A_39 = arith.muli %arg1, %mul3A_38 : i32
        "tpu.region"() ({
          %run_scoped3A = tpu.sem_alloc : memref<!tpu.dma_semaphore, #tpu.memory_space<semaphore_mem>>
          %dma_start3A = arith.constant 0 : i32
          %dma_start3A_40 = tpu.memref_slice %arg15[%mul3A_39, %dma_start3A] : memref<10000x128xf32, #tpu.memory_space<vmem_shared>> -> memref<624x128xf32, #tpu.memory_space<vmem_shared>>
          %dma_start3A_41 = arith.constant 0 : i32
          %dma_start3A_42 = tpu.memref_slice %arg6[%mul3A_39, %dma_start3A_41] : memref<10000x128xf32, #tpu.memory_space<hbm>> -> memref<624x128xf32, #tpu.memory_space<hbm>>
          tpu.enqueue_dma source(%dma_start3A_42 : memref<624x128xf32, #tpu.memory_space<hbm>>) target(%dma_start3A_40 : memref<624x128xf32, #tpu.memory_space<vmem_shared>>) target_semaphore(%run_scoped3A : memref<!tpu.dma_semaphore, #tpu.memory_space<semaphore_mem>>)
          %dma_wait3A = arith.constant 0 : i32
          %dma_wait3A_43 = tpu.memref_slice %arg15[%mul3A_39, %dma_wait3A] : memref<10000x128xf32, #tpu.memory_space<vmem_shared>> -> memref<624x128xf32, #tpu.memory_space<vmem_shared>>
          %dma_wait3A_44 = arith.constant 0 : i32
          %dma_wait3A_45 = tpu.memref_slice %arg6[%mul3A_39, %dma_wait3A_44] : memref<10000x128xf32, #tpu.memory_space<hbm>> -> memref<624x128xf32, #tpu.memory_space<hbm>>
          tpu.wait_dma2 semaphore(%run_scoped3A : memref<!tpu.dma_semaphore, #tpu.memory_space<semaphore_mem>>) src(%dma_wait3A_45 : memref<624x128xf32, #tpu.memory_space<hbm>>) dst(%dma_wait3A_43 : memref<624x128xf32, #tpu.memory_space<vmem_shared>>)
          tpu.yield
        }) : () -> ()
      } else {
      }
      %eq3A_33 = arith.constant 15 : i32
      %eq3A_34 = arith.cmpi eq, %arg1, %eq3A_33 : i32
      %convert_element_type3A_35 = arith.extui %eq3A_34 : i1 to i32
      %cond3A_36 = arith.constant 0 : i32
      %cond3A_37 = arith.cmpi ne, %convert_element_type3A_35, %cond3A_36 : i32
      scf.if %cond3A_37 {
        "tpu.region"() ({
          %run_scoped3A = tpu.sem_alloc : memref<!tpu.dma_semaphore, #tpu.memory_space<semaphore_mem>>
          %dma_start3A = arith.constant 9360 : i32
          %dma_start3A_38 = arith.constant 0 : i32
          %dma_start3A_39 = tpu.memref_slice %arg15[%dma_start3A, %dma_start3A_38] : memref<10000x128xf32, #tpu.memory_space<vmem_shared>> -> memref<640x128xf32, #tpu.memory_space<vmem_shared>>
          %dma_start3A_40 = arith.constant 9360 : i32
          %dma_start3A_41 = arith.constant 0 : i32
          %dma_start3A_42 = tpu.memref_slice %arg6[%dma_start3A_40, %dma_start3A_41] : memref<10000x128xf32, #tpu.memory_space<hbm>> -> memref<640x128xf32, #tpu.memory_space<hbm>>
          tpu.enqueue_dma source(%dma_start3A_42 : memref<640x128xf32, #tpu.memory_space<hbm>>) target(%dma_start3A_39 : memref<640x128xf32, #tpu.memory_space<vmem_shared>>) target_semaphore(%run_scoped3A : memref<!tpu.dma_semaphore, #tpu.memory_space<semaphore_mem>>)
          %dma_wait3A = arith.constant 9360 : i32
          %dma_wait3A_43 = arith.constant 0 : i32
          %dma_wait3A_44 = tpu.memref_slice %arg15[%dma_wait3A, %dma_wait3A_43] : memref<10000x128xf32, #tpu.memory_space<vmem_shared>> -> memref<640x128xf32, #tpu.memory_space<vmem_shared>>
          %dma_wait3A_45 = arith.constant 9360 : i32
          %dma_wait3A_46 = arith.constant 0 : i32
          %dma_wait3A_47 = tpu.memref_slice %arg6[%dma_wait3A_45, %dma_wait3A_46] : memref<10000x128xf32, #tpu.memory_space<hbm>> -> memref<640x128xf32, #tpu.memory_space<hbm>>
          tpu.wait_dma2 semaphore(%run_scoped3A : memref<!tpu.dma_semaphore, #tpu.memory_space<semaphore_mem>>) src(%dma_wait3A_47 : memref<640x128xf32, #tpu.memory_space<hbm>>) dst(%dma_wait3A_44 : memref<640x128xf32, #tpu.memory_space<vmem_shared>>)
          tpu.yield
        }) : () -> ()
      } else {
      }
    } else {
    }
    %mul3A = arith.constant 10000 : i32
    %mul3A_7 = arith.muli %arg1, %mul3A : i32
    %barrier3A = arith.constant 0 : index
    tpu.barrier barrier_id(%barrier3A)
    %eq3A_8 = arith.constant 0 : i32
    %eq3A_9 = arith.cmpi eq, %arg0, %eq3A_8 : i32
    %convert_element_type3A_10 = arith.extui %eq3A_9 : i1 to i32
    %cond3A_11 = arith.constant 0 : i32
    %cond3A_12 = arith.cmpi ne, %convert_element_type3A_10, %cond3A_11 : i32
    scf.if %cond3A_12 {
      %add3A = arith.constant 0 : i32
      %add3A_29 = arith.addi %mul3A_7, %add3A : i32
      %dma_start3A = arith.constant 0 : i32
      %dma_start3A_30 = tpu.memref_slice %arg2[%add3A_29, %dma_start3A] : memref<160000x128xf32, #tpu.memory_space<hbm>> -> memref<128x128xf32, #tpu.memory_space<hbm>>
      %dma_start3A_31 = arith.constant 0 : i32
      %dma_start3A_32 = tpu.memref_slice %arg2[%add3A_29, %dma_start3A_31] : memref<160000x128xf32, #tpu.memory_space<hbm>> -> memref<128x128xf32, #tpu.memory_space<hbm>>
      tpu.enqueue_dma source(%dma_start3A_32 : memref<128x128xf32, #tpu.memory_space<hbm>>) target(%arg11 : memref<128x128xf32, #tpu.memory_space<vmem>>) target_semaphore(%arg16 : memref<!tpu.dma_semaphore, #tpu.memory_space<semaphore_mem>>)
      %add3A_33 = arith.constant 0 : i32
      %add3A_34 = arith.addi %mul3A_7, %add3A_33 : i32
      %dma_start3A_35 = tpu.memref_slice %arg4[%add3A_34] : memref<160000xi32, #tpu.memory_space<hbm>> -> memref<128xi32, #tpu.memory_space<hbm>>
      %dma_start3A_36 = tpu.memref_slice %arg4[%add3A_34] : memref<160000xi32, #tpu.memory_space<hbm>> -> memref<128xi32, #tpu.memory_space<hbm>>
      tpu.enqueue_dma source(%dma_start3A_36 : memref<128xi32, #tpu.memory_space<hbm>>) target(%arg9 : memref<128xi32, #tpu.memory_space<vmem>>) target_semaphore(%arg16 : memref<!tpu.dma_semaphore, #tpu.memory_space<semaphore_mem>>)
      %scan3A = arith.constant 0 : i32
      %scan3A_37 = arith.constant 0 : i32
      %scan3A_38 = arith.constant 39 : i32
      %scan3A_39 = arith.addi %scan3A_37, %scan3A_38 : i32
      %scan3A_40 = arith.constant 1 : i32
      scf.for %scan3A_44 = %scan3A_37 to %scan3A_39 step %scan3A_40  : i32 {
        %mul3A_45 = arith.constant 2 : i32
        %mul3A_46 = arith.muli %mul3A_45, %scan3A_44 : i32
        %add3A_47 = arith.constant 1 : i32
        %add3A_48 = arith.addi %mul3A_46, %add3A_47 : i32
        %mul3A_49 = arith.constant 128 : i32
        %mul3A_50 = arith.muli %add3A_48, %mul3A_49 : i32
        %add3A_51 = arith.addi %mul3A_7, %mul3A_50 : i32
        %dma_start3A_52 = arith.constant 0 : i32
        %dma_start3A_53 = tpu.memref_slice %arg2[%add3A_51, %dma_start3A_52] : memref<160000x128xf32, #tpu.memory_space<hbm>> -> memref<128x128xf32, #tpu.memory_space<hbm>>
        %dma_start3A_54 = arith.constant 0 : i32
        %dma_start3A_55 = tpu.memref_slice %arg2[%add3A_51, %dma_start3A_54] : memref<160000x128xf32, #tpu.memory_space<hbm>> -> memref<128x128xf32, #tpu.memory_space<hbm>>
        tpu.enqueue_dma source(%dma_start3A_55 : memref<128x128xf32, #tpu.memory_space<hbm>>) target(%arg12 : memref<128x128xf32, #tpu.memory_space<vmem>>) target_semaphore(%arg17 : memref<!tpu.dma_semaphore, #tpu.memory_space<semaphore_mem>>)
        %mul3A_56 = arith.constant 128 : i32
        %mul3A_57 = arith.muli %add3A_48, %mul3A_56 : i32
        %add3A_58 = arith.addi %mul3A_7, %mul3A_57 : i32
        %dma_start3A_59 = tpu.memref_slice %arg4[%add3A_58] : memref<160000xi32, #tpu.memory_space<hbm>> -> memref<128xi32, #tpu.memory_space<hbm>>
        %dma_start3A_60 = tpu.memref_slice %arg4[%add3A_58] : memref<160000xi32, #tpu.memory_space<hbm>> -> memref<128xi32, #tpu.memory_space<hbm>>
        tpu.enqueue_dma source(%dma_start3A_60 : memref<128xi32, #tpu.memory_space<hbm>>) target(%arg10 : memref<128xi32, #tpu.memory_space<vmem>>) target_semaphore(%arg17 : memref<!tpu.dma_semaphore, #tpu.memory_space<semaphore_mem>>)
        %mul3A_61 = arith.constant 128 : i32
        %mul3A_62 = arith.muli %mul3A_46, %mul3A_61 : i32
        %add3A_63 = arith.addi %mul3A_7, %mul3A_62 : i32
        %dma_wait3A = arith.constant 0 : i32
        %dma_wait3A_64 = tpu.memref_slice %arg2[%add3A_63, %dma_wait3A] : memref<160000x128xf32, #tpu.memory_space<hbm>> -> memref<128x128xf32, #tpu.memory_space<hbm>>
        %dma_wait3A_65 = arith.constant 0 : i32
        %dma_wait3A_66 = tpu.memref_slice %arg2[%add3A_63, %dma_wait3A_65] : memref<160000x128xf32, #tpu.memory_space<hbm>> -> memref<128x128xf32, #tpu.memory_space<hbm>>
        tpu.wait_dma2 semaphore(%arg16 : memref<!tpu.dma_semaphore, #tpu.memory_space<semaphore_mem>>) src(%dma_wait3A_66 : memref<128x128xf32, #tpu.memory_space<hbm>>) dst(%arg11 : memref<128x128xf32, #tpu.memory_space<vmem>>)
        %mul3A_67 = arith.constant 128 : i32
        %mul3A_68 = arith.muli %mul3A_46, %mul3A_67 : i32
        %add3A_69 = arith.addi %mul3A_7, %mul3A_68 : i32
        %dma_wait3A_70 = tpu.memref_slice %arg4[%add3A_69] : memref<160000xi32, #tpu.memory_space<hbm>> -> memref<128xi32, #tpu.memory_space<hbm>>
        %dma_wait3A_71 = tpu.memref_slice %arg4[%add3A_69] : memref<160000xi32, #tpu.memory_space<hbm>> -> memref<128xi32, #tpu.memory_space<hbm>>
        tpu.wait_dma2 semaphore(%arg16 : memref<!tpu.dma_semaphore, #tpu.memory_space<semaphore_mem>>) src(%dma_wait3A_71 : memref<128xi32, #tpu.memory_space<hbm>>) dst(%arg9 : memref<128xi32, #tpu.memory_space<vmem>>)
        "tpu.region"() ({
          %run_scoped3A = tpu.sem_alloc : memref<!tpu.dma_semaphore, #tpu.memory_space<semaphore_mem>>
          %dma_start3A_90 = arith.constant 0 : i32
          %dma_start3A_91 = arith.constant 0 : i32
          %dma_start3A_92 = tpu.memref_slice %arg15[%dma_start3A_90, %dma_start3A_91] : memref<10000x128xf32, #tpu.memory_space<vmem_shared>> -> memref<10000x128xf32, #tpu.memory_space<vmem_shared>>
          tpu.enqueue_indirect_dma source(%arg11 : memref<128x128xf32, #tpu.memory_space<vmem>>) target(%dma_start3A_92 : memref<10000x128xf32, #tpu.memory_space<vmem_shared>>) offsets(%arg9 : memref<128xi32, #tpu.memory_space<vmem>>) semaphore(%run_scoped3A : memref<!tpu.dma_semaphore, #tpu.memory_space<semaphore_mem>>) {add = true}
          %dma_wait3A_93 = arith.constant 0 : i32
          %dma_wait3A_94 = arith.constant 0 : i32
          %dma_wait3A_95 = tpu.memref_slice %arg15[%dma_wait3A_93, %dma_wait3A_94] : memref<10000x128xf32, #tpu.memory_space<vmem_shared>> -> memref<10000x128xf32, #tpu.memory_space<vmem_shared>>
          tpu.wait_indirect_dma semaphore(%run_scoped3A : memref<!tpu.dma_semaphore, #tpu.memory_space<semaphore_mem>>) src(%arg11 : memref<128x128xf32, #tpu.memory_space<vmem>>) dst(%dma_wait3A_95 : memref<10000x128xf32, #tpu.memory_space<vmem_shared>>)
          tpu.yield
        }) : () -> ()
        %lt3A = arith.constant 38 : i32
        %lt3A_72 = arith.cmpi slt, %scan3A_44, %lt3A : i32
        %convert_element_type3A_73 = arith.extui %lt3A_72 : i1 to i32
        %cond3A_74 = arith.constant 0 : i32
        %cond3A_75 = arith.cmpi ne, %convert_element_type3A_73, %cond3A_74 : i32
        scf.if %cond3A_75 {
          %add3A_90 = arith.constant 2 : i32
          %add3A_91 = arith.addi %mul3A_46, %add3A_90 : i32
          %mul3A_92 = arith.constant 128 : i32
          %mul3A_93 = arith.muli %add3A_91, %mul3A_92 : i32
          %add3A_94 = arith.addi %mul3A_7, %mul3A_93 : i32
          %dma_start3A_95 = arith.constant 0 : i32
          %dma_start3A_96 = tpu.memref_slice %arg2[%add3A_94, %dma_start3A_95] : memref<160000x128xf32, #tpu.memory_space<hbm>> -> memref<128x128xf32, #tpu.memory_space<hbm>>
          %dma_start3A_97 = arith.constant 0 : i32
          %dma_start3A_98 = tpu.memref_slice %arg2[%add3A_94, %dma_start3A_97] : memref<160000x128xf32, #tpu.memory_space<hbm>> -> memref<128x128xf32, #tpu.memory_space<hbm>>
          tpu.enqueue_dma source(%dma_start3A_98 : memref<128x128xf32, #tpu.memory_space<hbm>>) target(%arg11 : memref<128x128xf32, #tpu.memory_space<vmem>>) target_semaphore(%arg16 : memref<!tpu.dma_semaphore, #tpu.memory_space<semaphore_mem>>)
          %mul3A_99 = arith.constant 128 : i32
          %mul3A_100 = arith.muli %add3A_91, %mul3A_99 : i32
          %add3A_101 = arith.addi %mul3A_7, %mul3A_100 : i32
          %dma_start3A_102 = tpu.memref_slice %arg4[%add3A_101] : memref<160000xi32, #tpu.memory_space<hbm>> -> memref<128xi32, #tpu.memory_space<hbm>>
          %dma_start3A_103 = tpu.memref_slice %arg4[%add3A_101] : memref<160000xi32, #tpu.memory_space<hbm>> -> memref<128xi32, #tpu.memory_space<hbm>>
          tpu.enqueue_dma source(%dma_start3A_103 : memref<128xi32, #tpu.memory_space<hbm>>) target(%arg9 : memref<128xi32, #tpu.memory_space<vmem>>) target_semaphore(%arg16 : memref<!tpu.dma_semaphore, #tpu.memory_space<semaphore_mem>>)
        } else {
        }
        %add3A_76 = arith.constant 1 : i32
        %add3A_77 = arith.addi %mul3A_46, %add3A_76 : i32
        %mul3A_78 = arith.constant 128 : i32
        %mul3A_79 = arith.muli %add3A_77, %mul3A_78 : i32
        %add3A_80 = arith.addi %mul3A_7, %mul3A_79 : i32
        %dma_wait3A_81 = arith.constant 0 : i32
        %dma_wait3A_82 = tpu.memref_slice %arg2[%add3A_80, %dma_wait3A_81] : memref<160000x128xf32, #tpu.memory_space<hbm>> -> memref<128x128xf32, #tpu.memory_space<hbm>>
        %dma_wait3A_83 = arith.constant 0 : i32
        %dma_wait3A_84 = tpu.memref_slice %arg2[%add3A_80, %dma_wait3A_83] : memref<160000x128xf32, #tpu.memory_space<hbm>> -> memref<128x128xf32, #tpu.memory_space<hbm>>
        tpu.wait_dma2 semaphore(%arg17 : memref<!tpu.dma_semaphore, #tpu.memory_space<semaphore_mem>>) src(%dma_wait3A_84 : memref<128x128xf32, #tpu.memory_space<hbm>>) dst(%arg12 : memref<128x128xf32, #tpu.memory_space<vmem>>)
        %mul3A_85 = arith.constant 128 : i32
        %mul3A_86 = arith.muli %add3A_77, %mul3A_85 : i32
        %add3A_87 = arith.addi %mul3A_7, %mul3A_86 : i32
        %dma_wait3A_88 = tpu.memref_slice %arg4[%add3A_87] : memref<160000xi32, #tpu.memory_space<hbm>> -> memref<128xi32, #tpu.memory_space<hbm>>
        %dma_wait3A_89 = tpu.memref_slice %arg4[%add3A_87] : memref<160000xi32, #tpu.memory_space<hbm>> -> memref<128xi32, #tpu.memory_space<hbm>>
        tpu.wait_dma2 semaphore(%arg17 : memref<!tpu.dma_semaphore, #tpu.memory_space<semaphore_mem>>) src(%dma_wait3A_89 : memref<128xi32, #tpu.memory_space<hbm>>) dst(%arg10 : memref<128xi32, #tpu.memory_space<vmem>>)
        "tpu.region"() ({
          %run_scoped3A = tpu.sem_alloc : memref<!tpu.dma_semaphore, #tpu.memory_space<semaphore_mem>>
          %dma_start3A_90 = arith.constant 0 : i32
          %dma_start3A_91 = arith.constant 0 : i32
          %dma_start3A_92 = tpu.memref_slice %arg15[%dma_start3A_90, %dma_start3A_91] : memref<10000x128xf32, #tpu.memory_space<vmem_shared>> -> memref<10000x128xf32, #tpu.memory_space<vmem_shared>>
          tpu.enqueue_indirect_dma source(%arg12 : memref<128x128xf32, #tpu.memory_space<vmem>>) target(%dma_start3A_92 : memref<10000x128xf32, #tpu.memory_space<vmem_shared>>) offsets(%arg10 : memref<128xi32, #tpu.memory_space<vmem>>) semaphore(%run_scoped3A : memref<!tpu.dma_semaphore, #tpu.memory_space<semaphore_mem>>) {add = true}
          %dma_wait3A_93 = arith.constant 0 : i32
          %dma_wait3A_94 = arith.constant 0 : i32
          %dma_wait3A_95 = tpu.memref_slice %arg15[%dma_wait3A_93, %dma_wait3A_94] : memref<10000x128xf32, #tpu.memory_space<vmem_shared>> -> memref<10000x128xf32, #tpu.memory_space<vmem_shared>>
          tpu.wait_indirect_dma semaphore(%run_scoped3A : memref<!tpu.dma_semaphore, #tpu.memory_space<semaphore_mem>>) src(%arg12 : memref<128x128xf32, #tpu.memory_space<vmem>>) dst(%dma_wait3A_95 : memref<10000x128xf32, #tpu.memory_space<vmem_shared>>)
          tpu.yield
        }) : () -> ()
      }
      %scan3A_41 = arith.constant 39 : i32
      %add3A_42 = arith.constant 9984 : i32
      %add3A_43 = arith.addi %mul3A_7, %add3A_42 : i32
      "tpu.region"() ({
        %run_scoped3A = tpu.sem_alloc : memref<!tpu.dma_semaphore, #tpu.memory_space<semaphore_mem>>
        %dma_start3A_44 = arith.constant 0 : i32
        %dma_start3A_45 = tpu.memref_slice %arg2[%add3A_43, %dma_start3A_44] : memref<160000x128xf32, #tpu.memory_space<hbm>> -> memref<16x128xf32, #tpu.memory_space<hbm>>
        %dma_start3A_46 = arith.constant 0 : i32
        %dma_start3A_47 = tpu.memref_slice %arg2[%add3A_43, %dma_start3A_46] : memref<160000x128xf32, #tpu.memory_space<hbm>> -> memref<16x128xf32, #tpu.memory_space<hbm>>
        tpu.enqueue_dma source(%dma_start3A_47 : memref<16x128xf32, #tpu.memory_space<hbm>>) target(%arg14 : memref<16x128xf32, #tpu.memory_space<vmem>>) target_semaphore(%run_scoped3A : memref<!tpu.dma_semaphore, #tpu.memory_space<semaphore_mem>>)
        %dma_wait3A = arith.constant 0 : i32
        %dma_wait3A_48 = tpu.memref_slice %arg2[%add3A_43, %dma_wait3A] : memref<160000x128xf32, #tpu.memory_space<hbm>> -> memref<16x128xf32, #tpu.memory_space<hbm>>
        %dma_wait3A_49 = arith.constant 0 : i32
        %dma_wait3A_50 = tpu.memref_slice %arg2[%add3A_43, %dma_wait3A_49] : memref<160000x128xf32, #tpu.memory_space<hbm>> -> memref<16x128xf32, #tpu.memory_space<hbm>>
        tpu.wait_dma2 semaphore(%run_scoped3A : memref<!tpu.dma_semaphore, #tpu.memory_space<semaphore_mem>>) src(%dma_wait3A_50 : memref<16x128xf32, #tpu.memory_space<hbm>>) dst(%arg14 : memref<16x128xf32, #tpu.memory_space<vmem>>)
        tpu.yield
      }) : () -> ()
      "tpu.region"() ({
        %run_scoped3A = tpu.sem_alloc : memref<!tpu.dma_semaphore, #tpu.memory_space<semaphore_mem>>
        %dma_start3A_44 = tpu.memref_slice %arg4[%add3A_43] : memref<160000xi32, #tpu.memory_space<hbm>> -> memref<16xi32, #tpu.memory_space<hbm>>
        %dma_start3A_45 = tpu.memref_slice %arg4[%add3A_43] : memref<160000xi32, #tpu.memory_space<hbm>> -> memref<16xi32, #tpu.memory_space<hbm>>
        tpu.enqueue_dma source(%dma_start3A_45 : memref<16xi32, #tpu.memory_space<hbm>>) target(%arg13 : memref<16xi32, #tpu.memory_space<vmem>>) target_semaphore(%run_scoped3A : memref<!tpu.dma_semaphore, #tpu.memory_space<semaphore_mem>>)
        %dma_wait3A = tpu.memref_slice %arg4[%add3A_43] : memref<160000xi32, #tpu.memory_space<hbm>> -> memref<16xi32, #tpu.memory_space<hbm>>
        %dma_wait3A_46 = tpu.memref_slice %arg4[%add3A_43] : memref<160000xi32, #tpu.memory_space<hbm>> -> memref<16xi32, #tpu.memory_space<hbm>>
        tpu.wait_dma2 semaphore(%run_scoped3A : memref<!tpu.dma_semaphore, #tpu.memory_space<semaphore_mem>>) src(%dma_wait3A_46 : memref<16xi32, #tpu.memory_space<hbm>>) dst(%arg13 : memref<16xi32, #tpu.memory_space<vmem>>)
        tpu.yield
      }) : () -> ()
      "tpu.region"() ({
        %run_scoped3A = tpu.sem_alloc : memref<!tpu.dma_semaphore, #tpu.memory_space<semaphore_mem>>
        %dma_start3A_44 = arith.constant 0 : i32
        %dma_start3A_45 = arith.constant 0 : i32
        %dma_start3A_46 = tpu.memref_slice %arg15[%dma_start3A_44, %dma_start3A_45] : memref<10000x128xf32, #tpu.memory_space<vmem_shared>> -> memref<10000x128xf32, #tpu.memory_space<vmem_shared>>
        tpu.enqueue_indirect_dma source(%arg14 : memref<16x128xf32, #tpu.memory_space<vmem>>) target(%dma_start3A_46 : memref<10000x128xf32, #tpu.memory_space<vmem_shared>>) offsets(%arg13 : memref<16xi32, #tpu.memory_space<vmem>>) semaphore(%run_scoped3A : memref<!tpu.dma_semaphore, #tpu.memory_space<semaphore_mem>>) {add = true}
        %dma_wait3A = arith.constant 0 : i32
        %dma_wait3A_47 = arith.constant 0 : i32
        %dma_wait3A_48 = tpu.memref_slice %arg15[%dma_wait3A, %dma_wait3A_47] : memref<10000x128xf32, #tpu.memory_space<vmem_shared>> -> memref<10000x128xf32, #tpu.memory_space<vmem_shared>>
        tpu.wait_indirect_dma semaphore(%run_scoped3A : memref<!tpu.dma_semaphore, #tpu.memory_space<semaphore_mem>>) src(%arg14 : memref<16x128xf32, #tpu.memory_space<vmem>>) dst(%dma_wait3A_48 : memref<10000x128xf32, #tpu.memory_space<vmem_shared>>)
        tpu.yield
      }) : () -> ()
    } else {
    }
    %eq3A_13 = arith.constant 1 : i32
    %eq3A_14 = arith.cmpi eq, %arg0, %eq3A_13 : i32
    %convert_element_type3A_15 = arith.extui %eq3A_14 : i1 to i32
    %cond3A_16 = arith.constant 0 : i32
    %cond3A_17 = arith.cmpi ne, %convert_element_type3A_15, %cond3A_16 : i32
    scf.if %cond3A_17 {
      %add3A = arith.constant 0 : i32
      %add3A_29 = arith.addi %mul3A_7, %add3A : i32
      %dma_start3A = arith.constant 0 : i32
      %dma_start3A_30 = tpu.memref_slice %arg3[%add3A_29, %dma_start3A] : memref<160000x128xf32, #tpu.memory_space<hbm>> -> memref<128x128xf32, #tpu.memory_space<hbm>>
      %dma_start3A_31 = arith.constant 0 : i32
      %dma_start3A_32 = tpu.memref_slice %arg3[%add3A_29, %dma_start3A_31] : memref<160000x128xf32, #tpu.memory_space<hbm>> -> memref<128x128xf32, #tpu.memory_space<hbm>>
      tpu.enqueue_dma source(%dma_start3A_32 : memref<128x128xf32, #tpu.memory_space<hbm>>) target(%arg11 : memref<128x128xf32, #tpu.memory_space<vmem>>) target_semaphore(%arg16 : memref<!tpu.dma_semaphore, #tpu.memory_space<semaphore_mem>>)
      %add3A_33 = arith.constant 0 : i32
      %add3A_34 = arith.addi %mul3A_7, %add3A_33 : i32
      %dma_start3A_35 = tpu.memref_slice %arg4[%add3A_34] : memref<160000xi32, #tpu.memory_space<hbm>> -> memref<128xi32, #tpu.memory_space<hbm>>
      %dma_start3A_36 = tpu.memref_slice %arg4[%add3A_34] : memref<160000xi32, #tpu.memory_space<hbm>> -> memref<128xi32, #tpu.memory_space<hbm>>
      tpu.enqueue_dma source(%dma_start3A_36 : memref<128xi32, #tpu.memory_space<hbm>>) target(%arg9 : memref<128xi32, #tpu.memory_space<vmem>>) target_semaphore(%arg16 : memref<!tpu.dma_semaphore, #tpu.memory_space<semaphore_mem>>)
      %scan3A = arith.constant 0 : i32
      %scan3A_37 = arith.constant 0 : i32
      %scan3A_38 = arith.constant 39 : i32
      %scan3A_39 = arith.addi %scan3A_37, %scan3A_38 : i32
      %scan3A_40 = arith.constant 1 : i32
      scf.for %scan3A_44 = %scan3A_37 to %scan3A_39 step %scan3A_40  : i32 {
        %mul3A_45 = arith.constant 2 : i32
        %mul3A_46 = arith.muli %mul3A_45, %scan3A_44 : i32
        %add3A_47 = arith.constant 1 : i32
        %add3A_48 = arith.addi %mul3A_46, %add3A_47 : i32
        %mul3A_49 = arith.constant 128 : i32
        %mul3A_50 = arith.muli %add3A_48, %mul3A_49 : i32
        %add3A_51 = arith.addi %mul3A_7, %mul3A_50 : i32
        %dma_start3A_52 = arith.constant 0 : i32
        %dma_start3A_53 = tpu.memref_slice %arg3[%add3A_51, %dma_start3A_52] : memref<160000x128xf32, #tpu.memory_space<hbm>> -> memref<128x128xf32, #tpu.memory_space<hbm>>
        %dma_start3A_54 = arith.constant 0 : i32
        %dma_start3A_55 = tpu.memref_slice %arg3[%add3A_51, %dma_start3A_54] : memref<160000x128xf32, #tpu.memory_space<hbm>> -> memref<128x128xf32, #tpu.memory_space<hbm>>
        tpu.enqueue_dma source(%dma_start3A_55 : memref<128x128xf32, #tpu.memory_space<hbm>>) target(%arg12 : memref<128x128xf32, #tpu.memory_space<vmem>>) target_semaphore(%arg17 : memref<!tpu.dma_semaphore, #tpu.memory_space<semaphore_mem>>)
        %mul3A_56 = arith.constant 128 : i32
        %mul3A_57 = arith.muli %add3A_48, %mul3A_56 : i32
        %add3A_58 = arith.addi %mul3A_7, %mul3A_57 : i32
        %dma_start3A_59 = tpu.memref_slice %arg4[%add3A_58] : memref<160000xi32, #tpu.memory_space<hbm>> -> memref<128xi32, #tpu.memory_space<hbm>>
        %dma_start3A_60 = tpu.memref_slice %arg4[%add3A_58] : memref<160000xi32, #tpu.memory_space<hbm>> -> memref<128xi32, #tpu.memory_space<hbm>>
        tpu.enqueue_dma source(%dma_start3A_60 : memref<128xi32, #tpu.memory_space<hbm>>) target(%arg10 : memref<128xi32, #tpu.memory_space<vmem>>) target_semaphore(%arg17 : memref<!tpu.dma_semaphore, #tpu.memory_space<semaphore_mem>>)
        %mul3A_61 = arith.constant 128 : i32
        %mul3A_62 = arith.muli %mul3A_46, %mul3A_61 : i32
        %add3A_63 = arith.addi %mul3A_7, %mul3A_62 : i32
        %dma_wait3A = arith.constant 0 : i32
        %dma_wait3A_64 = tpu.memref_slice %arg3[%add3A_63, %dma_wait3A] : memref<160000x128xf32, #tpu.memory_space<hbm>> -> memref<128x128xf32, #tpu.memory_space<hbm>>
        %dma_wait3A_65 = arith.constant 0 : i32
        %dma_wait3A_66 = tpu.memref_slice %arg3[%add3A_63, %dma_wait3A_65] : memref<160000x128xf32, #tpu.memory_space<hbm>> -> memref<128x128xf32, #tpu.memory_space<hbm>>
        tpu.wait_dma2 semaphore(%arg16 : memref<!tpu.dma_semaphore, #tpu.memory_space<semaphore_mem>>) src(%dma_wait3A_66 : memref<128x128xf32, #tpu.memory_space<hbm>>) dst(%arg11 : memref<128x128xf32, #tpu.memory_space<vmem>>)
        %mul3A_67 = arith.constant 128 : i32
        %mul3A_68 = arith.muli %mul3A_46, %mul3A_67 : i32
        %add3A_69 = arith.addi %mul3A_7, %mul3A_68 : i32
        %dma_wait3A_70 = tpu.memref_slice %arg4[%add3A_69] : memref<160000xi32, #tpu.memory_space<hbm>> -> memref<128xi32, #tpu.memory_space<hbm>>
        %dma_wait3A_71 = tpu.memref_slice %arg4[%add3A_69] : memref<160000xi32, #tpu.memory_space<hbm>> -> memref<128xi32, #tpu.memory_space<hbm>>
        tpu.wait_dma2 semaphore(%arg16 : memref<!tpu.dma_semaphore, #tpu.memory_space<semaphore_mem>>) src(%dma_wait3A_71 : memref<128xi32, #tpu.memory_space<hbm>>) dst(%arg9 : memref<128xi32, #tpu.memory_space<vmem>>)
        "tpu.region"() ({
          %run_scoped3A = tpu.sem_alloc : memref<!tpu.dma_semaphore, #tpu.memory_space<semaphore_mem>>
          %dma_start3A_90 = arith.constant 0 : i32
          %dma_start3A_91 = arith.constant 0 : i32
          %dma_start3A_92 = tpu.memref_slice %arg15[%dma_start3A_90, %dma_start3A_91] : memref<10000x128xf32, #tpu.memory_space<vmem_shared>> -> memref<10000x128xf32, #tpu.memory_space<vmem_shared>>
          tpu.enqueue_indirect_dma source(%arg11 : memref<128x128xf32, #tpu.memory_space<vmem>>) target(%dma_start3A_92 : memref<10000x128xf32, #tpu.memory_space<vmem_shared>>) offsets(%arg9 : memref<128xi32, #tpu.memory_space<vmem>>) semaphore(%run_scoped3A : memref<!tpu.dma_semaphore, #tpu.memory_space<semaphore_mem>>) {add = true}
          %dma_wait3A_93 = arith.constant 0 : i32
          %dma_wait3A_94 = arith.constant 0 : i32
          %dma_wait3A_95 = tpu.memref_slice %arg15[%dma_wait3A_93, %dma_wait3A_94] : memref<10000x128xf32, #tpu.memory_space<vmem_shared>> -> memref<10000x128xf32, #tpu.memory_space<vmem_shared>>
          tpu.wait_indirect_dma semaphore(%run_scoped3A : memref<!tpu.dma_semaphore, #tpu.memory_space<semaphore_mem>>) src(%arg11 : memref<128x128xf32, #tpu.memory_space<vmem>>) dst(%dma_wait3A_95 : memref<10000x128xf32, #tpu.memory_space<vmem_shared>>)
          tpu.yield
        }) : () -> ()
        %lt3A = arith.constant 38 : i32
        %lt3A_72 = arith.cmpi slt, %scan3A_44, %lt3A : i32
        %convert_element_type3A_73 = arith.extui %lt3A_72 : i1 to i32
        %cond3A_74 = arith.constant 0 : i32
        %cond3A_75 = arith.cmpi ne, %convert_element_type3A_73, %cond3A_74 : i32
        scf.if %cond3A_75 {
          %add3A_90 = arith.constant 2 : i32
          %add3A_91 = arith.addi %mul3A_46, %add3A_90 : i32
          %mul3A_92 = arith.constant 128 : i32
          %mul3A_93 = arith.muli %add3A_91, %mul3A_92 : i32
          %add3A_94 = arith.addi %mul3A_7, %mul3A_93 : i32
          %dma_start3A_95 = arith.constant 0 : i32
          %dma_start3A_96 = tpu.memref_slice %arg3[%add3A_94, %dma_start3A_95] : memref<160000x128xf32, #tpu.memory_space<hbm>> -> memref<128x128xf32, #tpu.memory_space<hbm>>
          %dma_start3A_97 = arith.constant 0 : i32
          %dma_start3A_98 = tpu.memref_slice %arg3[%add3A_94, %dma_start3A_97] : memref<160000x128xf32, #tpu.memory_space<hbm>> -> memref<128x128xf32, #tpu.memory_space<hbm>>
          tpu.enqueue_dma source(%dma_start3A_98 : memref<128x128xf32, #tpu.memory_space<hbm>>) target(%arg11 : memref<128x128xf32, #tpu.memory_space<vmem>>) target_semaphore(%arg16 : memref<!tpu.dma_semaphore, #tpu.memory_space<semaphore_mem>>)
          %mul3A_99 = arith.constant 128 : i32
          %mul3A_100 = arith.muli %add3A_91, %mul3A_99 : i32
          %add3A_101 = arith.addi %mul3A_7, %mul3A_100 : i32
          %dma_start3A_102 = tpu.memref_slice %arg4[%add3A_101] : memref<160000xi32, #tpu.memory_space<hbm>> -> memref<128xi32, #tpu.memory_space<hbm>>
          %dma_start3A_103 = tpu.memref_slice %arg4[%add3A_101] : memref<160000xi32, #tpu.memory_space<hbm>> -> memref<128xi32, #tpu.memory_space<hbm>>
          tpu.enqueue_dma source(%dma_start3A_103 : memref<128xi32, #tpu.memory_space<hbm>>) target(%arg9 : memref<128xi32, #tpu.memory_space<vmem>>) target_semaphore(%arg16 : memref<!tpu.dma_semaphore, #tpu.memory_space<semaphore_mem>>)
        } else {
        }
        %add3A_76 = arith.constant 1 : i32
        %add3A_77 = arith.addi %mul3A_46, %add3A_76 : i32
        %mul3A_78 = arith.constant 128 : i32
        %mul3A_79 = arith.muli %add3A_77, %mul3A_78 : i32
        %add3A_80 = arith.addi %mul3A_7, %mul3A_79 : i32
        %dma_wait3A_81 = arith.constant 0 : i32
        %dma_wait3A_82 = tpu.memref_slice %arg3[%add3A_80, %dma_wait3A_81] : memref<160000x128xf32, #tpu.memory_space<hbm>> -> memref<128x128xf32, #tpu.memory_space<hbm>>
        %dma_wait3A_83 = arith.constant 0 : i32
        %dma_wait3A_84 = tpu.memref_slice %arg3[%add3A_80, %dma_wait3A_83] : memref<160000x128xf32, #tpu.memory_space<hbm>> -> memref<128x128xf32, #tpu.memory_space<hbm>>
        tpu.wait_dma2 semaphore(%arg17 : memref<!tpu.dma_semaphore, #tpu.memory_space<semaphore_mem>>) src(%dma_wait3A_84 : memref<128x128xf32, #tpu.memory_space<hbm>>) dst(%arg12 : memref<128x128xf32, #tpu.memory_space<vmem>>)
        %mul3A_85 = arith.constant 128 : i32
        %mul3A_86 = arith.muli %add3A_77, %mul3A_85 : i32
        %add3A_87 = arith.addi %mul3A_7, %mul3A_86 : i32
        %dma_wait3A_88 = tpu.memref_slice %arg4[%add3A_87] : memref<160000xi32, #tpu.memory_space<hbm>> -> memref<128xi32, #tpu.memory_space<hbm>>
        %dma_wait3A_89 = tpu.memref_slice %arg4[%add3A_87] : memref<160000xi32, #tpu.memory_space<hbm>> -> memref<128xi32, #tpu.memory_space<hbm>>
        tpu.wait_dma2 semaphore(%arg17 : memref<!tpu.dma_semaphore, #tpu.memory_space<semaphore_mem>>) src(%dma_wait3A_89 : memref<128xi32, #tpu.memory_space<hbm>>) dst(%arg10 : memref<128xi32, #tpu.memory_space<vmem>>)
        "tpu.region"() ({
          %run_scoped3A = tpu.sem_alloc : memref<!tpu.dma_semaphore, #tpu.memory_space<semaphore_mem>>
          %dma_start3A_90 = arith.constant 0 : i32
          %dma_start3A_91 = arith.constant 0 : i32
          %dma_start3A_92 = tpu.memref_slice %arg15[%dma_start3A_90, %dma_start3A_91] : memref<10000x128xf32, #tpu.memory_space<vmem_shared>> -> memref<10000x128xf32, #tpu.memory_space<vmem_shared>>
          tpu.enqueue_indirect_dma source(%arg12 : memref<128x128xf32, #tpu.memory_space<vmem>>) target(%dma_start3A_92 : memref<10000x128xf32, #tpu.memory_space<vmem_shared>>) offsets(%arg10 : memref<128xi32, #tpu.memory_space<vmem>>) semaphore(%run_scoped3A : memref<!tpu.dma_semaphore, #tpu.memory_space<semaphore_mem>>) {add = true}
          %dma_wait3A_93 = arith.constant 0 : i32
          %dma_wait3A_94 = arith.constant 0 : i32
          %dma_wait3A_95 = tpu.memref_slice %arg15[%dma_wait3A_93, %dma_wait3A_94] : memref<10000x128xf32, #tpu.memory_space<vmem_shared>> -> memref<10000x128xf32, #tpu.memory_space<vmem_shared>>
          tpu.wait_indirect_dma semaphore(%run_scoped3A : memref<!tpu.dma_semaphore, #tpu.memory_space<semaphore_mem>>) src(%arg12 : memref<128x128xf32, #tpu.memory_space<vmem>>) dst(%dma_wait3A_95 : memref<10000x128xf32, #tpu.memory_space<vmem_shared>>)
          tpu.yield
        }) : () -> ()
      }
      %scan3A_41 = arith.constant 39 : i32
      %add3A_42 = arith.constant 9984 : i32
      %add3A_43 = arith.addi %mul3A_7, %add3A_42 : i32
      "tpu.region"() ({
        %run_scoped3A = tpu.sem_alloc : memref<!tpu.dma_semaphore, #tpu.memory_space<semaphore_mem>>
        %dma_start3A_44 = arith.constant 0 : i32
        %dma_start3A_45 = tpu.memref_slice %arg3[%add3A_43, %dma_start3A_44] : memref<160000x128xf32, #tpu.memory_space<hbm>> -> memref<16x128xf32, #tpu.memory_space<hbm>>
        %dma_start3A_46 = arith.constant 0 : i32
        %dma_start3A_47 = tpu.memref_slice %arg3[%add3A_43, %dma_start3A_46] : memref<160000x128xf32, #tpu.memory_space<hbm>> -> memref<16x128xf32, #tpu.memory_space<hbm>>
        tpu.enqueue_dma source(%dma_start3A_47 : memref<16x128xf32, #tpu.memory_space<hbm>>) target(%arg14 : memref<16x128xf32, #tpu.memory_space<vmem>>) target_semaphore(%run_scoped3A : memref<!tpu.dma_semaphore, #tpu.memory_space<semaphore_mem>>)
        %dma_wait3A = arith.constant 0 : i32
        %dma_wait3A_48 = tpu.memref_slice %arg3[%add3A_43, %dma_wait3A] : memref<160000x128xf32, #tpu.memory_space<hbm>> -> memref<16x128xf32, #tpu.memory_space<hbm>>
        %dma_wait3A_49 = arith.constant 0 : i32
        %dma_wait3A_50 = tpu.memref_slice %arg3[%add3A_43, %dma_wait3A_49] : memref<160000x128xf32, #tpu.memory_space<hbm>> -> memref<16x128xf32, #tpu.memory_space<hbm>>
        tpu.wait_dma2 semaphore(%run_scoped3A : memref<!tpu.dma_semaphore, #tpu.memory_space<semaphore_mem>>) src(%dma_wait3A_50 : memref<16x128xf32, #tpu.memory_space<hbm>>) dst(%arg14 : memref<16x128xf32, #tpu.memory_space<vmem>>)
        tpu.yield
      }) : () -> ()
      "tpu.region"() ({
        %run_scoped3A = tpu.sem_alloc : memref<!tpu.dma_semaphore, #tpu.memory_space<semaphore_mem>>
        %dma_start3A_44 = tpu.memref_slice %arg4[%add3A_43] : memref<160000xi32, #tpu.memory_space<hbm>> -> memref<16xi32, #tpu.memory_space<hbm>>
        %dma_start3A_45 = tpu.memref_slice %arg4[%add3A_43] : memref<160000xi32, #tpu.memory_space<hbm>> -> memref<16xi32, #tpu.memory_space<hbm>>
        tpu.enqueue_dma source(%dma_start3A_45 : memref<16xi32, #tpu.memory_space<hbm>>) target(%arg13 : memref<16xi32, #tpu.memory_space<vmem>>) target_semaphore(%run_scoped3A : memref<!tpu.dma_semaphore, #tpu.memory_space<semaphore_mem>>)
        %dma_wait3A = tpu.memref_slice %arg4[%add3A_43] : memref<160000xi32, #tpu.memory_space<hbm>> -> memref<16xi32, #tpu.memory_space<hbm>>
        %dma_wait3A_46 = tpu.memref_slice %arg4[%add3A_43] : memref<160000xi32, #tpu.memory_space<hbm>> -> memref<16xi32, #tpu.memory_space<hbm>>
        tpu.wait_dma2 semaphore(%run_scoped3A : memref<!tpu.dma_semaphore, #tpu.memory_space<semaphore_mem>>) src(%dma_wait3A_46 : memref<16xi32, #tpu.memory_space<hbm>>) dst(%arg13 : memref<16xi32, #tpu.memory_space<vmem>>)
        tpu.yield
      }) : () -> ()
      "tpu.region"() ({
        %run_scoped3A = tpu.sem_alloc : memref<!tpu.dma_semaphore, #tpu.memory_space<semaphore_mem>>
        %dma_start3A_44 = arith.constant 0 : i32
        %dma_start3A_45 = arith.constant 0 : i32
        %dma_start3A_46 = tpu.memref_slice %arg15[%dma_start3A_44, %dma_start3A_45] : memref<10000x128xf32, #tpu.memory_space<vmem_shared>> -> memref<10000x128xf32, #tpu.memory_space<vmem_shared>>
        tpu.enqueue_indirect_dma source(%arg14 : memref<16x128xf32, #tpu.memory_space<vmem>>) target(%dma_start3A_46 : memref<10000x128xf32, #tpu.memory_space<vmem_shared>>) offsets(%arg13 : memref<16xi32, #tpu.memory_space<vmem>>) semaphore(%run_scoped3A : memref<!tpu.dma_semaphore, #tpu.memory_space<semaphore_mem>>) {add = true}
        %dma_wait3A = arith.constant 0 : i32
        %dma_wait3A_47 = arith.constant 0 : i32
        %dma_wait3A_48 = tpu.memref_slice %arg15[%dma_wait3A, %dma_wait3A_47] : memref<10000x128xf32, #tpu.memory_space<vmem_shared>> -> memref<10000x128xf32, #tpu.memory_space<vmem_shared>>
        tpu.wait_indirect_dma semaphore(%run_scoped3A : memref<!tpu.dma_semaphore, #tpu.memory_space<semaphore_mem>>) src(%arg14 : memref<16x128xf32, #tpu.memory_space<vmem>>) dst(%dma_wait3A_48 : memref<10000x128xf32, #tpu.memory_space<vmem_shared>>)
        tpu.yield
      }) : () -> ()
    } else {
    }
    %barrier3A_18 = arith.constant 0 : index
    tpu.barrier barrier_id(%barrier3A_18)
    %eq3A_19 = arith.constant 0 : i32
    %eq3A_20 = arith.cmpi eq, %arg0, %eq3A_19 : i32
    %convert_element_type3A_21 = arith.extui %eq3A_20 : i1 to i32
    %cond3A_22 = arith.constant 0 : i32
    %cond3A_23 = arith.cmpi ne, %convert_element_type3A_21, %cond3A_22 : i32
    scf.if %cond3A_23 {
      %lt3A = arith.constant 15 : i32
      %lt3A_29 = arith.cmpi slt, %arg1, %lt3A : i32
      %convert_element_type3A_30 = arith.extui %lt3A_29 : i1 to i32
      %cond3A_31 = arith.constant 0 : i32
      %cond3A_32 = arith.cmpi ne, %convert_element_type3A_30, %cond3A_31 : i32
      scf.if %cond3A_32 {
        %mul3A_38 = arith.constant 624 : i32
        %mul3A_39 = arith.muli %arg1, %mul3A_38 : i32
        "tpu.region"() ({
          %run_scoped3A = tpu.sem_alloc : memref<!tpu.dma_semaphore, #tpu.memory_space<semaphore_mem>>
          %dma_start3A = arith.constant 0 : i32
          %dma_start3A_40 = tpu.memref_slice %arg7[%mul3A_39, %dma_start3A] : memref<10000x128xf32, #tpu.memory_space<hbm>> -> memref<624x128xf32, #tpu.memory_space<hbm>>
          %dma_start3A_41 = arith.constant 0 : i32
          %dma_start3A_42 = tpu.memref_slice %arg15[%mul3A_39, %dma_start3A_41] : memref<10000x128xf32, #tpu.memory_space<vmem_shared>> -> memref<624x128xf32, #tpu.memory_space<vmem_shared>>
          tpu.enqueue_dma source(%dma_start3A_42 : memref<624x128xf32, #tpu.memory_space<vmem_shared>>) target(%dma_start3A_40 : memref<624x128xf32, #tpu.memory_space<hbm>>) target_semaphore(%run_scoped3A : memref<!tpu.dma_semaphore, #tpu.memory_space<semaphore_mem>>)
          %dma_wait3A = arith.constant 0 : i32
          %dma_wait3A_43 = tpu.memref_slice %arg7[%mul3A_39, %dma_wait3A] : memref<10000x128xf32, #tpu.memory_space<hbm>> -> memref<624x128xf32, #tpu.memory_space<hbm>>
          %dma_wait3A_44 = arith.constant 0 : i32
          %dma_wait3A_45 = tpu.memref_slice %arg15[%mul3A_39, %dma_wait3A_44] : memref<10000x128xf32, #tpu.memory_space<vmem_shared>> -> memref<624x128xf32, #tpu.memory_space<vmem_shared>>
          tpu.wait_dma2 semaphore(%run_scoped3A : memref<!tpu.dma_semaphore, #tpu.memory_space<semaphore_mem>>) src(%dma_wait3A_45 : memref<624x128xf32, #tpu.memory_space<vmem_shared>>) dst(%dma_wait3A_43 : memref<624x128xf32, #tpu.memory_space<hbm>>)
          tpu.yield
        }) : () -> ()
      } else {
      }
      %eq3A_33 = arith.constant 15 : i32
      %eq3A_34 = arith.cmpi eq, %arg1, %eq3A_33 : i32
      %convert_element_type3A_35 = arith.extui %eq3A_34 : i1 to i32
      %cond3A_36 = arith.constant 0 : i32
      %cond3A_37 = arith.cmpi ne, %convert_element_type3A_35, %cond3A_36 : i32
      scf.if %cond3A_37 {
        "tpu.region"() ({
          %run_scoped3A = tpu.sem_alloc : memref<!tpu.dma_semaphore, #tpu.memory_space<semaphore_mem>>
          %dma_start3A = arith.constant 9360 : i32
          %dma_start3A_38 = arith.constant 0 : i32
          %dma_start3A_39 = tpu.memref_slice %arg7[%dma_start3A, %dma_start3A_38] : memref<10000x128xf32, #tpu.memory_space<hbm>> -> memref<640x128xf32, #tpu.memory_space<hbm>>
          %dma_start3A_40 = arith.constant 9360 : i32
          %dma_start3A_41 = arith.constant 0 : i32
          %dma_start3A_42 = tpu.memref_slice %arg15[%dma_start3A_40, %dma_start3A_41] : memref<10000x128xf32, #tpu.memory_space<vmem_shared>> -> memref<640x128xf32, #tpu.memory_space<vmem_shared>>
          tpu.enqueue_dma source(%dma_start3A_42 : memref<640x128xf32, #tpu.memory_space<vmem_shared>>) target(%dma_start3A_39 : memref<640x128xf32, #tpu.memory_space<hbm>>) target_semaphore(%run_scoped3A : memref<!tpu.dma_semaphore, #tpu.memory_space<semaphore_mem>>)
          %dma_wait3A = arith.constant 9360 : i32
          %dma_wait3A_43 = arith.constant 0 : i32
          %dma_wait3A_44 = tpu.memref_slice %arg7[%dma_wait3A, %dma_wait3A_43] : memref<10000x128xf32, #tpu.memory_space<hbm>> -> memref<640x128xf32, #tpu.memory_space<hbm>>
          %dma_wait3A_45 = arith.constant 9360 : i32
          %dma_wait3A_46 = arith.constant 0 : i32
          %dma_wait3A_47 = tpu.memref_slice %arg15[%dma_wait3A_45, %dma_wait3A_46] : memref<10000x128xf32, #tpu.memory_space<vmem_shared>> -> memref<640x128xf32, #tpu.memory_space<vmem_shared>>
          tpu.wait_dma2 semaphore(%run_scoped3A : memref<!tpu.dma_semaphore, #tpu.memory_space<semaphore_mem>>) src(%dma_wait3A_47 : memref<640x128xf32, #tpu.memory_space<vmem_shared>>) dst(%dma_wait3A_44 : memref<640x128xf32, #tpu.memory_space<hbm>>)
          tpu.yield
        }) : () -> ()
      } else {
      }
    } else {
    }
    %eq3A_24 = arith.constant 1 : i32
    %eq3A_25 = arith.cmpi eq, %arg0, %eq3A_24 : i32
    %convert_element_type3A_26 = arith.extui %eq3A_25 : i1 to i32
    %cond3A_27 = arith.constant 0 : i32
    %cond3A_28 = arith.cmpi ne, %convert_element_type3A_26, %cond3A_27 : i32
    scf.if %cond3A_28 {
      %lt3A = arith.constant 15 : i32
      %lt3A_29 = arith.cmpi slt, %arg1, %lt3A : i32
      %convert_element_type3A_30 = arith.extui %lt3A_29 : i1 to i32
      %cond3A_31 = arith.constant 0 : i32
      %cond3A_32 = arith.cmpi ne, %convert_element_type3A_30, %cond3A_31 : i32
      scf.if %cond3A_32 {
        %mul3A_38 = arith.constant 624 : i32
        %mul3A_39 = arith.muli %arg1, %mul3A_38 : i32
        "tpu.region"() ({
          %run_scoped3A = tpu.sem_alloc : memref<!tpu.dma_semaphore, #tpu.memory_space<semaphore_mem>>
          %dma_start3A = arith.constant 0 : i32
          %dma_start3A_40 = tpu.memref_slice %arg8[%mul3A_39, %dma_start3A] : memref<10000x128xf32, #tpu.memory_space<hbm>> -> memref<624x128xf32, #tpu.memory_space<hbm>>
          %dma_start3A_41 = arith.constant 0 : i32
          %dma_start3A_42 = tpu.memref_slice %arg15[%mul3A_39, %dma_start3A_41] : memref<10000x128xf32, #tpu.memory_space<vmem_shared>> -> memref<624x128xf32, #tpu.memory_space<vmem_shared>>
          tpu.enqueue_dma source(%dma_start3A_42 : memref<624x128xf32, #tpu.memory_space<vmem_shared>>) target(%dma_start3A_40 : memref<624x128xf32, #tpu.memory_space<hbm>>) target_semaphore(%run_scoped3A : memref<!tpu.dma_semaphore, #tpu.memory_space<semaphore_mem>>)
          %dma_wait3A = arith.constant 0 : i32
          %dma_wait3A_43 = tpu.memref_slice %arg8[%mul3A_39, %dma_wait3A] : memref<10000x128xf32, #tpu.memory_space<hbm>> -> memref<624x128xf32, #tpu.memory_space<hbm>>
          %dma_wait3A_44 = arith.constant 0 : i32
          %dma_wait3A_45 = tpu.memref_slice %arg15[%mul3A_39, %dma_wait3A_44] : memref<10000x128xf32, #tpu.memory_space<vmem_shared>> -> memref<624x128xf32, #tpu.memory_space<vmem_shared>>
          tpu.wait_dma2 semaphore(%run_scoped3A : memref<!tpu.dma_semaphore, #tpu.memory_space<semaphore_mem>>) src(%dma_wait3A_45 : memref<624x128xf32, #tpu.memory_space<vmem_shared>>) dst(%dma_wait3A_43 : memref<624x128xf32, #tpu.memory_space<hbm>>)
          tpu.yield
        }) : () -> ()
      } else {
      }
      %eq3A_33 = arith.constant 15 : i32
      %eq3A_34 = arith.cmpi eq, %arg1, %eq3A_33 : i32
      %convert_element_type3A_35 = arith.extui %eq3A_34 : i1 to i32
      %cond3A_36 = arith.constant 0 : i32
      %cond3A_37 = arith.cmpi ne, %convert_element_type3A_35, %cond3A_36 : i32
      scf.if %cond3A_37 {
        "tpu.region"() ({
          %run_scoped3A = tpu.sem_alloc : memref<!tpu.dma_semaphore, #tpu.memory_space<semaphore_mem>>
          %dma_start3A = arith.constant 9360 : i32
          %dma_start3A_38 = arith.constant 0 : i32
          %dma_start3A_39 = tpu.memref_slice %arg8[%dma_start3A, %dma_start3A_38] : memref<10000x128xf32, #tpu.memory_space<hbm>> -> memref<640x128xf32, #tpu.memory_space<hbm>>
          %dma_start3A_40 = arith.constant 9360 : i32
          %dma_start3A_41 = arith.constant 0 : i32
          %dma_start3A_42 = tpu.memref_slice %arg15[%dma_start3A_40, %dma_start3A_41] : memref<10000x128xf32, #tpu.memory_space<vmem_shared>> -> memref<640x128xf32, #tpu.memory_space<vmem_shared>>
          tpu.enqueue_dma source(%dma_start3A_42 : memref<640x128xf32, #tpu.memory_space<vmem_shared>>) target(%dma_start3A_39 : memref<640x128xf32, #tpu.memory_space<hbm>>) target_semaphore(%run_scoped3A : memref<!tpu.dma_semaphore, #tpu.memory_space<semaphore_mem>>)
          %dma_wait3A = arith.constant 9360 : i32
          %dma_wait3A_43 = arith.constant 0 : i32
          %dma_wait3A_44 = tpu.memref_slice %arg8[%dma_wait3A, %dma_wait3A_43] : memref<10000x128xf32, #tpu.memory_space<hbm>> -> memref<640x128xf32, #tpu.memory_space<hbm>>
          %dma_wait3A_45 = arith.constant 9360 : i32
          %dma_wait3A_46 = arith.constant 0 : i32
          %dma_wait3A_47 = tpu.memref_slice %arg15[%dma_wait3A_45, %dma_wait3A_46] : memref<10000x128xf32, #tpu.memory_space<vmem_shared>> -> memref<640x128xf32, #tpu.memory_space<vmem_shared>>
          tpu.wait_dma2 semaphore(%run_scoped3A : memref<!tpu.dma_semaphore, #tpu.memory_space<semaphore_mem>>) src(%dma_wait3A_47 : memref<640x128xf32, #tpu.memory_space<vmem_shared>>) dst(%dma_wait3A_44 : memref<640x128xf32, #tpu.memory_space<hbm>>)
          tpu.yield
        }) : () -> ()
      } else {
      }
    } else {
    }
    return
  }
}

#map = affine_map<(d0, d1) -> (0, 0)>
#map1 = affine_map<(d0, d1) -> (0)>
module attributes {stable_mosaic.version = 14 : i64} {
  func.func @gather_k(%arg0: i32, %arg1: i32, %arg2: memref<10000x128xf32, #tpu.memory_space<hbm>>, %arg3: memref<320000xi32, #tpu.memory_space<hbm>>, %arg4: memref<320000x128xf32, #tpu.memory_space<hbm>>, %arg5: memref<10000xi32, #tpu.memory_space<vmem>>, %arg6: memref<128x128xf32, #tpu.memory_space<vmem>>, %arg7: memref<128x128xf32, #tpu.memory_space<vmem>>, %arg8: memref<10000x128xf32, #tpu.memory_space<vmem_shared>>, %arg9: memref<!tpu.dma_semaphore, #tpu.memory_space<semaphore_mem>>, %arg10: memref<!tpu.dma_semaphore, #tpu.memory_space<semaphore_mem>>) attributes {dimension_semantics = [#tpu.dimension_semantics<core_parallel>, #tpu.dimension_semantics<subcore_parallel>], iteration_bounds = array<i64: 2, 16>, scalar_prefetch = 0 : i64, scratch_operands = 6 : i64, tpu.core_type = #tpu.core_type<sc_vector_subcore>, window_params = [{transform_indices = #map}, {transform_indices = #map1}, {transform_indices = #map}]} {
    %mul3A = arith.constant 2 : i32
    %mul3A_0 = arith.muli %arg1, %mul3A : i32
    %add3A = arith.addi %mul3A_0, %arg0 : i32
    %mul3A_1 = arith.constant 10000 : i32
    %mul3A_2 = arith.muli %add3A, %mul3A_1 : i32
    %lt3A = arith.constant 15 : i32
    %lt3A_3 = arith.cmpi slt, %arg1, %lt3A : i32
    %convert_element_type3A = arith.extui %lt3A_3 : i1 to i32
    %cond3A = arith.constant 0 : i32
    %cond3A_4 = arith.cmpi ne, %convert_element_type3A, %cond3A : i32
    scf.if %cond3A_4 {
      %mul3A_20 = arith.constant 624 : i32
      %mul3A_21 = arith.muli %arg1, %mul3A_20 : i32
      "tpu.region"() ({
        %run_scoped3A = tpu.sem_alloc : memref<!tpu.dma_semaphore, #tpu.memory_space<semaphore_mem>>
        %dma_start3A_22 = arith.constant 0 : i32
        %dma_start3A_23 = tpu.memref_slice %arg8[%mul3A_21, %dma_start3A_22] : memref<10000x128xf32, #tpu.memory_space<vmem_shared>> -> memref<624x128xf32, #tpu.memory_space<vmem_shared>>
        %dma_start3A_24 = arith.constant 0 : i32
        %dma_start3A_25 = tpu.memref_slice %arg2[%mul3A_21, %dma_start3A_24] : memref<10000x128xf32, #tpu.memory_space<hbm>> -> memref<624x128xf32, #tpu.memory_space<hbm>>
        tpu.enqueue_dma source(%dma_start3A_25 : memref<624x128xf32, #tpu.memory_space<hbm>>) target(%dma_start3A_23 : memref<624x128xf32, #tpu.memory_space<vmem_shared>>) target_semaphore(%run_scoped3A : memref<!tpu.dma_semaphore, #tpu.memory_space<semaphore_mem>>)
        %dma_wait3A = arith.constant 0 : i32
        %dma_wait3A_26 = tpu.memref_slice %arg8[%mul3A_21, %dma_wait3A] : memref<10000x128xf32, #tpu.memory_space<vmem_shared>> -> memref<624x128xf32, #tpu.memory_space<vmem_shared>>
        %dma_wait3A_27 = arith.constant 0 : i32
        %dma_wait3A_28 = tpu.memref_slice %arg2[%mul3A_21, %dma_wait3A_27] : memref<10000x128xf32, #tpu.memory_space<hbm>> -> memref<624x128xf32, #tpu.memory_space<hbm>>
        tpu.wait_dma2 semaphore(%run_scoped3A : memref<!tpu.dma_semaphore, #tpu.memory_space<semaphore_mem>>) src(%dma_wait3A_28 : memref<624x128xf32, #tpu.memory_space<hbm>>) dst(%dma_wait3A_26 : memref<624x128xf32, #tpu.memory_space<vmem_shared>>)
        tpu.yield
      }) : () -> ()
    } else {
    }
    %eq3A = arith.constant 15 : i32
    %eq3A_5 = arith.cmpi eq, %arg1, %eq3A : i32
    %convert_element_type3A_6 = arith.extui %eq3A_5 : i1 to i32
    %cond3A_7 = arith.constant 0 : i32
    %cond3A_8 = arith.cmpi ne, %convert_element_type3A_6, %cond3A_7 : i32
    scf.if %cond3A_8 {
      "tpu.region"() ({
        %run_scoped3A = tpu.sem_alloc : memref<!tpu.dma_semaphore, #tpu.memory_space<semaphore_mem>>
        %dma_start3A_20 = arith.constant 9360 : i32
        %dma_start3A_21 = arith.constant 0 : i32
        %dma_start3A_22 = tpu.memref_slice %arg8[%dma_start3A_20, %dma_start3A_21] : memref<10000x128xf32, #tpu.memory_space<vmem_shared>> -> memref<640x128xf32, #tpu.memory_space<vmem_shared>>
        %dma_start3A_23 = arith.constant 9360 : i32
        %dma_start3A_24 = arith.constant 0 : i32
        %dma_start3A_25 = tpu.memref_slice %arg2[%dma_start3A_23, %dma_start3A_24] : memref<10000x128xf32, #tpu.memory_space<hbm>> -> memref<640x128xf32, #tpu.memory_space<hbm>>
        tpu.enqueue_dma source(%dma_start3A_25 : memref<640x128xf32, #tpu.memory_space<hbm>>) target(%dma_start3A_22 : memref<640x128xf32, #tpu.memory_space<vmem_shared>>) target_semaphore(%run_scoped3A : memref<!tpu.dma_semaphore, #tpu.memory_space<semaphore_mem>>)
        %dma_wait3A = arith.constant 9360 : i32
        %dma_wait3A_26 = arith.constant 0 : i32
        %dma_wait3A_27 = tpu.memref_slice %arg8[%dma_wait3A, %dma_wait3A_26] : memref<10000x128xf32, #tpu.memory_space<vmem_shared>> -> memref<640x128xf32, #tpu.memory_space<vmem_shared>>
        %dma_wait3A_28 = arith.constant 9360 : i32
        %dma_wait3A_29 = arith.constant 0 : i32
        %dma_wait3A_30 = tpu.memref_slice %arg2[%dma_wait3A_28, %dma_wait3A_29] : memref<10000x128xf32, #tpu.memory_space<hbm>> -> memref<640x128xf32, #tpu.memory_space<hbm>>
        tpu.wait_dma2 semaphore(%run_scoped3A : memref<!tpu.dma_semaphore, #tpu.memory_space<semaphore_mem>>) src(%dma_wait3A_30 : memref<640x128xf32, #tpu.memory_space<hbm>>) dst(%dma_wait3A_27 : memref<640x128xf32, #tpu.memory_space<vmem_shared>>)
        tpu.yield
      }) : () -> ()
    } else {
    }
    "tpu.region"() ({
      %run_scoped3A = tpu.sem_alloc : memref<!tpu.dma_semaphore, #tpu.memory_space<semaphore_mem>>
      %dma_start3A_20 = tpu.memref_slice %arg3[%mul3A_2] : memref<320000xi32, #tpu.memory_space<hbm>> -> memref<10000xi32, #tpu.memory_space<hbm>>
      %dma_start3A_21 = tpu.memref_slice %arg3[%mul3A_2] : memref<320000xi32, #tpu.memory_space<hbm>> -> memref<10000xi32, #tpu.memory_space<hbm>>
      tpu.enqueue_dma source(%dma_start3A_21 : memref<10000xi32, #tpu.memory_space<hbm>>) target(%arg5 : memref<10000xi32, #tpu.memory_space<vmem>>) target_semaphore(%run_scoped3A : memref<!tpu.dma_semaphore, #tpu.memory_space<semaphore_mem>>)
      %dma_wait3A = tpu.memref_slice %arg3[%mul3A_2] : memref<320000xi32, #tpu.memory_space<hbm>> -> memref<10000xi32, #tpu.memory_space<hbm>>
      %dma_wait3A_22 = tpu.memref_slice %arg3[%mul3A_2] : memref<320000xi32, #tpu.memory_space<hbm>> -> memref<10000xi32, #tpu.memory_space<hbm>>
      tpu.wait_dma2 semaphore(%run_scoped3A : memref<!tpu.dma_semaphore, #tpu.memory_space<semaphore_mem>>) src(%dma_wait3A_22 : memref<10000xi32, #tpu.memory_space<hbm>>) dst(%arg5 : memref<10000xi32, #tpu.memory_space<vmem>>)
      tpu.yield
    }) : () -> ()
    %barrier3A = arith.constant 0 : index
    tpu.barrier barrier_id(%barrier3A)
    %dma_start3A = arith.constant 0 : i32
    %dma_start3A_9 = tpu.memref_slice %arg5[%dma_start3A] : memref<10000xi32, #tpu.memory_space<vmem>> -> memref<128xi32, #tpu.memory_space<vmem>>
    %dma_start3A_10 = arith.constant 0 : i32
    %dma_start3A_11 = arith.constant 0 : i32
    %dma_start3A_12 = tpu.memref_slice %arg8[%dma_start3A_10, %dma_start3A_11] : memref<10000x128xf32, #tpu.memory_space<vmem_shared>> -> memref<10000x128xf32, #tpu.memory_space<vmem_shared>>
    tpu.enqueue_indirect_dma source(%dma_start3A_12 : memref<10000x128xf32, #tpu.memory_space<vmem_shared>>) target(%arg6 : memref<128x128xf32, #tpu.memory_space<vmem>>) offsets(%dma_start3A_9 : memref<128xi32, #tpu.memory_space<vmem>>) semaphore(%arg9 : memref<!tpu.dma_semaphore, #tpu.memory_space<semaphore_mem>>)
    %scan3A = arith.constant 0 : i32
    %scan3A_13 = arith.constant 0 : i32
    %scan3A_14 = arith.constant 39 : i32
    %scan3A_15 = arith.addi %scan3A_13, %scan3A_14 : i32
    %scan3A_16 = arith.constant 1 : i32
    scf.for %scan3A_20 = %scan3A_13 to %scan3A_15 step %scan3A_16  : i32 {
      %mul3A_21 = arith.constant 2 : i32
      %mul3A_22 = arith.muli %mul3A_21, %scan3A_20 : i32
      %add3A_23 = arith.constant 1 : i32
      %add3A_24 = arith.addi %mul3A_22, %add3A_23 : i32
      %mul3A_25 = arith.constant 128 : i32
      %mul3A_26 = arith.muli %add3A_24, %mul3A_25 : i32
      %dma_start3A_27 = tpu.memref_slice %arg5[%mul3A_26] : memref<10000xi32, #tpu.memory_space<vmem>> -> memref<128xi32, #tpu.memory_space<vmem>>
      %dma_start3A_28 = arith.constant 0 : i32
      %dma_start3A_29 = arith.constant 0 : i32
      %dma_start3A_30 = tpu.memref_slice %arg8[%dma_start3A_28, %dma_start3A_29] : memref<10000x128xf32, #tpu.memory_space<vmem_shared>> -> memref<10000x128xf32, #tpu.memory_space<vmem_shared>>
      tpu.enqueue_indirect_dma source(%dma_start3A_30 : memref<10000x128xf32, #tpu.memory_space<vmem_shared>>) target(%arg7 : memref<128x128xf32, #tpu.memory_space<vmem>>) offsets(%dma_start3A_27 : memref<128xi32, #tpu.memory_space<vmem>>) semaphore(%arg10 : memref<!tpu.dma_semaphore, #tpu.memory_space<semaphore_mem>>)
      %mul3A_31 = arith.constant 128 : i32
      %mul3A_32 = arith.muli %mul3A_22, %mul3A_31 : i32
      %dma_wait3A = tpu.memref_slice %arg5[%mul3A_32] : memref<10000xi32, #tpu.memory_space<vmem>> -> memref<128xi32, #tpu.memory_space<vmem>>
      %dma_wait3A_33 = arith.constant 0 : i32
      %dma_wait3A_34 = arith.constant 0 : i32
      %dma_wait3A_35 = tpu.memref_slice %arg8[%dma_wait3A_33, %dma_wait3A_34] : memref<10000x128xf32, #tpu.memory_space<vmem_shared>> -> memref<10000x128xf32, #tpu.memory_space<vmem_shared>>
      tpu.wait_indirect_dma semaphore(%arg9 : memref<!tpu.dma_semaphore, #tpu.memory_space<semaphore_mem>>) src(%dma_wait3A_35 : memref<10000x128xf32, #tpu.memory_space<vmem_shared>>) dst(%arg6 : memref<128x128xf32, #tpu.memory_space<vmem>>)
      %mul3A_36 = arith.constant 128 : i32
      %mul3A_37 = arith.muli %mul3A_22, %mul3A_36 : i32
      %add3A_38 = arith.addi %mul3A_2, %mul3A_37 : i32
      "tpu.region"() ({
        %run_scoped3A = tpu.sem_alloc : memref<!tpu.dma_semaphore, #tpu.memory_space<semaphore_mem>>
        %dma_start3A_57 = arith.constant 0 : i32
        %dma_start3A_58 = tpu.memref_slice %arg4[%add3A_38, %dma_start3A_57] : memref<320000x128xf32, #tpu.memory_space<hbm>> -> memref<128x128xf32, #tpu.memory_space<hbm>>
        %dma_start3A_59 = arith.constant 0 : i32
        %dma_start3A_60 = tpu.memref_slice %arg4[%add3A_38, %dma_start3A_59] : memref<320000x128xf32, #tpu.memory_space<hbm>> -> memref<128x128xf32, #tpu.memory_space<hbm>>
        tpu.enqueue_dma source(%arg6 : memref<128x128xf32, #tpu.memory_space<vmem>>) target(%dma_start3A_60 : memref<128x128xf32, #tpu.memory_space<hbm>>) target_semaphore(%run_scoped3A : memref<!tpu.dma_semaphore, #tpu.memory_space<semaphore_mem>>)
        %dma_wait3A_61 = arith.constant 0 : i32
        %dma_wait3A_62 = tpu.memref_slice %arg4[%add3A_38, %dma_wait3A_61] : memref<320000x128xf32, #tpu.memory_space<hbm>> -> memref<128x128xf32, #tpu.memory_space<hbm>>
        %dma_wait3A_63 = arith.constant 0 : i32
        %dma_wait3A_64 = tpu.memref_slice %arg4[%add3A_38, %dma_wait3A_63] : memref<320000x128xf32, #tpu.memory_space<hbm>> -> memref<128x128xf32, #tpu.memory_space<hbm>>
        tpu.wait_dma2 semaphore(%run_scoped3A : memref<!tpu.dma_semaphore, #tpu.memory_space<semaphore_mem>>) src(%arg6 : memref<128x128xf32, #tpu.memory_space<vmem>>) dst(%dma_wait3A_64 : memref<128x128xf32, #tpu.memory_space<hbm>>)
        tpu.yield
      }) : () -> ()
      %lt3A_39 = arith.constant 38 : i32
      %lt3A_40 = arith.cmpi slt, %scan3A_20, %lt3A_39 : i32
      %convert_element_type3A_41 = arith.extui %lt3A_40 : i1 to i32
      %cond3A_42 = arith.constant 0 : i32
      %cond3A_43 = arith.cmpi ne, %convert_element_type3A_41, %cond3A_42 : i32
      scf.if %cond3A_43 {
        %add3A_57 = arith.constant 2 : i32
        %add3A_58 = arith.addi %mul3A_22, %add3A_57 : i32
        %mul3A_59 = arith.constant 128 : i32
        %mul3A_60 = arith.muli %add3A_58, %mul3A_59 : i32
        %dma_start3A_61 = tpu.memref_slice %arg5[%mul3A_60] : memref<10000xi32, #tpu.memory_space<vmem>> -> memref<128xi32, #tpu.memory_space<vmem>>
        %dma_start3A_62 = arith.constant 0 : i32
        %dma_start3A_63 = arith.constant 0 : i32
        %dma_start3A_64 = tpu.memref_slice %arg8[%dma_start3A_62, %dma_start3A_63] : memref<10000x128xf32, #tpu.memory_space<vmem_shared>> -> memref<10000x128xf32, #tpu.memory_space<vmem_shared>>
        tpu.enqueue_indirect_dma source(%dma_start3A_64 : memref<10000x128xf32, #tpu.memory_space<vmem_shared>>) target(%arg6 : memref<128x128xf32, #tpu.memory_space<vmem>>) offsets(%dma_start3A_61 : memref<128xi32, #tpu.memory_space<vmem>>) semaphore(%arg9 : memref<!tpu.dma_semaphore, #tpu.memory_space<semaphore_mem>>)
      } else {
      }
      %add3A_44 = arith.constant 1 : i32
      %add3A_45 = arith.addi %mul3A_22, %add3A_44 : i32
      %mul3A_46 = arith.constant 128 : i32
      %mul3A_47 = arith.muli %add3A_45, %mul3A_46 : i32
      %dma_wait3A_48 = tpu.memref_slice %arg5[%mul3A_47] : memref<10000xi32, #tpu.memory_space<vmem>> -> memref<128xi32, #tpu.memory_space<vmem>>
      %dma_wait3A_49 = arith.constant 0 : i32
      %dma_wait3A_50 = arith.constant 0 : i32
      %dma_wait3A_51 = tpu.memref_slice %arg8[%dma_wait3A_49, %dma_wait3A_50] : memref<10000x128xf32, #tpu.memory_space<vmem_shared>> -> memref<10000x128xf32, #tpu.memory_space<vmem_shared>>
      tpu.wait_indirect_dma semaphore(%arg10 : memref<!tpu.dma_semaphore, #tpu.memory_space<semaphore_mem>>) src(%dma_wait3A_51 : memref<10000x128xf32, #tpu.memory_space<vmem_shared>>) dst(%arg7 : memref<128x128xf32, #tpu.memory_space<vmem>>)
      %add3A_52 = arith.constant 1 : i32
      %add3A_53 = arith.addi %mul3A_22, %add3A_52 : i32
      %mul3A_54 = arith.constant 128 : i32
      %mul3A_55 = arith.muli %add3A_53, %mul3A_54 : i32
      %add3A_56 = arith.addi %mul3A_2, %mul3A_55 : i32
      "tpu.region"() ({
        %run_scoped3A = tpu.sem_alloc : memref<!tpu.dma_semaphore, #tpu.memory_space<semaphore_mem>>
        %dma_start3A_57 = arith.constant 0 : i32
        %dma_start3A_58 = tpu.memref_slice %arg4[%add3A_56, %dma_start3A_57] : memref<320000x128xf32, #tpu.memory_space<hbm>> -> memref<128x128xf32, #tpu.memory_space<hbm>>
        %dma_start3A_59 = arith.constant 0 : i32
        %dma_start3A_60 = tpu.memref_slice %arg4[%add3A_56, %dma_start3A_59] : memref<320000x128xf32, #tpu.memory_space<hbm>> -> memref<128x128xf32, #tpu.memory_space<hbm>>
        tpu.enqueue_dma source(%arg7 : memref<128x128xf32, #tpu.memory_space<vmem>>) target(%dma_start3A_60 : memref<128x128xf32, #tpu.memory_space<hbm>>) target_semaphore(%run_scoped3A : memref<!tpu.dma_semaphore, #tpu.memory_space<semaphore_mem>>)
        %dma_wait3A_61 = arith.constant 0 : i32
        %dma_wait3A_62 = tpu.memref_slice %arg4[%add3A_56, %dma_wait3A_61] : memref<320000x128xf32, #tpu.memory_space<hbm>> -> memref<128x128xf32, #tpu.memory_space<hbm>>
        %dma_wait3A_63 = arith.constant 0 : i32
        %dma_wait3A_64 = tpu.memref_slice %arg4[%add3A_56, %dma_wait3A_63] : memref<320000x128xf32, #tpu.memory_space<hbm>> -> memref<128x128xf32, #tpu.memory_space<hbm>>
        tpu.wait_dma2 semaphore(%run_scoped3A : memref<!tpu.dma_semaphore, #tpu.memory_space<semaphore_mem>>) src(%arg7 : memref<128x128xf32, #tpu.memory_space<vmem>>) dst(%dma_wait3A_64 : memref<128x128xf32, #tpu.memory_space<hbm>>)
        tpu.yield
      }) : () -> ()
    }
    %scan3A_17 = arith.constant 39 : i32
    "tpu.region"() ({
      %run_scoped3A = tpu.sem_alloc : memref<!tpu.dma_semaphore, #tpu.memory_space<semaphore_mem>>
      %dma_start3A_20 = arith.constant 0 : i32
      %dma_start3A_21 = arith.constant 0 : i32
      %dma_start3A_22 = tpu.memref_slice %arg6[%dma_start3A_20, %dma_start3A_21] : memref<128x128xf32, #tpu.memory_space<vmem>> -> memref<16x128xf32, #tpu.memory_space<vmem>>
      %dma_start3A_23 = arith.constant 9984 : i32
      %dma_start3A_24 = tpu.memref_slice %arg5[%dma_start3A_23] : memref<10000xi32, #tpu.memory_space<vmem>> -> memref<16xi32, #tpu.memory_space<vmem>>
      %dma_start3A_25 = arith.constant 0 : i32
      %dma_start3A_26 = arith.constant 0 : i32
      %dma_start3A_27 = tpu.memref_slice %arg8[%dma_start3A_25, %dma_start3A_26] : memref<10000x128xf32, #tpu.memory_space<vmem_shared>> -> memref<10000x128xf32, #tpu.memory_space<vmem_shared>>
      tpu.enqueue_indirect_dma source(%dma_start3A_27 : memref<10000x128xf32, #tpu.memory_space<vmem_shared>>) target(%dma_start3A_22 : memref<16x128xf32, #tpu.memory_space<vmem>>) offsets(%dma_start3A_24 : memref<16xi32, #tpu.memory_space<vmem>>) semaphore(%run_scoped3A : memref<!tpu.dma_semaphore, #tpu.memory_space<semaphore_mem>>)
      %dma_wait3A = arith.constant 0 : i32
      %dma_wait3A_28 = arith.constant 0 : i32
      %dma_wait3A_29 = tpu.memref_slice %arg6[%dma_wait3A, %dma_wait3A_28] : memref<128x128xf32, #tpu.memory_space<vmem>> -> memref<16x128xf32, #tpu.memory_space<vmem>>
      %dma_wait3A_30 = arith.constant 9984 : i32
      %dma_wait3A_31 = tpu.memref_slice %arg5[%dma_wait3A_30] : memref<10000xi32, #tpu.memory_space<vmem>> -> memref<16xi32, #tpu.memory_space<vmem>>
      %dma_wait3A_32 = arith.constant 0 : i32
      %dma_wait3A_33 = arith.constant 0 : i32
      %dma_wait3A_34 = tpu.memref_slice %arg8[%dma_wait3A_32, %dma_wait3A_33] : memref<10000x128xf32, #tpu.memory_space<vmem_shared>> -> memref<10000x128xf32, #tpu.memory_space<vmem_shared>>
      tpu.wait_indirect_dma semaphore(%run_scoped3A : memref<!tpu.dma_semaphore, #tpu.memory_space<semaphore_mem>>) src(%dma_wait3A_34 : memref<10000x128xf32, #tpu.memory_space<vmem_shared>>) dst(%dma_wait3A_29 : memref<16x128xf32, #tpu.memory_space<vmem>>)
      tpu.yield
    }) : () -> ()
    %add3A_18 = arith.constant 9984 : i32
    %add3A_19 = arith.addi %mul3A_2, %add3A_18 : i32
    "tpu.region"() ({
      %run_scoped3A = tpu.sem_alloc : memref<!tpu.dma_semaphore, #tpu.memory_space<semaphore_mem>>
      %dma_start3A_20 = arith.constant 0 : i32
      %dma_start3A_21 = arith.constant 0 : i32
      %dma_start3A_22 = tpu.memref_slice %arg6[%dma_start3A_20, %dma_start3A_21] : memref<128x128xf32, #tpu.memory_space<vmem>> -> memref<16x128xf32, #tpu.memory_space<vmem>>
      %dma_start3A_23 = arith.constant 0 : i32
      %dma_start3A_24 = tpu.memref_slice %arg4[%add3A_19, %dma_start3A_23] : memref<320000x128xf32, #tpu.memory_space<hbm>> -> memref<16x128xf32, #tpu.memory_space<hbm>>
      %dma_start3A_25 = arith.constant 0 : i32
      %dma_start3A_26 = tpu.memref_slice %arg4[%add3A_19, %dma_start3A_25] : memref<320000x128xf32, #tpu.memory_space<hbm>> -> memref<16x128xf32, #tpu.memory_space<hbm>>
      %dma_start3A_27 = arith.constant 0 : i32
      %dma_start3A_28 = arith.constant 0 : i32
      %dma_start3A_29 = tpu.memref_slice %arg6[%dma_start3A_27, %dma_start3A_28] : memref<128x128xf32, #tpu.memory_space<vmem>> -> memref<16x128xf32, #tpu.memory_space<vmem>>
      tpu.enqueue_dma source(%dma_start3A_29 : memref<16x128xf32, #tpu.memory_space<vmem>>) target(%dma_start3A_26 : memref<16x128xf32, #tpu.memory_space<hbm>>) target_semaphore(%run_scoped3A : memref<!tpu.dma_semaphore, #tpu.memory_space<semaphore_mem>>)
      %dma_wait3A = arith.constant 0 : i32
      %dma_wait3A_30 = arith.constant 0 : i32
      %dma_wait3A_31 = tpu.memref_slice %arg6[%dma_wait3A, %dma_wait3A_30] : memref<128x128xf32, #tpu.memory_space<vmem>> -> memref<16x128xf32, #tpu.memory_space<vmem>>
      %dma_wait3A_32 = arith.constant 0 : i32
      %dma_wait3A_33 = tpu.memref_slice %arg4[%add3A_19, %dma_wait3A_32] : memref<320000x128xf32, #tpu.memory_space<hbm>> -> memref<16x128xf32, #tpu.memory_space<hbm>>
      %dma_wait3A_34 = arith.constant 0 : i32
      %dma_wait3A_35 = tpu.memref_slice %arg4[%add3A_19, %dma_wait3A_34] : memref<320000x128xf32, #tpu.memory_space<hbm>> -> memref<16x128xf32, #tpu.memory_space<hbm>>
      %dma_wait3A_36 = arith.constant 0 : i32
      %dma_wait3A_37 = arith.constant 0 : i32
      %dma_wait3A_38 = tpu.memref_slice %arg6[%dma_wait3A_36, %dma_wait3A_37] : memref<128x128xf32, #tpu.memory_space<vmem>> -> memref<16x128xf32, #tpu.memory_space<vmem>>
      tpu.wait_dma2 semaphore(%run_scoped3A : memref<!tpu.dma_semaphore, #tpu.memory_space<semaphore_mem>>) src(%dma_wait3A_38 : memref<16x128xf32, #tpu.memory_space<vmem>>) dst(%dma_wait3A_35 : memref<16x128xf32, #tpu.memory_space<hbm>>)
      tpu.yield
    }) : () -> ()
    return
  }
}

#map = affine_map<(d0, d1) -> (0, 0)>
#map1 = affine_map<(d0, d1) -> (0)>
module attributes {stable_mosaic.version = 14 : i64} {
  func.func @scatter_k(%arg0: i32, %arg1: i32, %arg2: memref<160000x128xf32, #tpu.memory_space<hbm>>, %arg3: memref<160000x128xf32, #tpu.memory_space<hbm>>, %arg4: memref<160000xi32, #tpu.memory_space<hbm>>, %arg5: memref<10000x128xf32, #tpu.memory_space<hbm>>, %arg6: memref<10000x128xf32, #tpu.memory_space<hbm>>, %arg7: memref<10000x128xf32, #tpu.memory_space<hbm>>, %arg8: memref<10000x128xf32, #tpu.memory_space<hbm>>, %arg9: memref<128xi32, #tpu.memory_space<vmem>>, %arg10: memref<128xi32, #tpu.memory_space<vmem>>, %arg11: memref<128x128xf32, #tpu.memory_space<vmem>>, %arg12: memref<128x128xf32, #tpu.memory_space<vmem>>, %arg13: memref<16xi32, #tpu.memory_space<vmem>>, %arg14: memref<16x128xf32, #tpu.memory_space<vmem>>, %arg15: memref<10000x128xf32, #tpu.memory_space<vmem_shared>>, %arg16: memref<!tpu.dma_semaphore, #tpu.memory_space<semaphore_mem>>, %arg17: memref<!tpu.dma_semaphore, #tpu.memory_space<semaphore_mem>>) attributes {dimension_semantics = [#tpu.dimension_semantics<core_parallel>, #tpu.dimension_semantics<subcore_parallel>], iteration_bounds = array<i64: 2, 16>, scalar_prefetch = 0 : i64, scratch_operands = 9 : i64, tpu.core_type = #tpu.core_type<sc_vector_subcore>, window_params = [{transform_indices = #map}, {transform_indices = #map}, {transform_indices = #map1}, {transform_indices = #map}, {transform_indices = #map}, {transform_indices = #map}, {transform_indices = #map}]} {
    %eq3A = arith.constant 0 : i32
    %eq3A_0 = arith.cmpi eq, %arg0, %eq3A : i32
    %convert_element_type3A = arith.extui %eq3A_0 : i1 to i32
    %cond3A = arith.constant 0 : i32
    %cond3A_1 = arith.cmpi ne, %convert_element_type3A, %cond3A : i32
    scf.if %cond3A_1 {
      %lt3A = arith.constant 15 : i32
      %lt3A_29 = arith.cmpi slt, %arg1, %lt3A : i32
      %convert_element_type3A_30 = arith.extui %lt3A_29 : i1 to i32
      %cond3A_31 = arith.constant 0 : i32
      %cond3A_32 = arith.cmpi ne, %convert_element_type3A_30, %cond3A_31 : i32
      scf.if %cond3A_32 {
        %mul3A_38 = arith.constant 624 : i32
        %mul3A_39 = arith.muli %arg1, %mul3A_38 : i32
        "tpu.region"() ({
          %run_scoped3A = tpu.sem_alloc : memref<!tpu.dma_semaphore, #tpu.memory_space<semaphore_mem>>
          %dma_start3A = arith.constant 0 : i32
          %dma_start3A_40 = tpu.memref_slice %arg15[%mul3A_39, %dma_start3A] : memref<10000x128xf32, #tpu.memory_space<vmem_shared>> -> memref<624x128xf32, #tpu.memory_space<vmem_shared>>
          %dma_start3A_41 = arith.constant 0 : i32
          %dma_start3A_42 = tpu.memref_slice %arg5[%mul3A_39, %dma_start3A_41] : memref<10000x128xf32, #tpu.memory_space<hbm>> -> memref<624x128xf32, #tpu.memory_space<hbm>>
          tpu.enqueue_dma source(%dma_start3A_42 : memref<624x128xf32, #tpu.memory_space<hbm>>) target(%dma_start3A_40 : memref<624x128xf32, #tpu.memory_space<vmem_shared>>) target_semaphore(%run_scoped3A : memref<!tpu.dma_semaphore, #tpu.memory_space<semaphore_mem>>)
          %dma_wait3A = arith.constant 0 : i32
          %dma_wait3A_43 = tpu.memref_slice %arg15[%mul3A_39, %dma_wait3A] : memref<10000x128xf32, #tpu.memory_space<vmem_shared>> -> memref<624x128xf32, #tpu.memory_space<vmem_shared>>
          %dma_wait3A_44 = arith.constant 0 : i32
          %dma_wait3A_45 = tpu.memref_slice %arg5[%mul3A_39, %dma_wait3A_44] : memref<10000x128xf32, #tpu.memory_space<hbm>> -> memref<624x128xf32, #tpu.memory_space<hbm>>
          tpu.wait_dma2 semaphore(%run_scoped3A : memref<!tpu.dma_semaphore, #tpu.memory_space<semaphore_mem>>) src(%dma_wait3A_45 : memref<624x128xf32, #tpu.memory_space<hbm>>) dst(%dma_wait3A_43 : memref<624x128xf32, #tpu.memory_space<vmem_shared>>)
          tpu.yield
        }) : () -> ()
      } else {
      }
      %eq3A_33 = arith.constant 15 : i32
      %eq3A_34 = arith.cmpi eq, %arg1, %eq3A_33 : i32
      %convert_element_type3A_35 = arith.extui %eq3A_34 : i1 to i32
      %cond3A_36 = arith.constant 0 : i32
      %cond3A_37 = arith.cmpi ne, %convert_element_type3A_35, %cond3A_36 : i32
      scf.if %cond3A_37 {
        "tpu.region"() ({
          %run_scoped3A = tpu.sem_alloc : memref<!tpu.dma_semaphore, #tpu.memory_space<semaphore_mem>>
          %dma_start3A = arith.constant 9360 : i32
          %dma_start3A_38 = arith.constant 0 : i32
          %dma_start3A_39 = tpu.memref_slice %arg15[%dma_start3A, %dma_start3A_38] : memref<10000x128xf32, #tpu.memory_space<vmem_shared>> -> memref<640x128xf32, #tpu.memory_space<vmem_shared>>
          %dma_start3A_40 = arith.constant 9360 : i32
          %dma_start3A_41 = arith.constant 0 : i32
          %dma_start3A_42 = tpu.memref_slice %arg5[%dma_start3A_40, %dma_start3A_41] : memref<10000x128xf32, #tpu.memory_space<hbm>> -> memref<640x128xf32, #tpu.memory_space<hbm>>
          tpu.enqueue_dma source(%dma_start3A_42 : memref<640x128xf32, #tpu.memory_space<hbm>>) target(%dma_start3A_39 : memref<640x128xf32, #tpu.memory_space<vmem_shared>>) target_semaphore(%run_scoped3A : memref<!tpu.dma_semaphore, #tpu.memory_space<semaphore_mem>>)
          %dma_wait3A = arith.constant 9360 : i32
          %dma_wait3A_43 = arith.constant 0 : i32
          %dma_wait3A_44 = tpu.memref_slice %arg15[%dma_wait3A, %dma_wait3A_43] : memref<10000x128xf32, #tpu.memory_space<vmem_shared>> -> memref<640x128xf32, #tpu.memory_space<vmem_shared>>
          %dma_wait3A_45 = arith.constant 9360 : i32
          %dma_wait3A_46 = arith.constant 0 : i32
          %dma_wait3A_47 = tpu.memref_slice %arg5[%dma_wait3A_45, %dma_wait3A_46] : memref<10000x128xf32, #tpu.memory_space<hbm>> -> memref<640x128xf32, #tpu.memory_space<hbm>>
          tpu.wait_dma2 semaphore(%run_scoped3A : memref<!tpu.dma_semaphore, #tpu.memory_space<semaphore_mem>>) src(%dma_wait3A_47 : memref<640x128xf32, #tpu.memory_space<hbm>>) dst(%dma_wait3A_44 : memref<640x128xf32, #tpu.memory_space<vmem_shared>>)
          tpu.yield
        }) : () -> ()
      } else {
      }
    } else {
    }
    %eq3A_2 = arith.constant 1 : i32
    %eq3A_3 = arith.cmpi eq, %arg0, %eq3A_2 : i32
    %convert_element_type3A_4 = arith.extui %eq3A_3 : i1 to i32
    %cond3A_5 = arith.constant 0 : i32
    %cond3A_6 = arith.cmpi ne, %convert_element_type3A_4, %cond3A_5 : i32
    scf.if %cond3A_6 {
      %lt3A = arith.constant 15 : i32
      %lt3A_29 = arith.cmpi slt, %arg1, %lt3A : i32
      %convert_element_type3A_30 = arith.extui %lt3A_29 : i1 to i32
      %cond3A_31 = arith.constant 0 : i32
      %cond3A_32 = arith.cmpi ne, %convert_element_type3A_30, %cond3A_31 : i32
      scf.if %cond3A_32 {
        %mul3A_38 = arith.constant 624 : i32
        %mul3A_39 = arith.muli %arg1, %mul3A_38 : i32
        "tpu.region"() ({
          %run_scoped3A = tpu.sem_alloc : memref<!tpu.dma_semaphore, #tpu.memory_space<semaphore_mem>>
          %dma_start3A = arith.constant 0 : i32
          %dma_start3A_40 = tpu.memref_slice %arg15[%mul3A_39, %dma_start3A] : memref<10000x128xf32, #tpu.memory_space<vmem_shared>> -> memref<624x128xf32, #tpu.memory_space<vmem_shared>>
          %dma_start3A_41 = arith.constant 0 : i32
          %dma_start3A_42 = tpu.memref_slice %arg6[%mul3A_39, %dma_start3A_41] : memref<10000x128xf32, #tpu.memory_space<hbm>> -> memref<624x128xf32, #tpu.memory_space<hbm>>
          tpu.enqueue_dma source(%dma_start3A_42 : memref<624x128xf32, #tpu.memory_space<hbm>>) target(%dma_start3A_40 : memref<624x128xf32, #tpu.memory_space<vmem_shared>>) target_semaphore(%run_scoped3A : memref<!tpu.dma_semaphore, #tpu.memory_space<semaphore_mem>>)
          %dma_wait3A = arith.constant 0 : i32
          %dma_wait3A_43 = tpu.memref_slice %arg15[%mul3A_39, %dma_wait3A] : memref<10000x128xf32, #tpu.memory_space<vmem_shared>> -> memref<624x128xf32, #tpu.memory_space<vmem_shared>>
          %dma_wait3A_44 = arith.constant 0 : i32
          %dma_wait3A_45 = tpu.memref_slice %arg6[%mul3A_39, %dma_wait3A_44] : memref<10000x128xf32, #tpu.memory_space<hbm>> -> memref<624x128xf32, #tpu.memory_space<hbm>>
          tpu.wait_dma2 semaphore(%run_scoped3A : memref<!tpu.dma_semaphore, #tpu.memory_space<semaphore_mem>>) src(%dma_wait3A_45 : memref<624x128xf32, #tpu.memory_space<hbm>>) dst(%dma_wait3A_43 : memref<624x128xf32, #tpu.memory_space<vmem_shared>>)
          tpu.yield
        }) : () -> ()
      } else {
      }
      %eq3A_33 = arith.constant 15 : i32
      %eq3A_34 = arith.cmpi eq, %arg1, %eq3A_33 : i32
      %convert_element_type3A_35 = arith.extui %eq3A_34 : i1 to i32
      %cond3A_36 = arith.constant 0 : i32
      %cond3A_37 = arith.cmpi ne, %convert_element_type3A_35, %cond3A_36 : i32
      scf.if %cond3A_37 {
        "tpu.region"() ({
          %run_scoped3A = tpu.sem_alloc : memref<!tpu.dma_semaphore, #tpu.memory_space<semaphore_mem>>
          %dma_start3A = arith.constant 9360 : i32
          %dma_start3A_38 = arith.constant 0 : i32
          %dma_start3A_39 = tpu.memref_slice %arg15[%dma_start3A, %dma_start3A_38] : memref<10000x128xf32, #tpu.memory_space<vmem_shared>> -> memref<640x128xf32, #tpu.memory_space<vmem_shared>>
          %dma_start3A_40 = arith.constant 9360 : i32
          %dma_start3A_41 = arith.constant 0 : i32
          %dma_start3A_42 = tpu.memref_slice %arg6[%dma_start3A_40, %dma_start3A_41] : memref<10000x128xf32, #tpu.memory_space<hbm>> -> memref<640x128xf32, #tpu.memory_space<hbm>>
          tpu.enqueue_dma source(%dma_start3A_42 : memref<640x128xf32, #tpu.memory_space<hbm>>) target(%dma_start3A_39 : memref<640x128xf32, #tpu.memory_space<vmem_shared>>) target_semaphore(%run_scoped3A : memref<!tpu.dma_semaphore, #tpu.memory_space<semaphore_mem>>)
          %dma_wait3A = arith.constant 9360 : i32
          %dma_wait3A_43 = arith.constant 0 : i32
          %dma_wait3A_44 = tpu.memref_slice %arg15[%dma_wait3A, %dma_wait3A_43] : memref<10000x128xf32, #tpu.memory_space<vmem_shared>> -> memref<640x128xf32, #tpu.memory_space<vmem_shared>>
          %dma_wait3A_45 = arith.constant 9360 : i32
          %dma_wait3A_46 = arith.constant 0 : i32
          %dma_wait3A_47 = tpu.memref_slice %arg6[%dma_wait3A_45, %dma_wait3A_46] : memref<10000x128xf32, #tpu.memory_space<hbm>> -> memref<640x128xf32, #tpu.memory_space<hbm>>
          tpu.wait_dma2 semaphore(%run_scoped3A : memref<!tpu.dma_semaphore, #tpu.memory_space<semaphore_mem>>) src(%dma_wait3A_47 : memref<640x128xf32, #tpu.memory_space<hbm>>) dst(%dma_wait3A_44 : memref<640x128xf32, #tpu.memory_space<vmem_shared>>)
          tpu.yield
        }) : () -> ()
      } else {
      }
    } else {
    }
    %mul3A = arith.constant 10000 : i32
    %mul3A_7 = arith.muli %arg1, %mul3A : i32
    %barrier3A = arith.constant 0 : index
    tpu.barrier barrier_id(%barrier3A)
    %eq3A_8 = arith.constant 0 : i32
    %eq3A_9 = arith.cmpi eq, %arg0, %eq3A_8 : i32
    %convert_element_type3A_10 = arith.extui %eq3A_9 : i1 to i32
    %cond3A_11 = arith.constant 0 : i32
    %cond3A_12 = arith.cmpi ne, %convert_element_type3A_10, %cond3A_11 : i32
    scf.if %cond3A_12 {
      %add3A = arith.constant 0 : i32
      %add3A_29 = arith.addi %mul3A_7, %add3A : i32
      %dma_start3A = arith.constant 0 : i32
      %dma_start3A_30 = tpu.memref_slice %arg2[%add3A_29, %dma_start3A] : memref<160000x128xf32, #tpu.memory_space<hbm>> -> memref<128x128xf32, #tpu.memory_space<hbm>>
      %dma_start3A_31 = arith.constant 0 : i32
      %dma_start3A_32 = tpu.memref_slice %arg2[%add3A_29, %dma_start3A_31] : memref<160000x128xf32, #tpu.memory_space<hbm>> -> memref<128x128xf32, #tpu.memory_space<hbm>>
      tpu.enqueue_dma source(%dma_start3A_32 : memref<128x128xf32, #tpu.memory_space<hbm>>) target(%arg11 : memref<128x128xf32, #tpu.memory_space<vmem>>) target_semaphore(%arg16 : memref<!tpu.dma_semaphore, #tpu.memory_space<semaphore_mem>>)
      %add3A_33 = arith.constant 0 : i32
      %add3A_34 = arith.addi %mul3A_7, %add3A_33 : i32
      %dma_start3A_35 = tpu.memref_slice %arg4[%add3A_34] : memref<160000xi32, #tpu.memory_space<hbm>> -> memref<128xi32, #tpu.memory_space<hbm>>
      %dma_start3A_36 = tpu.memref_slice %arg4[%add3A_34] : memref<160000xi32, #tpu.memory_space<hbm>> -> memref<128xi32, #tpu.memory_space<hbm>>
      tpu.enqueue_dma source(%dma_start3A_36 : memref<128xi32, #tpu.memory_space<hbm>>) target(%arg9 : memref<128xi32, #tpu.memory_space<vmem>>) target_semaphore(%arg16 : memref<!tpu.dma_semaphore, #tpu.memory_space<semaphore_mem>>)
      %scan3A = arith.constant 0 : i32
      %scan3A_37 = arith.constant 0 : i32
      %scan3A_38 = arith.constant 39 : i32
      %scan3A_39 = arith.addi %scan3A_37, %scan3A_38 : i32
      %scan3A_40 = arith.constant 1 : i32
      scf.for %scan3A_44 = %scan3A_37 to %scan3A_39 step %scan3A_40  : i32 {
        %mul3A_45 = arith.constant 2 : i32
        %mul3A_46 = arith.muli %mul3A_45, %scan3A_44 : i32
        %add3A_47 = arith.constant 1 : i32
        %add3A_48 = arith.addi %mul3A_46, %add3A_47 : i32
        %mul3A_49 = arith.constant 128 : i32
        %mul3A_50 = arith.muli %add3A_48, %mul3A_49 : i32
        %add3A_51 = arith.addi %mul3A_7, %mul3A_50 : i32
        %dma_start3A_52 = arith.constant 0 : i32
        %dma_start3A_53 = tpu.memref_slice %arg2[%add3A_51, %dma_start3A_52] : memref<160000x128xf32, #tpu.memory_space<hbm>> -> memref<128x128xf32, #tpu.memory_space<hbm>>
        %dma_start3A_54 = arith.constant 0 : i32
        %dma_start3A_55 = tpu.memref_slice %arg2[%add3A_51, %dma_start3A_54] : memref<160000x128xf32, #tpu.memory_space<hbm>> -> memref<128x128xf32, #tpu.memory_space<hbm>>
        tpu.enqueue_dma source(%dma_start3A_55 : memref<128x128xf32, #tpu.memory_space<hbm>>) target(%arg12 : memref<128x128xf32, #tpu.memory_space<vmem>>) target_semaphore(%arg17 : memref<!tpu.dma_semaphore, #tpu.memory_space<semaphore_mem>>)
        %mul3A_56 = arith.constant 128 : i32
        %mul3A_57 = arith.muli %add3A_48, %mul3A_56 : i32
        %add3A_58 = arith.addi %mul3A_7, %mul3A_57 : i32
        %dma_start3A_59 = tpu.memref_slice %arg4[%add3A_58] : memref<160000xi32, #tpu.memory_space<hbm>> -> memref<128xi32, #tpu.memory_space<hbm>>
        %dma_start3A_60 = tpu.memref_slice %arg4[%add3A_58] : memref<160000xi32, #tpu.memory_space<hbm>> -> memref<128xi32, #tpu.memory_space<hbm>>
        tpu.enqueue_dma source(%dma_start3A_60 : memref<128xi32, #tpu.memory_space<hbm>>) target(%arg10 : memref<128xi32, #tpu.memory_space<vmem>>) target_semaphore(%arg17 : memref<!tpu.dma_semaphore, #tpu.memory_space<semaphore_mem>>)
        %mul3A_61 = arith.constant 128 : i32
        %mul3A_62 = arith.muli %mul3A_46, %mul3A_61 : i32
        %add3A_63 = arith.addi %mul3A_7, %mul3A_62 : i32
        %dma_wait3A = arith.constant 0 : i32
        %dma_wait3A_64 = tpu.memref_slice %arg2[%add3A_63, %dma_wait3A] : memref<160000x128xf32, #tpu.memory_space<hbm>> -> memref<128x128xf32, #tpu.memory_space<hbm>>
        %dma_wait3A_65 = arith.constant 0 : i32
        %dma_wait3A_66 = tpu.memref_slice %arg2[%add3A_63, %dma_wait3A_65] : memref<160000x128xf32, #tpu.memory_space<hbm>> -> memref<128x128xf32, #tpu.memory_space<hbm>>
        tpu.wait_dma2 semaphore(%arg16 : memref<!tpu.dma_semaphore, #tpu.memory_space<semaphore_mem>>) src(%dma_wait3A_66 : memref<128x128xf32, #tpu.memory_space<hbm>>) dst(%arg11 : memref<128x128xf32, #tpu.memory_space<vmem>>)
        %mul3A_67 = arith.constant 128 : i32
        %mul3A_68 = arith.muli %mul3A_46, %mul3A_67 : i32
        %add3A_69 = arith.addi %mul3A_7, %mul3A_68 : i32
        %dma_wait3A_70 = tpu.memref_slice %arg4[%add3A_69] : memref<160000xi32, #tpu.memory_space<hbm>> -> memref<128xi32, #tpu.memory_space<hbm>>
        %dma_wait3A_71 = tpu.memref_slice %arg4[%add3A_69] : memref<160000xi32, #tpu.memory_space<hbm>> -> memref<128xi32, #tpu.memory_space<hbm>>
        tpu.wait_dma2 semaphore(%arg16 : memref<!tpu.dma_semaphore, #tpu.memory_space<semaphore_mem>>) src(%dma_wait3A_71 : memref<128xi32, #tpu.memory_space<hbm>>) dst(%arg9 : memref<128xi32, #tpu.memory_space<vmem>>)
        "tpu.region"() ({
          %run_scoped3A = tpu.sem_alloc : memref<!tpu.dma_semaphore, #tpu.memory_space<semaphore_mem>>
          %dma_start3A_90 = arith.constant 0 : i32
          %dma_start3A_91 = arith.constant 0 : i32
          %dma_start3A_92 = tpu.memref_slice %arg15[%dma_start3A_90, %dma_start3A_91] : memref<10000x128xf32, #tpu.memory_space<vmem_shared>> -> memref<10000x128xf32, #tpu.memory_space<vmem_shared>>
          tpu.enqueue_indirect_dma source(%arg11 : memref<128x128xf32, #tpu.memory_space<vmem>>) target(%dma_start3A_92 : memref<10000x128xf32, #tpu.memory_space<vmem_shared>>) offsets(%arg9 : memref<128xi32, #tpu.memory_space<vmem>>) semaphore(%run_scoped3A : memref<!tpu.dma_semaphore, #tpu.memory_space<semaphore_mem>>) {add = true}
          %dma_wait3A_93 = arith.constant 0 : i32
          %dma_wait3A_94 = arith.constant 0 : i32
          %dma_wait3A_95 = tpu.memref_slice %arg15[%dma_wait3A_93, %dma_wait3A_94] : memref<10000x128xf32, #tpu.memory_space<vmem_shared>> -> memref<10000x128xf32, #tpu.memory_space<vmem_shared>>
          tpu.wait_indirect_dma semaphore(%run_scoped3A : memref<!tpu.dma_semaphore, #tpu.memory_space<semaphore_mem>>) src(%arg11 : memref<128x128xf32, #tpu.memory_space<vmem>>) dst(%dma_wait3A_95 : memref<10000x128xf32, #tpu.memory_space<vmem_shared>>)
          tpu.yield
        }) : () -> ()
        %lt3A = arith.constant 38 : i32
        %lt3A_72 = arith.cmpi slt, %scan3A_44, %lt3A : i32
        %convert_element_type3A_73 = arith.extui %lt3A_72 : i1 to i32
        %cond3A_74 = arith.constant 0 : i32
        %cond3A_75 = arith.cmpi ne, %convert_element_type3A_73, %cond3A_74 : i32
        scf.if %cond3A_75 {
          %add3A_90 = arith.constant 2 : i32
          %add3A_91 = arith.addi %mul3A_46, %add3A_90 : i32
          %mul3A_92 = arith.constant 128 : i32
          %mul3A_93 = arith.muli %add3A_91, %mul3A_92 : i32
          %add3A_94 = arith.addi %mul3A_7, %mul3A_93 : i32
          %dma_start3A_95 = arith.constant 0 : i32
          %dma_start3A_96 = tpu.memref_slice %arg2[%add3A_94, %dma_start3A_95] : memref<160000x128xf32, #tpu.memory_space<hbm>> -> memref<128x128xf32, #tpu.memory_space<hbm>>
          %dma_start3A_97 = arith.constant 0 : i32
          %dma_start3A_98 = tpu.memref_slice %arg2[%add3A_94, %dma_start3A_97] : memref<160000x128xf32, #tpu.memory_space<hbm>> -> memref<128x128xf32, #tpu.memory_space<hbm>>
          tpu.enqueue_dma source(%dma_start3A_98 : memref<128x128xf32, #tpu.memory_space<hbm>>) target(%arg11 : memref<128x128xf32, #tpu.memory_space<vmem>>) target_semaphore(%arg16 : memref<!tpu.dma_semaphore, #tpu.memory_space<semaphore_mem>>)
          %mul3A_99 = arith.constant 128 : i32
          %mul3A_100 = arith.muli %add3A_91, %mul3A_99 : i32
          %add3A_101 = arith.addi %mul3A_7, %mul3A_100 : i32
          %dma_start3A_102 = tpu.memref_slice %arg4[%add3A_101] : memref<160000xi32, #tpu.memory_space<hbm>> -> memref<128xi32, #tpu.memory_space<hbm>>
          %dma_start3A_103 = tpu.memref_slice %arg4[%add3A_101] : memref<160000xi32, #tpu.memory_space<hbm>> -> memref<128xi32, #tpu.memory_space<hbm>>
          tpu.enqueue_dma source(%dma_start3A_103 : memref<128xi32, #tpu.memory_space<hbm>>) target(%arg9 : memref<128xi32, #tpu.memory_space<vmem>>) target_semaphore(%arg16 : memref<!tpu.dma_semaphore, #tpu.memory_space<semaphore_mem>>)
        } else {
        }
        %add3A_76 = arith.constant 1 : i32
        %add3A_77 = arith.addi %mul3A_46, %add3A_76 : i32
        %mul3A_78 = arith.constant 128 : i32
        %mul3A_79 = arith.muli %add3A_77, %mul3A_78 : i32
        %add3A_80 = arith.addi %mul3A_7, %mul3A_79 : i32
        %dma_wait3A_81 = arith.constant 0 : i32
        %dma_wait3A_82 = tpu.memref_slice %arg2[%add3A_80, %dma_wait3A_81] : memref<160000x128xf32, #tpu.memory_space<hbm>> -> memref<128x128xf32, #tpu.memory_space<hbm>>
        %dma_wait3A_83 = arith.constant 0 : i32
        %dma_wait3A_84 = tpu.memref_slice %arg2[%add3A_80, %dma_wait3A_83] : memref<160000x128xf32, #tpu.memory_space<hbm>> -> memref<128x128xf32, #tpu.memory_space<hbm>>
        tpu.wait_dma2 semaphore(%arg17 : memref<!tpu.dma_semaphore, #tpu.memory_space<semaphore_mem>>) src(%dma_wait3A_84 : memref<128x128xf32, #tpu.memory_space<hbm>>) dst(%arg12 : memref<128x128xf32, #tpu.memory_space<vmem>>)
        %mul3A_85 = arith.constant 128 : i32
        %mul3A_86 = arith.muli %add3A_77, %mul3A_85 : i32
        %add3A_87 = arith.addi %mul3A_7, %mul3A_86 : i32
        %dma_wait3A_88 = tpu.memref_slice %arg4[%add3A_87] : memref<160000xi32, #tpu.memory_space<hbm>> -> memref<128xi32, #tpu.memory_space<hbm>>
        %dma_wait3A_89 = tpu.memref_slice %arg4[%add3A_87] : memref<160000xi32, #tpu.memory_space<hbm>> -> memref<128xi32, #tpu.memory_space<hbm>>
        tpu.wait_dma2 semaphore(%arg17 : memref<!tpu.dma_semaphore, #tpu.memory_space<semaphore_mem>>) src(%dma_wait3A_89 : memref<128xi32, #tpu.memory_space<hbm>>) dst(%arg10 : memref<128xi32, #tpu.memory_space<vmem>>)
        "tpu.region"() ({
          %run_scoped3A = tpu.sem_alloc : memref<!tpu.dma_semaphore, #tpu.memory_space<semaphore_mem>>
          %dma_start3A_90 = arith.constant 0 : i32
          %dma_start3A_91 = arith.constant 0 : i32
          %dma_start3A_92 = tpu.memref_slice %arg15[%dma_start3A_90, %dma_start3A_91] : memref<10000x128xf32, #tpu.memory_space<vmem_shared>> -> memref<10000x128xf32, #tpu.memory_space<vmem_shared>>
          tpu.enqueue_indirect_dma source(%arg12 : memref<128x128xf32, #tpu.memory_space<vmem>>) target(%dma_start3A_92 : memref<10000x128xf32, #tpu.memory_space<vmem_shared>>) offsets(%arg10 : memref<128xi32, #tpu.memory_space<vmem>>) semaphore(%run_scoped3A : memref<!tpu.dma_semaphore, #tpu.memory_space<semaphore_mem>>) {add = true}
          %dma_wait3A_93 = arith.constant 0 : i32
          %dma_wait3A_94 = arith.constant 0 : i32
          %dma_wait3A_95 = tpu.memref_slice %arg15[%dma_wait3A_93, %dma_wait3A_94] : memref<10000x128xf32, #tpu.memory_space<vmem_shared>> -> memref<10000x128xf32, #tpu.memory_space<vmem_shared>>
          tpu.wait_indirect_dma semaphore(%run_scoped3A : memref<!tpu.dma_semaphore, #tpu.memory_space<semaphore_mem>>) src(%arg12 : memref<128x128xf32, #tpu.memory_space<vmem>>) dst(%dma_wait3A_95 : memref<10000x128xf32, #tpu.memory_space<vmem_shared>>)
          tpu.yield
        }) : () -> ()
      }
      %scan3A_41 = arith.constant 39 : i32
      %add3A_42 = arith.constant 9984 : i32
      %add3A_43 = arith.addi %mul3A_7, %add3A_42 : i32
      "tpu.region"() ({
        %run_scoped3A = tpu.sem_alloc : memref<!tpu.dma_semaphore, #tpu.memory_space<semaphore_mem>>
        %dma_start3A_44 = arith.constant 0 : i32
        %dma_start3A_45 = tpu.memref_slice %arg2[%add3A_43, %dma_start3A_44] : memref<160000x128xf32, #tpu.memory_space<hbm>> -> memref<16x128xf32, #tpu.memory_space<hbm>>
        %dma_start3A_46 = arith.constant 0 : i32
        %dma_start3A_47 = tpu.memref_slice %arg2[%add3A_43, %dma_start3A_46] : memref<160000x128xf32, #tpu.memory_space<hbm>> -> memref<16x128xf32, #tpu.memory_space<hbm>>
        tpu.enqueue_dma source(%dma_start3A_47 : memref<16x128xf32, #tpu.memory_space<hbm>>) target(%arg14 : memref<16x128xf32, #tpu.memory_space<vmem>>) target_semaphore(%run_scoped3A : memref<!tpu.dma_semaphore, #tpu.memory_space<semaphore_mem>>)
        %dma_wait3A = arith.constant 0 : i32
        %dma_wait3A_48 = tpu.memref_slice %arg2[%add3A_43, %dma_wait3A] : memref<160000x128xf32, #tpu.memory_space<hbm>> -> memref<16x128xf32, #tpu.memory_space<hbm>>
        %dma_wait3A_49 = arith.constant 0 : i32
        %dma_wait3A_50 = tpu.memref_slice %arg2[%add3A_43, %dma_wait3A_49] : memref<160000x128xf32, #tpu.memory_space<hbm>> -> memref<16x128xf32, #tpu.memory_space<hbm>>
        tpu.wait_dma2 semaphore(%run_scoped3A : memref<!tpu.dma_semaphore, #tpu.memory_space<semaphore_mem>>) src(%dma_wait3A_50 : memref<16x128xf32, #tpu.memory_space<hbm>>) dst(%arg14 : memref<16x128xf32, #tpu.memory_space<vmem>>)
        tpu.yield
      }) : () -> ()
      "tpu.region"() ({
        %run_scoped3A = tpu.sem_alloc : memref<!tpu.dma_semaphore, #tpu.memory_space<semaphore_mem>>
        %dma_start3A_44 = tpu.memref_slice %arg4[%add3A_43] : memref<160000xi32, #tpu.memory_space<hbm>> -> memref<16xi32, #tpu.memory_space<hbm>>
        %dma_start3A_45 = tpu.memref_slice %arg4[%add3A_43] : memref<160000xi32, #tpu.memory_space<hbm>> -> memref<16xi32, #tpu.memory_space<hbm>>
        tpu.enqueue_dma source(%dma_start3A_45 : memref<16xi32, #tpu.memory_space<hbm>>) target(%arg13 : memref<16xi32, #tpu.memory_space<vmem>>) target_semaphore(%run_scoped3A : memref<!tpu.dma_semaphore, #tpu.memory_space<semaphore_mem>>)
        %dma_wait3A = tpu.memref_slice %arg4[%add3A_43] : memref<160000xi32, #tpu.memory_space<hbm>> -> memref<16xi32, #tpu.memory_space<hbm>>
        %dma_wait3A_46 = tpu.memref_slice %arg4[%add3A_43] : memref<160000xi32, #tpu.memory_space<hbm>> -> memref<16xi32, #tpu.memory_space<hbm>>
        tpu.wait_dma2 semaphore(%run_scoped3A : memref<!tpu.dma_semaphore, #tpu.memory_space<semaphore_mem>>) src(%dma_wait3A_46 : memref<16xi32, #tpu.memory_space<hbm>>) dst(%arg13 : memref<16xi32, #tpu.memory_space<vmem>>)
        tpu.yield
      }) : () -> ()
      "tpu.region"() ({
        %run_scoped3A = tpu.sem_alloc : memref<!tpu.dma_semaphore, #tpu.memory_space<semaphore_mem>>
        %dma_start3A_44 = arith.constant 0 : i32
        %dma_start3A_45 = arith.constant 0 : i32
        %dma_start3A_46 = tpu.memref_slice %arg15[%dma_start3A_44, %dma_start3A_45] : memref<10000x128xf32, #tpu.memory_space<vmem_shared>> -> memref<10000x128xf32, #tpu.memory_space<vmem_shared>>
        tpu.enqueue_indirect_dma source(%arg14 : memref<16x128xf32, #tpu.memory_space<vmem>>) target(%dma_start3A_46 : memref<10000x128xf32, #tpu.memory_space<vmem_shared>>) offsets(%arg13 : memref<16xi32, #tpu.memory_space<vmem>>) semaphore(%run_scoped3A : memref<!tpu.dma_semaphore, #tpu.memory_space<semaphore_mem>>) {add = true}
        %dma_wait3A = arith.constant 0 : i32
        %dma_wait3A_47 = arith.constant 0 : i32
        %dma_wait3A_48 = tpu.memref_slice %arg15[%dma_wait3A, %dma_wait3A_47] : memref<10000x128xf32, #tpu.memory_space<vmem_shared>> -> memref<10000x128xf32, #tpu.memory_space<vmem_shared>>
        tpu.wait_indirect_dma semaphore(%run_scoped3A : memref<!tpu.dma_semaphore, #tpu.memory_space<semaphore_mem>>) src(%arg14 : memref<16x128xf32, #tpu.memory_space<vmem>>) dst(%dma_wait3A_48 : memref<10000x128xf32, #tpu.memory_space<vmem_shared>>)
        tpu.yield
      }) : () -> ()
    } else {
    }
    %eq3A_13 = arith.constant 1 : i32
    %eq3A_14 = arith.cmpi eq, %arg0, %eq3A_13 : i32
    %convert_element_type3A_15 = arith.extui %eq3A_14 : i1 to i32
    %cond3A_16 = arith.constant 0 : i32
    %cond3A_17 = arith.cmpi ne, %convert_element_type3A_15, %cond3A_16 : i32
    scf.if %cond3A_17 {
      %add3A = arith.constant 0 : i32
      %add3A_29 = arith.addi %mul3A_7, %add3A : i32
      %dma_start3A = arith.constant 0 : i32
      %dma_start3A_30 = tpu.memref_slice %arg3[%add3A_29, %dma_start3A] : memref<160000x128xf32, #tpu.memory_space<hbm>> -> memref<128x128xf32, #tpu.memory_space<hbm>>
      %dma_start3A_31 = arith.constant 0 : i32
      %dma_start3A_32 = tpu.memref_slice %arg3[%add3A_29, %dma_start3A_31] : memref<160000x128xf32, #tpu.memory_space<hbm>> -> memref<128x128xf32, #tpu.memory_space<hbm>>
      tpu.enqueue_dma source(%dma_start3A_32 : memref<128x128xf32, #tpu.memory_space<hbm>>) target(%arg11 : memref<128x128xf32, #tpu.memory_space<vmem>>) target_semaphore(%arg16 : memref<!tpu.dma_semaphore, #tpu.memory_space<semaphore_mem>>)
      %add3A_33 = arith.constant 0 : i32
      %add3A_34 = arith.addi %mul3A_7, %add3A_33 : i32
      %dma_start3A_35 = tpu.memref_slice %arg4[%add3A_34] : memref<160000xi32, #tpu.memory_space<hbm>> -> memref<128xi32, #tpu.memory_space<hbm>>
      %dma_start3A_36 = tpu.memref_slice %arg4[%add3A_34] : memref<160000xi32, #tpu.memory_space<hbm>> -> memref<128xi32, #tpu.memory_space<hbm>>
      tpu.enqueue_dma source(%dma_start3A_36 : memref<128xi32, #tpu.memory_space<hbm>>) target(%arg9 : memref<128xi32, #tpu.memory_space<vmem>>) target_semaphore(%arg16 : memref<!tpu.dma_semaphore, #tpu.memory_space<semaphore_mem>>)
      %scan3A = arith.constant 0 : i32
      %scan3A_37 = arith.constant 0 : i32
      %scan3A_38 = arith.constant 39 : i32
      %scan3A_39 = arith.addi %scan3A_37, %scan3A_38 : i32
      %scan3A_40 = arith.constant 1 : i32
      scf.for %scan3A_44 = %scan3A_37 to %scan3A_39 step %scan3A_40  : i32 {
        %mul3A_45 = arith.constant 2 : i32
        %mul3A_46 = arith.muli %mul3A_45, %scan3A_44 : i32
        %add3A_47 = arith.constant 1 : i32
        %add3A_48 = arith.addi %mul3A_46, %add3A_47 : i32
        %mul3A_49 = arith.constant 128 : i32
        %mul3A_50 = arith.muli %add3A_48, %mul3A_49 : i32
        %add3A_51 = arith.addi %mul3A_7, %mul3A_50 : i32
        %dma_start3A_52 = arith.constant 0 : i32
        %dma_start3A_53 = tpu.memref_slice %arg3[%add3A_51, %dma_start3A_52] : memref<160000x128xf32, #tpu.memory_space<hbm>> -> memref<128x128xf32, #tpu.memory_space<hbm>>
        %dma_start3A_54 = arith.constant 0 : i32
        %dma_start3A_55 = tpu.memref_slice %arg3[%add3A_51, %dma_start3A_54] : memref<160000x128xf32, #tpu.memory_space<hbm>> -> memref<128x128xf32, #tpu.memory_space<hbm>>
        tpu.enqueue_dma source(%dma_start3A_55 : memref<128x128xf32, #tpu.memory_space<hbm>>) target(%arg12 : memref<128x128xf32, #tpu.memory_space<vmem>>) target_semaphore(%arg17 : memref<!tpu.dma_semaphore, #tpu.memory_space<semaphore_mem>>)
        %mul3A_56 = arith.constant 128 : i32
        %mul3A_57 = arith.muli %add3A_48, %mul3A_56 : i32
        %add3A_58 = arith.addi %mul3A_7, %mul3A_57 : i32
        %dma_start3A_59 = tpu.memref_slice %arg4[%add3A_58] : memref<160000xi32, #tpu.memory_space<hbm>> -> memref<128xi32, #tpu.memory_space<hbm>>
        %dma_start3A_60 = tpu.memref_slice %arg4[%add3A_58] : memref<160000xi32, #tpu.memory_space<hbm>> -> memref<128xi32, #tpu.memory_space<hbm>>
        tpu.enqueue_dma source(%dma_start3A_60 : memref<128xi32, #tpu.memory_space<hbm>>) target(%arg10 : memref<128xi32, #tpu.memory_space<vmem>>) target_semaphore(%arg17 : memref<!tpu.dma_semaphore, #tpu.memory_space<semaphore_mem>>)
        %mul3A_61 = arith.constant 128 : i32
        %mul3A_62 = arith.muli %mul3A_46, %mul3A_61 : i32
        %add3A_63 = arith.addi %mul3A_7, %mul3A_62 : i32
        %dma_wait3A = arith.constant 0 : i32
        %dma_wait3A_64 = tpu.memref_slice %arg3[%add3A_63, %dma_wait3A] : memref<160000x128xf32, #tpu.memory_space<hbm>> -> memref<128x128xf32, #tpu.memory_space<hbm>>
        %dma_wait3A_65 = arith.constant 0 : i32
        %dma_wait3A_66 = tpu.memref_slice %arg3[%add3A_63, %dma_wait3A_65] : memref<160000x128xf32, #tpu.memory_space<hbm>> -> memref<128x128xf32, #tpu.memory_space<hbm>>
        tpu.wait_dma2 semaphore(%arg16 : memref<!tpu.dma_semaphore, #tpu.memory_space<semaphore_mem>>) src(%dma_wait3A_66 : memref<128x128xf32, #tpu.memory_space<hbm>>) dst(%arg11 : memref<128x128xf32, #tpu.memory_space<vmem>>)
        %mul3A_67 = arith.constant 128 : i32
        %mul3A_68 = arith.muli %mul3A_46, %mul3A_67 : i32
        %add3A_69 = arith.addi %mul3A_7, %mul3A_68 : i32
        %dma_wait3A_70 = tpu.memref_slice %arg4[%add3A_69] : memref<160000xi32, #tpu.memory_space<hbm>> -> memref<128xi32, #tpu.memory_space<hbm>>
        %dma_wait3A_71 = tpu.memref_slice %arg4[%add3A_69] : memref<160000xi32, #tpu.memory_space<hbm>> -> memref<128xi32, #tpu.memory_space<hbm>>
        tpu.wait_dma2 semaphore(%arg16 : memref<!tpu.dma_semaphore, #tpu.memory_space<semaphore_mem>>) src(%dma_wait3A_71 : memref<128xi32, #tpu.memory_space<hbm>>) dst(%arg9 : memref<128xi32, #tpu.memory_space<vmem>>)
        "tpu.region"() ({
          %run_scoped3A = tpu.sem_alloc : memref<!tpu.dma_semaphore, #tpu.memory_space<semaphore_mem>>
          %dma_start3A_90 = arith.constant 0 : i32
          %dma_start3A_91 = arith.constant 0 : i32
          %dma_start3A_92 = tpu.memref_slice %arg15[%dma_start3A_90, %dma_start3A_91] : memref<10000x128xf32, #tpu.memory_space<vmem_shared>> -> memref<10000x128xf32, #tpu.memory_space<vmem_shared>>
          tpu.enqueue_indirect_dma source(%arg11 : memref<128x128xf32, #tpu.memory_space<vmem>>) target(%dma_start3A_92 : memref<10000x128xf32, #tpu.memory_space<vmem_shared>>) offsets(%arg9 : memref<128xi32, #tpu.memory_space<vmem>>) semaphore(%run_scoped3A : memref<!tpu.dma_semaphore, #tpu.memory_space<semaphore_mem>>) {add = true}
          %dma_wait3A_93 = arith.constant 0 : i32
          %dma_wait3A_94 = arith.constant 0 : i32
          %dma_wait3A_95 = tpu.memref_slice %arg15[%dma_wait3A_93, %dma_wait3A_94] : memref<10000x128xf32, #tpu.memory_space<vmem_shared>> -> memref<10000x128xf32, #tpu.memory_space<vmem_shared>>
          tpu.wait_indirect_dma semaphore(%run_scoped3A : memref<!tpu.dma_semaphore, #tpu.memory_space<semaphore_mem>>) src(%arg11 : memref<128x128xf32, #tpu.memory_space<vmem>>) dst(%dma_wait3A_95 : memref<10000x128xf32, #tpu.memory_space<vmem_shared>>)
          tpu.yield
        }) : () -> ()
        %lt3A = arith.constant 38 : i32
        %lt3A_72 = arith.cmpi slt, %scan3A_44, %lt3A : i32
        %convert_element_type3A_73 = arith.extui %lt3A_72 : i1 to i32
        %cond3A_74 = arith.constant 0 : i32
        %cond3A_75 = arith.cmpi ne, %convert_element_type3A_73, %cond3A_74 : i32
        scf.if %cond3A_75 {
          %add3A_90 = arith.constant 2 : i32
          %add3A_91 = arith.addi %mul3A_46, %add3A_90 : i32
          %mul3A_92 = arith.constant 128 : i32
          %mul3A_93 = arith.muli %add3A_91, %mul3A_92 : i32
          %add3A_94 = arith.addi %mul3A_7, %mul3A_93 : i32
          %dma_start3A_95 = arith.constant 0 : i32
          %dma_start3A_96 = tpu.memref_slice %arg3[%add3A_94, %dma_start3A_95] : memref<160000x128xf32, #tpu.memory_space<hbm>> -> memref<128x128xf32, #tpu.memory_space<hbm>>
          %dma_start3A_97 = arith.constant 0 : i32
          %dma_start3A_98 = tpu.memref_slice %arg3[%add3A_94, %dma_start3A_97] : memref<160000x128xf32, #tpu.memory_space<hbm>> -> memref<128x128xf32, #tpu.memory_space<hbm>>
          tpu.enqueue_dma source(%dma_start3A_98 : memref<128x128xf32, #tpu.memory_space<hbm>>) target(%arg11 : memref<128x128xf32, #tpu.memory_space<vmem>>) target_semaphore(%arg16 : memref<!tpu.dma_semaphore, #tpu.memory_space<semaphore_mem>>)
          %mul3A_99 = arith.constant 128 : i32
          %mul3A_100 = arith.muli %add3A_91, %mul3A_99 : i32
          %add3A_101 = arith.addi %mul3A_7, %mul3A_100 : i32
          %dma_start3A_102 = tpu.memref_slice %arg4[%add3A_101] : memref<160000xi32, #tpu.memory_space<hbm>> -> memref<128xi32, #tpu.memory_space<hbm>>
          %dma_start3A_103 = tpu.memref_slice %arg4[%add3A_101] : memref<160000xi32, #tpu.memory_space<hbm>> -> memref<128xi32, #tpu.memory_space<hbm>>
          tpu.enqueue_dma source(%dma_start3A_103 : memref<128xi32, #tpu.memory_space<hbm>>) target(%arg9 : memref<128xi32, #tpu.memory_space<vmem>>) target_semaphore(%arg16 : memref<!tpu.dma_semaphore, #tpu.memory_space<semaphore_mem>>)
        } else {
        }
        %add3A_76 = arith.constant 1 : i32
        %add3A_77 = arith.addi %mul3A_46, %add3A_76 : i32
        %mul3A_78 = arith.constant 128 : i32
        %mul3A_79 = arith.muli %add3A_77, %mul3A_78 : i32
        %add3A_80 = arith.addi %mul3A_7, %mul3A_79 : i32
        %dma_wait3A_81 = arith.constant 0 : i32
        %dma_wait3A_82 = tpu.memref_slice %arg3[%add3A_80, %dma_wait3A_81] : memref<160000x128xf32, #tpu.memory_space<hbm>> -> memref<128x128xf32, #tpu.memory_space<hbm>>
        %dma_wait3A_83 = arith.constant 0 : i32
        %dma_wait3A_84 = tpu.memref_slice %arg3[%add3A_80, %dma_wait3A_83] : memref<160000x128xf32, #tpu.memory_space<hbm>> -> memref<128x128xf32, #tpu.memory_space<hbm>>
        tpu.wait_dma2 semaphore(%arg17 : memref<!tpu.dma_semaphore, #tpu.memory_space<semaphore_mem>>) src(%dma_wait3A_84 : memref<128x128xf32, #tpu.memory_space<hbm>>) dst(%arg12 : memref<128x128xf32, #tpu.memory_space<vmem>>)
        %mul3A_85 = arith.constant 128 : i32
        %mul3A_86 = arith.muli %add3A_77, %mul3A_85 : i32
        %add3A_87 = arith.addi %mul3A_7, %mul3A_86 : i32
        %dma_wait3A_88 = tpu.memref_slice %arg4[%add3A_87] : memref<160000xi32, #tpu.memory_space<hbm>> -> memref<128xi32, #tpu.memory_space<hbm>>
        %dma_wait3A_89 = tpu.memref_slice %arg4[%add3A_87] : memref<160000xi32, #tpu.memory_space<hbm>> -> memref<128xi32, #tpu.memory_space<hbm>>
        tpu.wait_dma2 semaphore(%arg17 : memref<!tpu.dma_semaphore, #tpu.memory_space<semaphore_mem>>) src(%dma_wait3A_89 : memref<128xi32, #tpu.memory_space<hbm>>) dst(%arg10 : memref<128xi32, #tpu.memory_space<vmem>>)
        "tpu.region"() ({
          %run_scoped3A = tpu.sem_alloc : memref<!tpu.dma_semaphore, #tpu.memory_space<semaphore_mem>>
          %dma_start3A_90 = arith.constant 0 : i32
          %dma_start3A_91 = arith.constant 0 : i32
          %dma_start3A_92 = tpu.memref_slice %arg15[%dma_start3A_90, %dma_start3A_91] : memref<10000x128xf32, #tpu.memory_space<vmem_shared>> -> memref<10000x128xf32, #tpu.memory_space<vmem_shared>>
          tpu.enqueue_indirect_dma source(%arg12 : memref<128x128xf32, #tpu.memory_space<vmem>>) target(%dma_start3A_92 : memref<10000x128xf32, #tpu.memory_space<vmem_shared>>) offsets(%arg10 : memref<128xi32, #tpu.memory_space<vmem>>) semaphore(%run_scoped3A : memref<!tpu.dma_semaphore, #tpu.memory_space<semaphore_mem>>) {add = true}
          %dma_wait3A_93 = arith.constant 0 : i32
          %dma_wait3A_94 = arith.constant 0 : i32
          %dma_wait3A_95 = tpu.memref_slice %arg15[%dma_wait3A_93, %dma_wait3A_94] : memref<10000x128xf32, #tpu.memory_space<vmem_shared>> -> memref<10000x128xf32, #tpu.memory_space<vmem_shared>>
          tpu.wait_indirect_dma semaphore(%run_scoped3A : memref<!tpu.dma_semaphore, #tpu.memory_space<semaphore_mem>>) src(%arg12 : memref<128x128xf32, #tpu.memory_space<vmem>>) dst(%dma_wait3A_95 : memref<10000x128xf32, #tpu.memory_space<vmem_shared>>)
          tpu.yield
        }) : () -> ()
      }
      %scan3A_41 = arith.constant 39 : i32
      %add3A_42 = arith.constant 9984 : i32
      %add3A_43 = arith.addi %mul3A_7, %add3A_42 : i32
      "tpu.region"() ({
        %run_scoped3A = tpu.sem_alloc : memref<!tpu.dma_semaphore, #tpu.memory_space<semaphore_mem>>
        %dma_start3A_44 = arith.constant 0 : i32
        %dma_start3A_45 = tpu.memref_slice %arg3[%add3A_43, %dma_start3A_44] : memref<160000x128xf32, #tpu.memory_space<hbm>> -> memref<16x128xf32, #tpu.memory_space<hbm>>
        %dma_start3A_46 = arith.constant 0 : i32
        %dma_start3A_47 = tpu.memref_slice %arg3[%add3A_43, %dma_start3A_46] : memref<160000x128xf32, #tpu.memory_space<hbm>> -> memref<16x128xf32, #tpu.memory_space<hbm>>
        tpu.enqueue_dma source(%dma_start3A_47 : memref<16x128xf32, #tpu.memory_space<hbm>>) target(%arg14 : memref<16x128xf32, #tpu.memory_space<vmem>>) target_semaphore(%run_scoped3A : memref<!tpu.dma_semaphore, #tpu.memory_space<semaphore_mem>>)
        %dma_wait3A = arith.constant 0 : i32
        %dma_wait3A_48 = tpu.memref_slice %arg3[%add3A_43, %dma_wait3A] : memref<160000x128xf32, #tpu.memory_space<hbm>> -> memref<16x128xf32, #tpu.memory_space<hbm>>
        %dma_wait3A_49 = arith.constant 0 : i32
        %dma_wait3A_50 = tpu.memref_slice %arg3[%add3A_43, %dma_wait3A_49] : memref<160000x128xf32, #tpu.memory_space<hbm>> -> memref<16x128xf32, #tpu.memory_space<hbm>>
        tpu.wait_dma2 semaphore(%run_scoped3A : memref<!tpu.dma_semaphore, #tpu.memory_space<semaphore_mem>>) src(%dma_wait3A_50 : memref<16x128xf32, #tpu.memory_space<hbm>>) dst(%arg14 : memref<16x128xf32, #tpu.memory_space<vmem>>)
        tpu.yield
      }) : () -> ()
      "tpu.region"() ({
        %run_scoped3A = tpu.sem_alloc : memref<!tpu.dma_semaphore, #tpu.memory_space<semaphore_mem>>
        %dma_start3A_44 = tpu.memref_slice %arg4[%add3A_43] : memref<160000xi32, #tpu.memory_space<hbm>> -> memref<16xi32, #tpu.memory_space<hbm>>
        %dma_start3A_45 = tpu.memref_slice %arg4[%add3A_43] : memref<160000xi32, #tpu.memory_space<hbm>> -> memref<16xi32, #tpu.memory_space<hbm>>
        tpu.enqueue_dma source(%dma_start3A_45 : memref<16xi32, #tpu.memory_space<hbm>>) target(%arg13 : memref<16xi32, #tpu.memory_space<vmem>>) target_semaphore(%run_scoped3A : memref<!tpu.dma_semaphore, #tpu.memory_space<semaphore_mem>>)
        %dma_wait3A = tpu.memref_slice %arg4[%add3A_43] : memref<160000xi32, #tpu.memory_space<hbm>> -> memref<16xi32, #tpu.memory_space<hbm>>
        %dma_wait3A_46 = tpu.memref_slice %arg4[%add3A_43] : memref<160000xi32, #tpu.memory_space<hbm>> -> memref<16xi32, #tpu.memory_space<hbm>>
        tpu.wait_dma2 semaphore(%run_scoped3A : memref<!tpu.dma_semaphore, #tpu.memory_space<semaphore_mem>>) src(%dma_wait3A_46 : memref<16xi32, #tpu.memory_space<hbm>>) dst(%arg13 : memref<16xi32, #tpu.memory_space<vmem>>)
        tpu.yield
      }) : () -> ()
      "tpu.region"() ({
        %run_scoped3A = tpu.sem_alloc : memref<!tpu.dma_semaphore, #tpu.memory_space<semaphore_mem>>
        %dma_start3A_44 = arith.constant 0 : i32
        %dma_start3A_45 = arith.constant 0 : i32
        %dma_start3A_46 = tpu.memref_slice %arg15[%dma_start3A_44, %dma_start3A_45] : memref<10000x128xf32, #tpu.memory_space<vmem_shared>> -> memref<10000x128xf32, #tpu.memory_space<vmem_shared>>
        tpu.enqueue_indirect_dma source(%arg14 : memref<16x128xf32, #tpu.memory_space<vmem>>) target(%dma_start3A_46 : memref<10000x128xf32, #tpu.memory_space<vmem_shared>>) offsets(%arg13 : memref<16xi32, #tpu.memory_space<vmem>>) semaphore(%run_scoped3A : memref<!tpu.dma_semaphore, #tpu.memory_space<semaphore_mem>>) {add = true}
        %dma_wait3A = arith.constant 0 : i32
        %dma_wait3A_47 = arith.constant 0 : i32
        %dma_wait3A_48 = tpu.memref_slice %arg15[%dma_wait3A, %dma_wait3A_47] : memref<10000x128xf32, #tpu.memory_space<vmem_shared>> -> memref<10000x128xf32, #tpu.memory_space<vmem_shared>>
        tpu.wait_indirect_dma semaphore(%run_scoped3A : memref<!tpu.dma_semaphore, #tpu.memory_space<semaphore_mem>>) src(%arg14 : memref<16x128xf32, #tpu.memory_space<vmem>>) dst(%dma_wait3A_48 : memref<10000x128xf32, #tpu.memory_space<vmem_shared>>)
        tpu.yield
      }) : () -> ()
    } else {
    }
    %barrier3A_18 = arith.constant 0 : index
    tpu.barrier barrier_id(%barrier3A_18)
    %eq3A_19 = arith.constant 0 : i32
    %eq3A_20 = arith.cmpi eq, %arg0, %eq3A_19 : i32
    %convert_element_type3A_21 = arith.extui %eq3A_20 : i1 to i32
    %cond3A_22 = arith.constant 0 : i32
    %cond3A_23 = arith.cmpi ne, %convert_element_type3A_21, %cond3A_22 : i32
    scf.if %cond3A_23 {
      %lt3A = arith.constant 15 : i32
      %lt3A_29 = arith.cmpi slt, %arg1, %lt3A : i32
      %convert_element_type3A_30 = arith.extui %lt3A_29 : i1 to i32
      %cond3A_31 = arith.constant 0 : i32
      %cond3A_32 = arith.cmpi ne, %convert_element_type3A_30, %cond3A_31 : i32
      scf.if %cond3A_32 {
        %mul3A_38 = arith.constant 624 : i32
        %mul3A_39 = arith.muli %arg1, %mul3A_38 : i32
        "tpu.region"() ({
          %run_scoped3A = tpu.sem_alloc : memref<!tpu.dma_semaphore, #tpu.memory_space<semaphore_mem>>
          %dma_start3A = arith.constant 0 : i32
          %dma_start3A_40 = tpu.memref_slice %arg7[%mul3A_39, %dma_start3A] : memref<10000x128xf32, #tpu.memory_space<hbm>> -> memref<624x128xf32, #tpu.memory_space<hbm>>
          %dma_start3A_41 = arith.constant 0 : i32
          %dma_start3A_42 = tpu.memref_slice %arg15[%mul3A_39, %dma_start3A_41] : memref<10000x128xf32, #tpu.memory_space<vmem_shared>> -> memref<624x128xf32, #tpu.memory_space<vmem_shared>>
          tpu.enqueue_dma source(%dma_start3A_42 : memref<624x128xf32, #tpu.memory_space<vmem_shared>>) target(%dma_start3A_40 : memref<624x128xf32, #tpu.memory_space<hbm>>) target_semaphore(%run_scoped3A : memref<!tpu.dma_semaphore, #tpu.memory_space<semaphore_mem>>)
          %dma_wait3A = arith.constant 0 : i32
          %dma_wait3A_43 = tpu.memref_slice %arg7[%mul3A_39, %dma_wait3A] : memref<10000x128xf32, #tpu.memory_space<hbm>> -> memref<624x128xf32, #tpu.memory_space<hbm>>
          %dma_wait3A_44 = arith.constant 0 : i32
          %dma_wait3A_45 = tpu.memref_slice %arg15[%mul3A_39, %dma_wait3A_44] : memref<10000x128xf32, #tpu.memory_space<vmem_shared>> -> memref<624x128xf32, #tpu.memory_space<vmem_shared>>
          tpu.wait_dma2 semaphore(%run_scoped3A : memref<!tpu.dma_semaphore, #tpu.memory_space<semaphore_mem>>) src(%dma_wait3A_45 : memref<624x128xf32, #tpu.memory_space<vmem_shared>>) dst(%dma_wait3A_43 : memref<624x128xf32, #tpu.memory_space<hbm>>)
          tpu.yield
        }) : () -> ()
      } else {
      }
      %eq3A_33 = arith.constant 15 : i32
      %eq3A_34 = arith.cmpi eq, %arg1, %eq3A_33 : i32
      %convert_element_type3A_35 = arith.extui %eq3A_34 : i1 to i32
      %cond3A_36 = arith.constant 0 : i32
      %cond3A_37 = arith.cmpi ne, %convert_element_type3A_35, %cond3A_36 : i32
      scf.if %cond3A_37 {
        "tpu.region"() ({
          %run_scoped3A = tpu.sem_alloc : memref<!tpu.dma_semaphore, #tpu.memory_space<semaphore_mem>>
          %dma_start3A = arith.constant 9360 : i32
          %dma_start3A_38 = arith.constant 0 : i32
          %dma_start3A_39 = tpu.memref_slice %arg7[%dma_start3A, %dma_start3A_38] : memref<10000x128xf32, #tpu.memory_space<hbm>> -> memref<640x128xf32, #tpu.memory_space<hbm>>
          %dma_start3A_40 = arith.constant 9360 : i32
          %dma_start3A_41 = arith.constant 0 : i32
          %dma_start3A_42 = tpu.memref_slice %arg15[%dma_start3A_40, %dma_start3A_41] : memref<10000x128xf32, #tpu.memory_space<vmem_shared>> -> memref<640x128xf32, #tpu.memory_space<vmem_shared>>
          tpu.enqueue_dma source(%dma_start3A_42 : memref<640x128xf32, #tpu.memory_space<vmem_shared>>) target(%dma_start3A_39 : memref<640x128xf32, #tpu.memory_space<hbm>>) target_semaphore(%run_scoped3A : memref<!tpu.dma_semaphore, #tpu.memory_space<semaphore_mem>>)
          %dma_wait3A = arith.constant 9360 : i32
          %dma_wait3A_43 = arith.constant 0 : i32
          %dma_wait3A_44 = tpu.memref_slice %arg7[%dma_wait3A, %dma_wait3A_43] : memref<10000x128xf32, #tpu.memory_space<hbm>> -> memref<640x128xf32, #tpu.memory_space<hbm>>
          %dma_wait3A_45 = arith.constant 9360 : i32
          %dma_wait3A_46 = arith.constant 0 : i32
          %dma_wait3A_47 = tpu.memref_slice %arg15[%dma_wait3A_45, %dma_wait3A_46] : memref<10000x128xf32, #tpu.memory_space<vmem_shared>> -> memref<640x128xf32, #tpu.memory_space<vmem_shared>>
          tpu.wait_dma2 semaphore(%run_scoped3A : memref<!tpu.dma_semaphore, #tpu.memory_space<semaphore_mem>>) src(%dma_wait3A_47 : memref<640x128xf32, #tpu.memory_space<vmem_shared>>) dst(%dma_wait3A_44 : memref<640x128xf32, #tpu.memory_space<hbm>>)
          tpu.yield
        }) : () -> ()
      } else {
      }
    } else {
    }
    %eq3A_24 = arith.constant 1 : i32
    %eq3A_25 = arith.cmpi eq, %arg0, %eq3A_24 : i32
    %convert_element_type3A_26 = arith.extui %eq3A_25 : i1 to i32
    %cond3A_27 = arith.constant 0 : i32
    %cond3A_28 = arith.cmpi ne, %convert_element_type3A_26, %cond3A_27 : i32
    scf.if %cond3A_28 {
      %lt3A = arith.constant 15 : i32
      %lt3A_29 = arith.cmpi slt, %arg1, %lt3A : i32
      %convert_element_type3A_30 = arith.extui %lt3A_29 : i1 to i32
      %cond3A_31 = arith.constant 0 : i32
      %cond3A_32 = arith.cmpi ne, %convert_element_type3A_30, %cond3A_31 : i32
      scf.if %cond3A_32 {
        %mul3A_38 = arith.constant 624 : i32
        %mul3A_39 = arith.muli %arg1, %mul3A_38 : i32
        "tpu.region"() ({
          %run_scoped3A = tpu.sem_alloc : memref<!tpu.dma_semaphore, #tpu.memory_space<semaphore_mem>>
          %dma_start3A = arith.constant 0 : i32
          %dma_start3A_40 = tpu.memref_slice %arg8[%mul3A_39, %dma_start3A] : memref<10000x128xf32, #tpu.memory_space<hbm>> -> memref<624x128xf32, #tpu.memory_space<hbm>>
          %dma_start3A_41 = arith.constant 0 : i32
          %dma_start3A_42 = tpu.memref_slice %arg15[%mul3A_39, %dma_start3A_41] : memref<10000x128xf32, #tpu.memory_space<vmem_shared>> -> memref<624x128xf32, #tpu.memory_space<vmem_shared>>
          tpu.enqueue_dma source(%dma_start3A_42 : memref<624x128xf32, #tpu.memory_space<vmem_shared>>) target(%dma_start3A_40 : memref<624x128xf32, #tpu.memory_space<hbm>>) target_semaphore(%run_scoped3A : memref<!tpu.dma_semaphore, #tpu.memory_space<semaphore_mem>>)
          %dma_wait3A = arith.constant 0 : i32
          %dma_wait3A_43 = tpu.memref_slice %arg8[%mul3A_39, %dma_wait3A] : memref<10000x128xf32, #tpu.memory_space<hbm>> -> memref<624x128xf32, #tpu.memory_space<hbm>>
          %dma_wait3A_44 = arith.constant 0 : i32
          %dma_wait3A_45 = tpu.memref_slice %arg15[%mul3A_39, %dma_wait3A_44] : memref<10000x128xf32, #tpu.memory_space<vmem_shared>> -> memref<624x128xf32, #tpu.memory_space<vmem_shared>>
          tpu.wait_dma2 semaphore(%run_scoped3A : memref<!tpu.dma_semaphore, #tpu.memory_space<semaphore_mem>>) src(%dma_wait3A_45 : memref<624x128xf32, #tpu.memory_space<vmem_shared>>) dst(%dma_wait3A_43 : memref<624x128xf32, #tpu.memory_space<hbm>>)
          tpu.yield
        }) : () -> ()
      } else {
      }
      %eq3A_33 = arith.constant 15 : i32
      %eq3A_34 = arith.cmpi eq, %arg1, %eq3A_33 : i32
      %convert_element_type3A_35 = arith.extui %eq3A_34 : i1 to i32
      %cond3A_36 = arith.constant 0 : i32
      %cond3A_37 = arith.cmpi ne, %convert_element_type3A_35, %cond3A_36 : i32
      scf.if %cond3A_37 {
        "tpu.region"() ({
          %run_scoped3A = tpu.sem_alloc : memref<!tpu.dma_semaphore, #tpu.memory_space<semaphore_mem>>
          %dma_start3A = arith.constant 9360 : i32
          %dma_start3A_38 = arith.constant 0 : i32
          %dma_start3A_39 = tpu.memref_slice %arg8[%dma_start3A, %dma_start3A_38] : memref<10000x128xf32, #tpu.memory_space<hbm>> -> memref<640x128xf32, #tpu.memory_space<hbm>>
          %dma_start3A_40 = arith.constant 9360 : i32
          %dma_start3A_41 = arith.constant 0 : i32
          %dma_start3A_42 = tpu.memref_slice %arg15[%dma_start3A_40, %dma_start3A_41] : memref<10000x128xf32, #tpu.memory_space<vmem_shared>> -> memref<640x128xf32, #tpu.memory_space<vmem_shared>>
          tpu.enqueue_dma source(%dma_start3A_42 : memref<640x128xf32, #tpu.memory_space<vmem_shared>>) target(%dma_start3A_39 : memref<640x128xf32, #tpu.memory_space<hbm>>) target_semaphore(%run_scoped3A : memref<!tpu.dma_semaphore, #tpu.memory_space<semaphore_mem>>)
          %dma_wait3A = arith.constant 9360 : i32
          %dma_wait3A_43 = arith.constant 0 : i32
          %dma_wait3A_44 = tpu.memref_slice %arg8[%dma_wait3A, %dma_wait3A_43] : memref<10000x128xf32, #tpu.memory_space<hbm>> -> memref<640x128xf32, #tpu.memory_space<hbm>>
          %dma_wait3A_45 = arith.constant 9360 : i32
          %dma_wait3A_46 = arith.constant 0 : i32
          %dma_wait3A_47 = tpu.memref_slice %arg15[%dma_wait3A_45, %dma_wait3A_46] : memref<10000x128xf32, #tpu.memory_space<vmem_shared>> -> memref<640x128xf32, #tpu.memory_space<vmem_shared>>
          tpu.wait_dma2 semaphore(%run_scoped3A : memref<!tpu.dma_semaphore, #tpu.memory_space<semaphore_mem>>) src(%dma_wait3A_47 : memref<640x128xf32, #tpu.memory_space<vmem_shared>>) dst(%dma_wait3A_44 : memref<640x128xf32, #tpu.memory_space<hbm>>)
          tpu.yield
        }) : () -> ()
      } else {
      }
    } else {
    }
    return
  }
}

module attributes {stable_mosaic.version = 14 : i64} {
  func.func @body(%arg0: i32, %arg1: memref<3200x128xf32, #tpu.memory_space<vmem>>, %arg2: memref<3200x128xf32, #tpu.memory_space<vmem>>, %arg3: memref<3200x4xf32, #tpu.memory_space<vmem>>, %arg4: memref<64x128xbf16, #tpu.memory_space<vmem>>, %arg5: memref<64x128xbf16, #tpu.memory_space<vmem>>, %arg6: memref<64x128xbf16, #tpu.memory_space<vmem>>, %arg7: memref<64x128xbf16, #tpu.memory_space<vmem>>, %arg8: memref<1x128xf32, #tpu.memory_space<vmem>>, %arg9: memref<4x128xf32, #tpu.memory_space<vmem>>, %arg10: memref<1x128xf32, #tpu.memory_space<vmem>>, %arg11: memref<128x128xbf16, #tpu.memory_space<vmem>>, %arg12: memref<1x128xf32, #tpu.memory_space<vmem>>, %arg13: memref<128x128xbf16, #tpu.memory_space<vmem>>, %arg14: memref<1x128xf32, #tpu.memory_space<vmem>>, %arg15: memref<128x1xbf16, #tpu.memory_space<vmem>>, %arg16: memref<1x1xf32, #tpu.memory_space<vmem>>, %arg17: memref<3200x128xf32, #tpu.memory_space<vmem>>, %arg18: memref<3200x128xf32, #tpu.memory_space<vmem>>) attributes {dimension_semantics = [#tpu.dimension_semantics<arbitrary>], iteration_bounds = array<i64: 50>, scalar_prefetch = 0 : i64, scratch_operands = 0 : i64, tpu.core_type = #tpu.core_type<tc>, window_params = [{transform_indices = @transform_0, window_bounds = array<i64: 3200, 128>}, {transform_indices = @transform_1, window_bounds = array<i64: 3200, 128>}, {transform_indices = @transform_2, window_bounds = array<i64: 3200, 4>}, {pipeline_mode = #tpu.pipeline_mode<synchronous>, transform_indices = @transform_3, window_bounds = array<i64: 64, 128>}, {pipeline_mode = #tpu.pipeline_mode<synchronous>, transform_indices = @transform_4, window_bounds = array<i64: 64, 128>}, {pipeline_mode = #tpu.pipeline_mode<synchronous>, transform_indices = @transform_5, window_bounds = array<i64: 64, 128>}, {pipeline_mode = #tpu.pipeline_mode<synchronous>, transform_indices = @transform_6, window_bounds = array<i64: 64, 128>}, {pipeline_mode = #tpu.pipeline_mode<synchronous>, transform_indices = @transform_7, window_bounds = array<i64: 1, 128>}, {pipeline_mode = #tpu.pipeline_mode<synchronous>, transform_indices = @transform_8, window_bounds = array<i64: 4, 128>}, {pipeline_mode = #tpu.pipeline_mode<synchronous>, transform_indices = @transform_9, window_bounds = array<i64: 1, 128>}, {pipeline_mode = #tpu.pipeline_mode<synchronous>, transform_indices = @transform_10, window_bounds = array<i64: 128, 128>}, {pipeline_mode = #tpu.pipeline_mode<synchronous>, transform_indices = @transform_11, window_bounds = array<i64: 1, 128>}, {pipeline_mode = #tpu.pipeline_mode<synchronous>, transform_indices = @transform_12, window_bounds = array<i64: 128, 128>}, {pipeline_mode = #tpu.pipeline_mode<synchronous>, transform_indices = @transform_13, window_bounds = array<i64: 1, 128>}, {pipeline_mode = #tpu.pipeline_mode<synchronous>, transform_indices = @transform_14, window_bounds = array<i64: 128, 1>}, {pipeline_mode = #tpu.pipeline_mode<synchronous>, transform_indices = @transform_15, window_bounds = array<i64: 1, 1>}, {transform_indices = @transform_16, window_bounds = array<i64: 3200, 128>}, {transform_indices = @transform_17, window_bounds = array<i64: 3200, 128>}]} {
    %get3A = arith.constant 0 : index
    %get3A_0 = arith.constant 0 : index
    %get3A_1 = vector.load %arg1[%get3A, %get3A_0] : memref<3200x128xf32, #tpu.memory_space<vmem>>, vector<3200x128xf32>
    %get3A_2 = arith.constant 0 : index
    %get3A_3 = arith.constant 0 : index
    %get3A_4 = vector.load %arg2[%get3A_2, %get3A_3] : memref<3200x128xf32, #tpu.memory_space<vmem>>, vector<3200x128xf32>
    %slice3A = vector.extract_strided_slice %get3A_1 {offsets = [0, 0], sizes = [3200, 64], strides = [1, 1]} : vector<3200x128xf32> to vector<3200x64xf32>
    %bitcast_convert_type3A = tpu.bitcast %slice3A : vector<3200x64xf32> -> vector<3200x64xi32>
    %slice3A_5 = vector.extract_strided_slice %get3A_4 {offsets = [0, 0], sizes = [3200, 64], strides = [1, 1]} : vector<3200x128xf32> to vector<3200x64xf32>
    %bitcast_convert_type3A_6 = tpu.bitcast %slice3A_5 : vector<3200x64xf32> -> vector<3200x64xi32>
    %shift_left3A = arith.constant 16 : i32
    %shift_left3A_7 = vector.broadcast %shift_left3A : i32 to vector<3200x64xi32>
    %shift_left3A_8 = arith.shli %bitcast_convert_type3A, %shift_left3A_7 : vector<3200x64xi32>
    %bitcast_convert_type3A_9 = tpu.bitcast %shift_left3A_8 : vector<3200x64xi32> -> vector<3200x64xf32>
    %convert_element_type3A = arith.truncf %bitcast_convert_type3A_9 : vector<3200x64xf32> to vector<3200x64xbf16>
    %and3A = arith.constant -65536 : i32
    %and3A_10 = vector.broadcast %and3A : i32 to vector<3200x64xi32>
    %and3A_11 = arith.andi %bitcast_convert_type3A, %and3A_10 : vector<3200x64xi32>
    %bitcast_convert_type3A_12 = tpu.bitcast %and3A_11 : vector<3200x64xi32> -> vector<3200x64xf32>
    %convert_element_type3A_13 = arith.truncf %bitcast_convert_type3A_12 : vector<3200x64xf32> to vector<3200x64xbf16>
    %shift_left3A_14 = arith.constant 16 : i32
    %shift_left3A_15 = vector.broadcast %shift_left3A_14 : i32 to vector<3200x64xi32>
    %shift_left3A_16 = arith.shli %bitcast_convert_type3A_6, %shift_left3A_15 : vector<3200x64xi32>
    %bitcast_convert_type3A_17 = tpu.bitcast %shift_left3A_16 : vector<3200x64xi32> -> vector<3200x64xf32>
    %convert_element_type3A_18 = arith.truncf %bitcast_convert_type3A_17 : vector<3200x64xf32> to vector<3200x64xbf16>
    %and3A_19 = arith.constant -65536 : i32
    %and3A_20 = vector.broadcast %and3A_19 : i32 to vector<3200x64xi32>
    %and3A_21 = arith.andi %bitcast_convert_type3A_6, %and3A_20 : vector<3200x64xi32>
    %bitcast_convert_type3A_22 = tpu.bitcast %and3A_21 : vector<3200x64xi32> -> vector<3200x64xf32>
    %convert_element_type3A_23 = arith.truncf %bitcast_convert_type3A_22 : vector<3200x64xf32> to vector<3200x64xbf16>
    %slice3A_24 = vector.extract_strided_slice %get3A_1 {offsets = [0, 64], sizes = [3200, 3], strides = [1, 1]} : vector<3200x128xf32> to vector<3200x3xf32>
    %slice3A_25 = vector.extract_strided_slice %get3A_4 {offsets = [0, 64], sizes = [3200, 3], strides = [1, 1]} : vector<3200x128xf32> to vector<3200x3xf32>
    %sub3A = arith.subf %slice3A_24, %slice3A_25 : vector<3200x3xf32>
    %mul3A = arith.mulf %sub3A, %sub3A : vector<3200x3xf32>
    %reduce_sum3A = arith.constant dense<0.000000e+00> : vector<3200xf32>
    %reduce_sum3A_26 = vector.multi_reduction <add>, %mul3A, %reduce_sum3A [1] : vector<3200x3xf32> to vector<3200xf32>
    %broadcast_in_dim3A = vector.shape_cast %reduce_sum3A_26 : vector<3200xf32> to vector<3200x1xf32>
    %get3A_27 = arith.constant 0 : index
    %get3A_28 = arith.constant 0 : index
    %get3A_29 = vector.load %arg4[%get3A_27, %get3A_28] : memref<64x128xbf16, #tpu.memory_space<vmem>>, vector<64x128xbf16>
    %dot_general3A = arith.constant dense<0.000000e+00> : vector<3200x128xf32>
    %dot_general3A_30 = tpu.matmul %convert_element_type3A, %get3A_29, %dot_general3A {dimension_numbers = #tpu.dot_dimension_numbers<[1], [0], [0], [1], [0, 0, 1, 1], [], []>, transpose_lhs_hint = false} : vector<3200x64xbf16>, vector<64x128xbf16>, vector<3200x128xf32> -> vector<3200x128xf32>
    %get3A_31 = arith.constant 0 : index
    %get3A_32 = arith.constant 0 : index
    %get3A_33 = vector.load %arg5[%get3A_31, %get3A_32] : memref<64x128xbf16, #tpu.memory_space<vmem>>, vector<64x128xbf16>
    %dot_general3A_34 = arith.constant dense<0.000000e+00> : vector<3200x128xf32>
    %dot_general3A_35 = tpu.matmul %convert_element_type3A_13, %get3A_33, %dot_general3A_34 {dimension_numbers = #tpu.dot_dimension_numbers<[1], [0], [0], [1], [0, 0, 1, 1], [], []>, transpose_lhs_hint = false} : vector<3200x64xbf16>, vector<64x128xbf16>, vector<3200x128xf32> -> vector<3200x128xf32>
    %add3A = arith.addf %dot_general3A_30, %dot_general3A_35 : vector<3200x128xf32>
    %get3A_36 = arith.constant 0 : index
    %get3A_37 = arith.constant 0 : index
    %get3A_38 = vector.load %arg6[%get3A_36, %get3A_37] : memref<64x128xbf16, #tpu.memory_space<vmem>>, vector<64x128xbf16>
    %dot_general3A_39 = arith.constant dense<0.000000e+00> : vector<3200x128xf32>
    %dot_general3A_40 = tpu.matmul %convert_element_type3A_18, %get3A_38, %dot_general3A_39 {dimension_numbers = #tpu.dot_dimension_numbers<[1], [0], [0], [1], [0, 0, 1, 1], [], []>, transpose_lhs_hint = false} : vector<3200x64xbf16>, vector<64x128xbf16>, vector<3200x128xf32> -> vector<3200x128xf32>
    %add3A_41 = arith.addf %add3A, %dot_general3A_40 : vector<3200x128xf32>
    %get3A_42 = arith.constant 0 : index
    %get3A_43 = arith.constant 0 : index
    %get3A_44 = vector.load %arg7[%get3A_42, %get3A_43] : memref<64x128xbf16, #tpu.memory_space<vmem>>, vector<64x128xbf16>
    %dot_general3A_45 = arith.constant dense<0.000000e+00> : vector<3200x128xf32>
    %dot_general3A_46 = tpu.matmul %convert_element_type3A_23, %get3A_44, %dot_general3A_45 {dimension_numbers = #tpu.dot_dimension_numbers<[1], [0], [0], [1], [0, 0, 1, 1], [], []>, transpose_lhs_hint = false} : vector<3200x64xbf16>, vector<64x128xbf16>, vector<3200x128xf32> -> vector<3200x128xf32>
    %add3A_47 = arith.addf %add3A_41, %dot_general3A_46 : vector<3200x128xf32>
    %get3A_48 = arith.constant 0 : index
    %get3A_49 = arith.constant 0 : index
    %get3A_50 = vector.load %arg8[%get3A_48, %get3A_49] : memref<1x128xf32, #tpu.memory_space<vmem>>, vector<1x128xf32>
    %mul3A_51 = vector.broadcast %broadcast_in_dim3A : vector<3200x1xf32> to vector<3200x128xf32>
    %mul3A_52 = vector.broadcast %get3A_50 : vector<1x128xf32> to vector<3200x128xf32>
    %mul3A_53 = arith.mulf %mul3A_51, %mul3A_52 : vector<3200x128xf32>
    %add3A_54 = arith.addf %add3A_47, %mul3A_53 : vector<3200x128xf32>
    %get3A_55 = arith.constant 0 : index
    %get3A_56 = arith.constant 0 : index
    %get3A_57 = vector.load %arg3[%get3A_55, %get3A_56] : memref<3200x4xf32, #tpu.memory_space<vmem>>, vector<3200x4xf32>
    %get3A_58 = arith.constant 0 : index
    %get3A_59 = arith.constant 0 : index
    %get3A_60 = vector.load %arg9[%get3A_58, %get3A_59] : memref<4x128xf32, #tpu.memory_space<vmem>>, vector<4x128xf32>
    %dot_general3A_61 = arith.constant dense<0.000000e+00> : vector<3200x128xf32>
    %dot_general3A_62 = tpu.matmul %get3A_57, %get3A_60, %dot_general3A_61 {dimension_numbers = #tpu.dot_dimension_numbers<[1], [0], [0], [1], [0, 0, 1, 1], [], []>, transpose_lhs_hint = false} : vector<3200x4xf32>, vector<4x128xf32>, vector<3200x128xf32> -> vector<3200x128xf32>
    %add3A_63 = arith.addf %add3A_54, %dot_general3A_62 : vector<3200x128xf32>
    %get3A_64 = arith.constant 0 : index
    %get3A_65 = arith.constant 0 : index
    %get3A_66 = vector.load %arg10[%get3A_64, %get3A_65] : memref<1x128xf32, #tpu.memory_space<vmem>>, vector<1x128xf32>
    %add3A_67 = vector.broadcast %get3A_66 : vector<1x128xf32> to vector<3200x128xf32>
    %add3A_68 = arith.addf %add3A_63, %add3A_67 : vector<3200x128xf32>
    %neg3A = arith.constant 0.000000e+00 : f32
    %neg3A_69 = vector.broadcast %neg3A : f32 to vector<3200x128xf32>
    %neg3A_70 = arith.subf %neg3A_69, %add3A_68 : vector<3200x128xf32>
    %exp3A = math.exp %neg3A_70 : vector<3200x128xf32>
    %add3A_71 = arith.constant 1.000000e+00 : f32
    %add3A_72 = vector.broadcast %add3A_71 : f32 to vector<3200x128xf32>
    %add3A_73 = arith.addf %add3A_72, %exp3A : vector<3200x128xf32>
    %div3A = arith.constant 1.000000e+00 : f32
    %div3A_74 = vector.broadcast %div3A : f32 to vector<3200x128xf32>
    %div3A_75 = arith.divf %div3A_74, %add3A_73 : vector<3200x128xf32>
    %mul3A_76 = arith.mulf %add3A_68, %div3A_75 : vector<3200x128xf32>
    %convert_element_type3A_77 = arith.truncf %mul3A_76 : vector<3200x128xf32> to vector<3200x128xbf16>
    %get3A_78 = arith.constant 0 : index
    %get3A_79 = arith.constant 0 : index
    %get3A_80 = vector.load %arg11[%get3A_78, %get3A_79] : memref<128x128xbf16, #tpu.memory_space<vmem>>, vector<128x128xbf16>
    %dot_general3A_81 = arith.constant dense<0.000000e+00> : vector<3200x128xf32>
    %dot_general3A_82 = tpu.matmul %convert_element_type3A_77, %get3A_80, %dot_general3A_81 {dimension_numbers = #tpu.dot_dimension_numbers<[1], [0], [0], [1], [0, 0, 1, 1], [], []>, transpose_lhs_hint = false} : vector<3200x128xbf16>, vector<128x128xbf16>, vector<3200x128xf32> -> vector<3200x128xf32>
    %get3A_83 = arith.constant 0 : index
    %get3A_84 = arith.constant 0 : index
    %get3A_85 = vector.load %arg12[%get3A_83, %get3A_84] : memref<1x128xf32, #tpu.memory_space<vmem>>, vector<1x128xf32>
    %add3A_86 = vector.broadcast %get3A_85 : vector<1x128xf32> to vector<3200x128xf32>
    %add3A_87 = arith.addf %dot_general3A_82, %add3A_86 : vector<3200x128xf32>
    %neg3A_88 = arith.constant 0.000000e+00 : f32
    %neg3A_89 = vector.broadcast %neg3A_88 : f32 to vector<3200x128xf32>
    %neg3A_90 = arith.subf %neg3A_89, %add3A_87 : vector<3200x128xf32>
    %exp3A_91 = math.exp %neg3A_90 : vector<3200x128xf32>
    %add3A_92 = arith.constant 1.000000e+00 : f32
    %add3A_93 = vector.broadcast %add3A_92 : f32 to vector<3200x128xf32>
    %add3A_94 = arith.addf %add3A_93, %exp3A_91 : vector<3200x128xf32>
    %div3A_95 = arith.constant 1.000000e+00 : f32
    %div3A_96 = vector.broadcast %div3A_95 : f32 to vector<3200x128xf32>
    %div3A_97 = arith.divf %div3A_96, %add3A_94 : vector<3200x128xf32>
    %mul3A_98 = arith.mulf %add3A_87, %div3A_97 : vector<3200x128xf32>
    %convert_element_type3A_99 = arith.truncf %mul3A_98 : vector<3200x128xf32> to vector<3200x128xbf16>
    %get3A_100 = arith.constant 0 : index
    %get3A_101 = arith.constant 0 : index
    %get3A_102 = vector.load %arg13[%get3A_100, %get3A_101] : memref<128x128xbf16, #tpu.memory_space<vmem>>, vector<128x128xbf16>
    %dot_general3A_103 = arith.constant dense<0.000000e+00> : vector<3200x128xf32>
    %dot_general3A_104 = tpu.matmul %convert_element_type3A_99, %get3A_102, %dot_general3A_103 {dimension_numbers = #tpu.dot_dimension_numbers<[1], [0], [0], [1], [0, 0, 1, 1], [], []>, transpose_lhs_hint = false} : vector<3200x128xbf16>, vector<128x128xbf16>, vector<3200x128xf32> -> vector<3200x128xf32>
    %get3A_105 = arith.constant 0 : index
    %get3A_106 = arith.constant 0 : index
    %get3A_107 = vector.load %arg14[%get3A_105, %get3A_106] : memref<1x128xf32, #tpu.memory_space<vmem>>, vector<1x128xf32>
    %add3A_108 = vector.broadcast %get3A_107 : vector<1x128xf32> to vector<3200x128xf32>
    %add3A_109 = arith.addf %dot_general3A_104, %add3A_108 : vector<3200x128xf32>
    %neg3A_110 = arith.constant 0.000000e+00 : f32
    %neg3A_111 = vector.broadcast %neg3A_110 : f32 to vector<3200x128xf32>
    %neg3A_112 = arith.subf %neg3A_111, %add3A_109 : vector<3200x128xf32>
    %exp3A_113 = math.exp %neg3A_112 : vector<3200x128xf32>
    %add3A_114 = arith.constant 1.000000e+00 : f32
    %add3A_115 = vector.broadcast %add3A_114 : f32 to vector<3200x128xf32>
    %add3A_116 = arith.addf %add3A_115, %exp3A_113 : vector<3200x128xf32>
    %div3A_117 = arith.constant 1.000000e+00 : f32
    %div3A_118 = vector.broadcast %div3A_117 : f32 to vector<3200x128xf32>
    %div3A_119 = arith.divf %div3A_118, %add3A_116 : vector<3200x128xf32>
    %mul3A_120 = arith.mulf %add3A_109, %div3A_119 : vector<3200x128xf32>
    %convert_element_type3A_121 = arith.truncf %mul3A_120 : vector<3200x128xf32> to vector<3200x128xbf16>
    %get3A_122 = arith.constant 0 : index
    %get3A_123 = arith.constant 0 : index
    %get3A_124 = vector.load %arg15[%get3A_122, %get3A_123] : memref<128x1xbf16, #tpu.memory_space<vmem>>, vector<128x1xbf16>
    %dot_general3A_125 = arith.constant dense<0.000000e+00> : vector<3200x1xf32>
    %dot_general3A_126 = tpu.matmul %convert_element_type3A_121, %get3A_124, %dot_general3A_125 {dimension_numbers = #tpu.dot_dimension_numbers<[1], [0], [0], [1], [0, 0, 1, 1], [], []>, transpose_lhs_hint = false} : vector<3200x128xbf16>, vector<128x1xbf16>, vector<3200x1xf32> -> vector<3200x1xf32>
    %get3A_127 = arith.constant 0 : index
    %get3A_128 = arith.constant 0 : index
    %get3A_129 = vector.load %arg16[%get3A_127, %get3A_128] : memref<1x1xf32, #tpu.memory_space<vmem>>, vector<1x1xf32>
    %add3A_130 = vector.broadcast %get3A_129 : vector<1x1xf32> to vector<3200x1xf32>
    %add3A_131 = arith.addf %dot_general3A_126, %add3A_130 : vector<3200x1xf32>
    %swap3A = arith.constant 0 : index
    %swap3A_132 = arith.constant 0 : index
    %swap3A_133 = vector.load %arg17[%swap3A, %swap3A_132] : memref<3200x128xf32, #tpu.memory_space<vmem>>, vector<3200x128xf32>
    tpu.vector_store %arg17[%swap3A, %swap3A_132], %mul3A_98 {strides = array<i32>} : memref<3200x128xf32, #tpu.memory_space<vmem>>, vector<3200x128xf32>,
    %mul3A_134 = vector.broadcast %add3A_131 : vector<3200x1xf32> to vector<3200x3xf32>
    %mul3A_135 = arith.mulf %sub3A, %mul3A_134 : vector<3200x3xf32>
    %broadcast_in_dim3A_136 = arith.constant 1.000000e+00 : f32
    %broadcast_in_dim3A_137 = vector.broadcast %broadcast_in_dim3A_136 : f32 to vector<3200x1xf32>
    %broadcast_in_dim3A_138 = arith.constant 0.000000e+00 : f32
    %broadcast_in_dim3A_139 = vector.broadcast %broadcast_in_dim3A_138 : f32 to vector<3200x124xf32>
    %concatenate3A = tpu.concatenate %mul3A_135, %broadcast_in_dim3A_137, %broadcast_in_dim3A_139 in 1 : vector<3200x3xf32>, vector<3200x1xf32>, vector<3200x124xf32> -> vector<3200x128xf32>
    %swap3A_140 = arith.constant 0 : index
    %swap3A_141 = arith.constant 0 : index
    %swap3A_142 = vector.load %arg18[%swap3A_140, %swap3A_141] : memref<3200x128xf32, #tpu.memory_space<vmem>>, vector<3200x128xf32>
    tpu.vector_store %arg18[%swap3A_140, %swap3A_141], %concatenate3A {strides = array<i32>} : memref<3200x128xf32, #tpu.memory_space<vmem>>, vector<3200x128xf32>,
    return
  }
  func.func @transform_0(%arg0: i32) -> (i32, i32) {
    %c0_i32 = arith.constant 0 : i32
    %c0_i32_0 = arith.constant 0 : i32
    return %arg0, %c0_i32 : i32, i32
  }
  func.func @transform_1(%arg0: i32) -> (i32, i32) {
    %add3A = arith.constant 50 : i32
    %add3A_0 = arith.addi %add3A, %arg0 : i32
    %c0_i32 = arith.constant 0 : i32
    %c0_i32_1 = arith.constant 0 : i32
    return %add3A_0, %c0_i32 : i32, i32
  }
  func.func @transform_2(%arg0: i32) -> (i32, i32) {
    %c0_i32 = arith.constant 0 : i32
    %c0_i32_0 = arith.constant 0 : i32
    return %arg0, %c0_i32 : i32, i32
  }
  func.func @transform_3(%arg0: i32) -> (i32, i32) {
    %c0_i32 = arith.constant 0 : i32
    %c0_i32_0 = arith.constant 0 : i32
    %c0_i32_1 = arith.constant 0 : i32
    return %c0_i32, %c0_i32_0 : i32, i32
  }
  func.func @transform_4(%arg0: i32) -> (i32, i32) {
    %c0_i32 = arith.constant 0 : i32
    %c0_i32_0 = arith.constant 0 : i32
    %c0_i32_1 = arith.constant 0 : i32
    return %c0_i32, %c0_i32_0 : i32, i32
  }
  func.func @transform_5(%arg0: i32) -> (i32, i32) {
    %c0_i32 = arith.constant 0 : i32
    %c0_i32_0 = arith.constant 0 : i32
    %c0_i32_1 = arith.constant 0 : i32
    return %c0_i32, %c0_i32_0 : i32, i32
  }
  func.func @transform_6(%arg0: i32) -> (i32, i32) {
    %c0_i32 = arith.constant 0 : i32
    %c0_i32_0 = arith.constant 0 : i32
    %c0_i32_1 = arith.constant 0 : i32
    return %c0_i32, %c0_i32_0 : i32, i32
  }
  func.func @transform_7(%arg0: i32) -> (i32, i32) {
    %c0_i32 = arith.constant 0 : i32
    %c0_i32_0 = arith.constant 0 : i32
    %c0_i32_1 = arith.constant 0 : i32
    return %c0_i32, %c0_i32_0 : i32, i32
  }
  func.func @transform_8(%arg0: i32) -> (i32, i32) {
    %c0_i32 = arith.constant 0 : i32
    %c0_i32_0 = arith.constant 0 : i32
    %c0_i32_1 = arith.constant 0 : i32
    return %c0_i32, %c0_i32_0 : i32, i32
  }
  func.func @transform_9(%arg0: i32) -> (i32, i32) {
    %c0_i32 = arith.constant 0 : i32
    %c0_i32_0 = arith.constant 0 : i32
    %c0_i32_1 = arith.constant 0 : i32
    return %c0_i32, %c0_i32_0 : i32, i32
  }
  func.func @transform_10(%arg0: i32) -> (i32, i32) {
    %c0_i32 = arith.constant 0 : i32
    %c0_i32_0 = arith.constant 0 : i32
    %c0_i32_1 = arith.constant 0 : i32
    return %c0_i32, %c0_i32_0 : i32, i32
  }
  func.func @transform_11(%arg0: i32) -> (i32, i32) {
    %c0_i32 = arith.constant 0 : i32
    %c0_i32_0 = arith.constant 0 : i32
    %c0_i32_1 = arith.constant 0 : i32
    return %c0_i32, %c0_i32_0 : i32, i32
  }
  func.func @transform_12(%arg0: i32) -> (i32, i32) {
    %c0_i32 = arith.constant 0 : i32
    %c0_i32_0 = arith.constant 0 : i32
    %c0_i32_1 = arith.constant 0 : i32
    return %c0_i32, %c0_i32_0 : i32, i32
  }
  func.func @transform_13(%arg0: i32) -> (i32, i32) {
    %c0_i32 = arith.constant 0 : i32
    %c0_i32_0 = arith.constant 0 : i32
    %c0_i32_1 = arith.constant 0 : i32
    return %c0_i32, %c0_i32_0 : i32, i32
  }
  func.func @transform_14(%arg0: i32) -> (i32, i32) {
    %c0_i32 = arith.constant 0 : i32
    %c0_i32_0 = arith.constant 0 : i32
    %c0_i32_1 = arith.constant 0 : i32
    return %c0_i32, %c0_i32_0 : i32, i32
  }
  func.func @transform_15(%arg0: i32) -> (i32, i32) {
    %c0_i32 = arith.constant 0 : i32
    %c0_i32_0 = arith.constant 0 : i32
    %c0_i32_1 = arith.constant 0 : i32
    return %c0_i32, %c0_i32_0 : i32, i32
  }
  func.func @transform_16(%arg0: i32) -> (i32, i32) {
    %c0_i32 = arith.constant 0 : i32
    %c0_i32_0 = arith.constant 0 : i32
    return %arg0, %c0_i32 : i32, i32
  }
  func.func @transform_17(%arg0: i32) -> (i32, i32) {
    %c0_i32 = arith.constant 0 : i32
    %c0_i32_0 = arith.constant 0 : i32
    return %arg0, %c0_i32 : i32, i32
  }
}

module attributes {stable_mosaic.version = 14 : i64} {
  func.func @body(%arg0: i32, %arg1: memref<1000x128xf32, #tpu.memory_space<vmem>>, %arg2: memref<1000x3xf32, #tpu.memory_space<vmem>>, %arg3: memref<1000x128xf32, #tpu.memory_space<vmem>>, %arg4: memref<1000x128xf32, #tpu.memory_space<vmem>>, %arg5: memref<256x128xf32, #tpu.memory_space<vmem>>, %arg6: memref<1x128xf32, #tpu.memory_space<vmem>>, %arg7: memref<128x128xf32, #tpu.memory_space<vmem>>, %arg8: memref<1x128xf32, #tpu.memory_space<vmem>>, %arg9: memref<1000x128xf32, #tpu.memory_space<vmem>>, %arg10: memref<1000x3xf32, #tpu.memory_space<vmem>>) attributes {dimension_semantics = [#tpu.dimension_semantics<arbitrary>], iteration_bounds = array<i64: 10>, scalar_prefetch = 0 : i64, scratch_operands = 0 : i64, tpu.core_type = #tpu.core_type<tc>, window_params = [{transform_indices = @transform_0, window_bounds = array<i64: 1000, 128>}, {transform_indices = @transform_1, window_bounds = array<i64: 1000, 3>}, {transform_indices = @transform_2, window_bounds = array<i64: 1000, 128>}, {transform_indices = @transform_3, window_bounds = array<i64: 1000, 128>}, {pipeline_mode = #tpu.pipeline_mode<synchronous>, transform_indices = @transform_4, window_bounds = array<i64: 256, 128>}, {pipeline_mode = #tpu.pipeline_mode<synchronous>, transform_indices = @transform_5, window_bounds = array<i64: 1, 128>}, {pipeline_mode = #tpu.pipeline_mode<synchronous>, transform_indices = @transform_6, window_bounds = array<i64: 128, 128>}, {pipeline_mode = #tpu.pipeline_mode<synchronous>, transform_indices = @transform_7, window_bounds = array<i64: 1, 128>}, {transform_indices = @transform_8, window_bounds = array<i64: 1000, 128>}, {transform_indices = @transform_9, window_bounds = array<i64: 1000, 3>}]} {
    %get3A = arith.constant 0 : index
    %get3A_0 = arith.constant 0 : index
    %get3A_1 = vector.load %arg1[%get3A, %get3A_0] : memref<1000x128xf32, #tpu.memory_space<vmem>>, vector<1000x128xf32>
    %get3A_2 = arith.constant 0 : index
    %get3A_3 = arith.constant 0 : index
    %get3A_4 = vector.load %arg3[%get3A_2, %get3A_3] : memref<1000x128xf32, #tpu.memory_space<vmem>>, vector<1000x128xf32>
    %get3A_5 = arith.constant 0 : index
    %get3A_6 = arith.constant 0 : index
    %get3A_7 = vector.load %arg4[%get3A_5, %get3A_6] : memref<1000x128xf32, #tpu.memory_space<vmem>>, vector<1000x128xf32>
    %slice3A = vector.extract_strided_slice %get3A_7 {offsets = [0, 3], sizes = [1000, 1], strides = [1, 1]} : vector<1000x128xf32> to vector<1000x1xf32>
    %get3A_8 = arith.constant 0 : index
    %get3A_9 = arith.constant 0 : index
    %get3A_10 = vector.load %arg2[%get3A_8, %get3A_9] : memref<1000x3xf32, #tpu.memory_space<vmem>>, vector<1000x3xf32>
    %slice3A_11 = vector.extract_strided_slice %get3A_7 {offsets = [0, 0], sizes = [1000, 3], strides = [1, 1]} : vector<1000x128xf32> to vector<1000x3xf32>
    %div3A = vector.broadcast %slice3A : vector<1000x1xf32> to vector<1000x3xf32>
    %div3A_12 = arith.divf %slice3A_11, %div3A : vector<1000x3xf32>
    %add3A = arith.addf %get3A_10, %div3A_12 : vector<1000x3xf32>
    %swap3A = arith.constant 0 : index
    %swap3A_13 = arith.constant 0 : index
    %swap3A_14 = vector.load %arg10[%swap3A, %swap3A_13] : memref<1000x3xf32, #tpu.memory_space<vmem>>, vector<1000x3xf32>
    tpu.vector_store %arg10[%swap3A, %swap3A_13], %add3A {strides = array<i32>} : memref<1000x3xf32, #tpu.memory_space<vmem>>, vector<1000x3xf32>,
    %get3A_15 = arith.constant 0 : index
    %get3A_16 = arith.constant 0 : index
    %get3A_17 = vector.load %arg5[%get3A_15, %get3A_16] : memref<256x128xf32, #tpu.memory_space<vmem>>, vector<256x128xf32>
    %slice3A_18 = vector.extract_strided_slice %get3A_17 {offsets = [0, 0], sizes = [128, 128], strides = [1, 1]} : vector<256x128xf32> to vector<128x128xf32>
    %dot_general3A = arith.constant dense<0.000000e+00> : vector<1000x128xf32>
    %dot_general3A_19 = tpu.matmul %get3A_1, %slice3A_18, %dot_general3A {dimension_numbers = #tpu.dot_dimension_numbers<[1], [0], [0], [1], [0, 0, 1, 1], [], []>, transpose_lhs_hint = false} : vector<1000x128xf32>, vector<128x128xf32>, vector<1000x128xf32> -> vector<1000x128xf32>
    %slice3A_20 = vector.extract_strided_slice %get3A_17 {offsets = [128, 0], sizes = [128, 128], strides = [1, 1]} : vector<256x128xf32> to vector<128x128xf32>
    %dot_general3A_21 = arith.constant dense<0.000000e+00> : vector<1000x128xf32>
    %dot_general3A_22 = tpu.matmul %get3A_4, %slice3A_20, %dot_general3A_21 {dimension_numbers = #tpu.dot_dimension_numbers<[1], [0], [0], [1], [0, 0, 1, 1], [], []>, transpose_lhs_hint = false} : vector<1000x128xf32>, vector<128x128xf32>, vector<1000x128xf32> -> vector<1000x128xf32>
    %add3A_23 = arith.addf %dot_general3A_19, %dot_general3A_22 : vector<1000x128xf32>
    %get3A_24 = arith.constant 0 : index
    %get3A_25 = arith.constant 0 : index
    %get3A_26 = vector.load %arg6[%get3A_24, %get3A_25] : memref<1x128xf32, #tpu.memory_space<vmem>>, vector<1x128xf32>
    %add3A_27 = vector.broadcast %get3A_26 : vector<1x128xf32> to vector<1000x128xf32>
    %add3A_28 = arith.addf %add3A_23, %add3A_27 : vector<1000x128xf32>
    %neg3A = arith.constant 0.000000e+00 : f32
    %neg3A_29 = vector.broadcast %neg3A : f32 to vector<1000x128xf32>
    %neg3A_30 = arith.subf %neg3A_29, %add3A_28 : vector<1000x128xf32>
    %exp3A = math.exp %neg3A_30 : vector<1000x128xf32>
    %add3A_31 = arith.constant 1.000000e+00 : f32
    %add3A_32 = vector.broadcast %add3A_31 : f32 to vector<1000x128xf32>
    %add3A_33 = arith.addf %add3A_32, %exp3A : vector<1000x128xf32>
    %div3A_34 = arith.constant 1.000000e+00 : f32
    %div3A_35 = vector.broadcast %div3A_34 : f32 to vector<1000x128xf32>
    %div3A_36 = arith.divf %div3A_35, %add3A_33 : vector<1000x128xf32>
    %mul3A = arith.mulf %add3A_28, %div3A_36 : vector<1000x128xf32>
    %get3A_37 = arith.constant 0 : index
    %get3A_38 = arith.constant 0 : index
    %get3A_39 = vector.load %arg7[%get3A_37, %get3A_38] : memref<128x128xf32, #tpu.memory_space<vmem>>, vector<128x128xf32>
    %dot_general3A_40 = arith.constant dense<0.000000e+00> : vector<1000x128xf32>
    %dot_general3A_41 = tpu.matmul %mul3A, %get3A_39, %dot_general3A_40 {dimension_numbers = #tpu.dot_dimension_numbers<[1], [0], [0], [1], [0, 0, 1, 1], [], []>, transpose_lhs_hint = false} : vector<1000x128xf32>, vector<128x128xf32>, vector<1000x128xf32> -> vector<1000x128xf32>
    %add3A_42 = arith.addf %get3A_1, %dot_general3A_41 : vector<1000x128xf32>
    %get3A_43 = arith.constant 0 : index
    %get3A_44 = arith.constant 0 : index
    %get3A_45 = vector.load %arg8[%get3A_43, %get3A_44] : memref<1x128xf32, #tpu.memory_space<vmem>>, vector<1x128xf32>
    %add3A_46 = vector.broadcast %get3A_45 : vector<1x128xf32> to vector<1000x128xf32>
    %add3A_47 = arith.addf %add3A_42, %add3A_46 : vector<1000x128xf32>
    %swap3A_48 = arith.constant 0 : index
    %swap3A_49 = arith.constant 0 : index
    %swap3A_50 = vector.load %arg9[%swap3A_48, %swap3A_49] : memref<1000x128xf32, #tpu.memory_space<vmem>>, vector<1000x128xf32>
    tpu.vector_store %arg9[%swap3A_48, %swap3A_49], %add3A_47 {strides = array<i32>} : memref<1000x128xf32, #tpu.memory_space<vmem>>, vector<1000x128xf32>,
    return
  }
  func.func @transform_0(%arg0: i32) -> (i32, i32) {
    %c0_i32 = arith.constant 0 : i32
    %c0_i32_0 = arith.constant 0 : i32
    return %arg0, %c0_i32 : i32, i32
  }
  func.func @transform_1(%arg0: i32) -> (i32, i32) {
    %c0_i32 = arith.constant 0 : i32
    %c0_i32_0 = arith.constant 0 : i32
    return %arg0, %c0_i32 : i32, i32
  }
  func.func @transform_2(%arg0: i32) -> (i32, i32) {
    %c0_i32 = arith.constant 0 : i32
    %c0_i32_0 = arith.constant 0 : i32
    return %arg0, %c0_i32 : i32, i32
  }
  func.func @transform_3(%arg0: i32) -> (i32, i32) {
    %c0_i32 = arith.constant 0 : i32
    %c0_i32_0 = arith.constant 0 : i32
    return %arg0, %c0_i32 : i32, i32
  }
  func.func @transform_4(%arg0: i32) -> (i32, i32) {
    %c0_i32 = arith.constant 0 : i32
    %c0_i32_0 = arith.constant 0 : i32
    %c0_i32_1 = arith.constant 0 : i32
    return %c0_i32, %c0_i32_0 : i32, i32
  }
  func.func @transform_5(%arg0: i32) -> (i32, i32) {
    %c0_i32 = arith.constant 0 : i32
    %c0_i32_0 = arith.constant 0 : i32
    %c0_i32_1 = arith.constant 0 : i32
    return %c0_i32, %c0_i32_0 : i32, i32
  }
  func.func @transform_6(%arg0: i32) -> (i32, i32) {
    %c0_i32 = arith.constant 0 : i32
    %c0_i32_0 = arith.constant 0 : i32
    %c0_i32_1 = arith.constant 0 : i32
    return %c0_i32, %c0_i32_0 : i32, i32
  }
  func.func @transform_7(%arg0: i32) -> (i32, i32) {
    %c0_i32 = arith.constant 0 : i32
    %c0_i32_0 = arith.constant 0 : i32
    %c0_i32_1 = arith.constant 0 : i32
    return %c0_i32, %c0_i32_0 : i32, i32
  }
  func.func @transform_8(%arg0: i32) -> (i32, i32) {
    %c0_i32 = arith.constant 0 : i32
    %c0_i32_0 = arith.constant 0 : i32
    return %arg0, %c0_i32 : i32, i32
  }
  func.func @transform_9(%arg0: i32) -> (i32, i32) {
    %c0_i32 = arith.constant 0 : i32
    %c0_i32_0 = arith.constant 0 : i32
    return %arg0, %c0_i32 : i32, i32
  }
}

</mosaic_0001>

<sc_bundles>
// kernel: kernel.12.cloned.1.call-start
scs
__scs_entry_jumppad:
0x0: {  	(pc) =	sbr.rel $0x88, $3  }
0x1: {  	(tag) =	ssettag $0x0;
	lr =	simm.s32 $0x1  }
0x2: {  	[smem:$0x3F91] =	sst lr;
	_ =	strace $0xD0000000  }
0x3: {  	_ = 	snop  }
0x4: {  	_ = 	snop  }
0x5: {  	_ = 	snop  }
0x6: {  	_ = 	snop  }
0x7: {  	_ = 	snop  }
__scs_overlays_trampoline_lowered:
0x8: {  	[smem:$0x3FA0] =	sst s0  }
0x9: {  	[smem:$0x3FA1] =	sst s1  }
0xa: {  	[smem:$0x3FA2] =	sst s2  }
0xb: {  	[smem:$0x3FA3] =	sst s3  }
0xc: {  	[smem:$0x3FA4] =	sst s4  }
0xd: {  	[smem:$0x3FA5] =	sst s5  }
0xe: {  	[smem:$0x3FA6] =	sst s6  }
0xf: {  	[smem:$0x3FA7] =	sst s7  }
0x10: {  	[smem:$0x3FA8] =	sst s8  }
0x11: {  	[smem:$0x3FA9] =	sst s9;
	s0 =	simm.s32 @!p0 $0x0  }
0x12: {  	s1 =	sld [smem:$0x3F8F];
	s0 =	simm.s32 @p0 $0x1  }
0x13: {  	[smem:$0x3FAA] =	sst s0;
	s0 =	simm.s32 @!p1 $0x0  }
0x14: {  	s2 =	sld [smem:$0x3F8E];
	s0 =	simm.s32 @p1 $0x1  }
0x15: {  	[smem:$0x3FAB] =	sst s0;
	s0 =	simm.s32 @!p2 $0x0  }
0x16: {  	s3 =	sld [smem:$0x3FDB];
	s0 =	simm.s32 @p2 $0x1  }
0x17: {  	s4 =	simm.s32 $0x1BF5;
	[smem:$0x3FAD] =	sst s0  }
0x18: {  	s0 =	sld [smem:$0x3F90];
	_ =	swait.ge [sflag:s4], $0x0  }
0x19: {  	s7 =	sld [smem:$0x3F91]  }
0x1a: {  	s8 =	sadd.s32 $0xFFFFE003, lr  }
0x1b: {  	s9 =	sadd.s32 $0xFFFFFEF7, lr;
	s5 =	simm.s32 $0xFFFFFFFF;
	p2 =	slt.u32 s8, $0xFFFFF086  }
0x1c: {  	p1 =	slt.u32 s9, $0xF7A;
	s5 =	simm.s32 @!p2 $0x0  }
0x1d: {  	s5 =	simm.s32 @p1 $0x1;
	p0 =	seq.s32 s7, s2  }
0x1e: {  	s7 =	smul.u32 @!p0 $0xF7A, s2;
	p2 =	seq.s32 @!p0 s5, $0x0  }
0x1f: {  	s9 =	smul.u32 $0xF7A, s1;
	s8 =	simm.s32 @!p0 $0x1BF5;
	p2 =	por !p2, p0  }
0x20: {  	[sflag:s8] =	ssyncset.s32 @!p0 $0xFFFFF086;
	s6 =	sadd.s32 @!p0 s3, s7;
	s7 =	simm.s32 @!p0 $0x108  }
0x21: {  	s3 =	sadd.s32 s3, s9;
	s6 =	sadd.s32 @!p0 $0x88, s6;
	s7 =	simm.s32 @p2 $0x1082  }
0x22: {  	[simem:s7], [sflag:s8] =	dma.local @!p0 [hbm:s6], $0xF7A  }
0x23: {  	s9 =	sor.u32 $0xD0000000, s2;
	s6 =	simm.s32 $0x108;
	_ =	swait.ge @!p0 [sflag:s8], $0x0  }
0x24: {  	s3 =	sadd.s32 $0x88, s3;
	s6 =	simm.s32 @!p1 $0x1082;
	[sflag:s4] =	ssyncset.s32 $0xFFFFF086  }
0x25: {  	[simem:s6], [sflag:s4] =	dma.local [hbm:s3], $0xF7A  }
0x26: {  	[smem:$0x3F91] =	sst s1;
	(tag) =	ssettag s2;
	_ =	strace s9  }
0x27: {  	s1 =	sld [smem:$0x3FA1]  }
0x28: {  	s2 =	sld [smem:$0x3FA2]  }
0x29: {  	s4 =	sld [smem:$0x3FA4]  }
0x2a: {  	p0 =	seq.s32 s5, $0x0;
	s5 =	sld [smem:$0x3FA5]  }
0x2b: {  	s6 =	sld [smem:$0x3FA6]  }
0x2c: {  	s7 =	sld [smem:$0x3FA7]  }
0x2d: {  	s3 =	simm.s32 $0x108;
	s8 =	sld [smem:$0x3FA8]  }
0x2e: {  	s3 =	simm.s32 @!p0 $0x1082;
	s9 =	sld [smem:$0x3FA9]  }
0x2f: {  	lr =	sadd.s32 s0, s3;
	s0 =	sld [smem:$0x3FA0]  }
0x30: {  	s3 =	sld [smem:$0x3FA3]  }
0x31: {  	[smem:$0x3FAC] =	sst s10  }
0x32: {  	s10 =	sld [smem:$0x3FAA];
	_ =	sdelay $0x3  }
0x33: {  	p0 =	seq.s32 s10, $0x1;
	s10 =	sld [smem:$0x3FAC];
	_ =	sdelay $0x3  }
0x34: {  	[smem:$0x3FAC] =	sst s10  }
0x35: {  	s10 =	sld [smem:$0x3FAB];
	_ =	sdelay $0x3  }
0x36: {  	p1 =	seq.s32 s10, $0x1;
	s10 =	sld [smem:$0x3FAC];
	_ =	sdelay $0x3  }
0x37: {  	[smem:$0x3FAC] =	sst s10  }
0x38: {  	s10 =	sld [smem:$0x3FAD]  }
0x39: {  	_ = 	snop;
	(pc) =	sbr.ind lr, $3  }
0x3a: {  	_ = 	snop  }
0x3b: {  	_ = 	snop  }
0x3c: {  	p2 =	seq.s32 s10, $0x1;
	s10 =	sld [smem:$0x3FAC]  }
0x3d: {  	_ =	shalt  }
0x3e: {  	_ =	shalt  }
0x3f: {  	_ =	shalt  }
0x40: {  	_ =	shalt  }
0x41: {  	_ =	shalt  }
0x42: {  	_ =	shalt  }
0x43: {  	_ =	shalt  }
0x44: {  	_ =	shalt  }
0x45: {  	_ =	shalt  }
0x46: {  	_ =	shalt  }
0x47: {  	_ =	shalt  }
0x48: {  	_ =	shalt  }
0x49: {  	_ =	shalt  }
0x4a: {  	_ =	shalt  }
0x4b: {  	_ =	shalt  }
0x4c: {  	_ =	shalt  }
0x4d: {  	_ =	shalt  }
0x4e: {  	_ =	shalt  }
0x4f: {  	_ =	shalt  }
0x50: {  	_ =	shalt  }
0x51: {  	_ =	shalt  }
0x52: {  	_ =	shalt  }
0x53: {  	_ =	shalt  }
0x54: {  	_ =	shalt  }
0x55: {  	_ =	shalt  }
0x56: {  	_ =	shalt  }
0x57: {  	_ =	shalt  }
0x58: {  	_ =	shalt  }
0x59: {  	_ =	shalt  }
0x5a: {  	_ =	shalt  }
0x5b: {  	_ =	shalt  }
0x5c: {  	_ =	shalt  }
0x5d: {  	_ =	shalt  }
0x5e: {  	_ =	shalt  }
0x5f: {  	_ =	shalt  }
0x60: {  	_ =	shalt  }
0x61: {  	_ =	shalt  }
0x62: {  	_ =	shalt  }
0x63: {  	_ =	shalt  }
0x64: {  	_ =	shalt  }
0x65: {  	_ =	shalt  }
0x66: {  	_ =	shalt  }
0x67: {  	_ =	shalt  }
0x68: {  	_ =	shalt  }
0x69: {  	_ =	shalt  }
0x6a: {  	_ =	shalt  }
0x6b: {  	_ =	shalt  }
0x6c: {  	_ =	shalt  }
0x6d: {  	_ =	shalt  }
0x6e: {  	_ =	shalt  }
0x6f: {  	_ =	shalt  }
0x70: {  	_ =	shalt  }
0x71: {  	_ =	shalt  }
0x72: {  	_ =	shalt  }
0x73: {  	_ =	shalt  }
0x74: {  	_ =	shalt  }
0x75: {  	_ =	shalt  }
0x76: {  	_ =	shalt  }
0x77: {  	_ =	shalt  }
0x78: {  	_ =	shalt  }
0x79: {  	_ =	shalt  }
0x7a: {  	_ =	shalt  }
0x7b: {  	_ =	shalt  }
0x7c: {  	_ =	shalt  }
0x7d: {  	_ =	shalt  }
0x7e: {  	_ =	shalt  }
0x7f: {  	_ =	shalt  }
0x80: {  	_ =	shalt  }
0x81: {  	_ =	shalt  }
0x82: {  	_ =	shalt  }
0x83: {  	_ =	shalt  }
0x84: {  	_ =	shalt  }
0x85: {  	_ =	shalt  }
0x86: {  	_ =	shalt  }
0x87: {  	_ =	shalt  }
.Lfunc_end0:
.L_simem_size_0:
called_computation.1_lowered:
.L_overlay_start_0:
0x88: {  	s2 =	sld [smem:$0x3FD9]  }
0x89: {  	s3 =	sld [smem:$0x3FFE];
	_ =	sdelay $0x1  }
0x8a: {  	s1 =	srdreg.scid  }
0x8b: {  	s0 =	sand.u32 $0x1, s1  }
0x8c: {  	s17 =	sshll.u32 s0, $0xA;
	s2 =	sadd.s32 s3, s2  }
0x8d: {  	s2 =	sadd.s32 s2, s17  }
0x8e: {  	[smem:$0x3FB8] =	sst s2  }
0x8f: {  	_ = 	snop  }
0x90: {  	(tm) =	ssettm $0x1  }
0x91: {  	s18 =	sld [smem:$0x3FFB];
	_ =	sdelay $0x3  }
0x92: {  	_ =	strace s18  }
0x93: {  	s2 =	sld [smem:$0x3FFC];
	_ =	sdelay $0x3  }
0x94: {  	_ =	strace s2  }
0x95: {  	s2 =	sld [smem:$0x3FFD];
	_ =	sdelay $0x3  }
0x96: {  	_ =	strace s2  }
0x97: {  	_ =	strace $0x8FFFFFFF  }
0x98: {  	s19 =	sld [smem:$0x3FDB];
	_ =	sdelay $0x1  }
0x99: {  	s20 =	simm.s32 $_scs_section_size  }
0x9a: {  	s4 =	simm.s32 $_size__tile_overlayer_lowered;
	s5 =	simm.s32 $_tile_overlayer_lowered  }
0x9b: {  	s6 =	simm.s32 $0x1BFF;
	s21 =	sshll.u32 s5, $0x1;
	s3 =	sadd.s32 s20, s19  }
0x9c: {  	s22 =	simm.s32 $0x0;
	s4 =	sshll.u32 s4, $0x1;
	s5 =	sadd.s32 s21, s3  }
0x9d: {  	[timem:s22], [sflag:s6] =	dma.local [hbm:s5], s4  }
0x9e: {  	_ =	swait.ge [sflag:s6], s4  }
0x9f: {  	s4 =	ssub.s32 $0x0, s4;
	[sflag:s6] =	ssyncset.done $0x0  }
0xa0: {  	[sflag:s6] =	ssyncadd.s32 s4;
	_ =	sdelay $0x1  }
0xa1: {  	s23 =	simm.s32 $0x1B8B  }
0xa2: {  	_ =	swait.ge [sflag:s23], $0x1  }
0xa3: {  	[sflag:s23] =	ssyncset.done $0x0  }
0xa4: {  	[sflag:s23] =	ssyncadd.s32 $0xFFFFFFFF  }
0xa5: {  	s4 =	sld [smem:$0x0]  }
0xa6: {  	s5 =	sand.u32 $0xFFFFFFFE, s1  }
0xa7: {  	p0 =	sne.s32 s1, s5  }
0xa8: {  	s5 =	sshll.u32 @p0 s5, $0xE  }
0xa9: {  	s5 =	sadd.s32 @p0 $0x11B8D, s5;
	s6 =	sshll.u32 @p0 s4, $0x11  }
0xaa: {  	s5 =	sor.u32 @p0 s6, s5  }
0xab: {  	[sflag:s5] =	ssyncadd.remote.s32 @p0 $0x1;
	_ =	sdelay $0x1  }
0xac: {  	s5 =	simm.s32 @p0 $0x1B8D  }
0xad: {  	_ =	swait.eq @p0 [sflag:s5], $0x1  }
0xae: {  	[sflag:s5] =	ssyncadd.s32 @p0 $0xFFFFFFFF  }
0xaf: {  	s6 =	sshll.u32 @!p0 s1, $0xE  }
0xb0: {  	s6 =	sor.u32 @!p0 $0x4000, s6;
	s5 =	simm.s32 @!p0 $0x1B8D  }
0xb1: {  	s4 =	sshll.u32 @!p0 s4, $0x11;
	s6 =	sadd.s32 @!p0 $0x11B8D, s6;
	_ =	swait.eq @!p0 [sflag:s5], $0x1  }
0xb2: {  	s4 =	sor.u32 @!p0 s4, s6;
	[sflag:s5] =	ssyncadd.s32 @!p0 $0xFFFFFFFF  }
0xb3: {  	s25 =	simm.s32 $0x1B8E;
	s24 =	sld [smem:$0x3FFE];
	[sflag:s4] =	ssyncadd.remote.s32 @!p0 $0x1  }
0xb4: {  	s26 =	simm.s32 $execute0_lowered;
	[smem:$0x3FD2] =	sst s25  }
0xb5: {  	s5 =	sshll.u32 s26, $0x1;
	_ =	strace $0x80000049;
	[dreg:$0x1] =	wrdreg $0xFFFFFFFF  }
0xb6: {  	s28 =	simm.s32 $_size_execute0_lowered;
	s3 =	sadd.s32 s3, s5;
	[dreg:$0x0] =	wrdreg $0x0  }
0xb7: {  	s5 =	sshll.u32 s28, $0x1;
	[dreg:$0x2] =	wrdreg s3  }
0xb8: {  	[dreg:$0x3] =	wrdreg s5  }
0xb9: {  	[dreg:$0x4] =	wrdreg $0xC0  }
0xba: {  	_ =	task [dreg:s22], $0x5FFFF  }
0xbb: {  	[dreg:$0x1] =	wrdreg $0xFFFFFFFF  }
0xbc: {  	[dreg:$0x0] =	wrdreg $0x60  }
0xbd: {  	[dreg:$0x2] =	wrdreg s24  }
0xbe: {  	[dreg:$0x3] =	wrdreg $0xA7800  }
0xbf: {  	[dreg:$0x4] =	wrdreg $0x9  }
0xc0: {  	_ =	task.clear_ibuf [dreg:s22], $0x5FFFF;
	_ =	strace $0x90000049  }
0xc1: {  	s29 =	simm.s32 $0x9;
	_ =	strace $0x8000004B  }
0xc2: {  	_ =	swait.ge [sflag:s29], $0x1  }
0xc3: {  	[sflag:s29] =	ssyncadd.s32 $0xFFFFFFFF  }
0xc4: {  	_ =	strace $0x9000004B  }
0xc5: {  	_ =	sfence  }
0xc6: {  	s30 =	sld [smem:$0x0];
	_ =	sdelay $0x2  }
0xc7: {  	s31 =	sshll.u32 s1, $0xD;
	s1 =	sshrl.u32 s1, $0x2  }
0xc8: {  	s4 =	sand.u32 $0x4000, s31;
	s1 =	sadd.s32 s1, s30  }
0xc9: {  	s0 =	sor.u32 s4, s0;
	s1 =	sshll.u32 s1, $0x11  }
0xca: {  	s0 =	sor.u32 s1, s0  }
0xcb: {  	s0 =	sadd.s32 $0x8F2B, s0  }
0xcc: {  	[sflag:s0] =	ssyncadd.remote.s32 $0x1  }
0xcd: {  	_ =	sfence.sel $0xFFFF  }
0xce: {  	[dreg:$0x0] =	wrdreg $0xFFFFFFFF;
	(pc) =	sbr.abs _section_cstart, $3  }
0xcf: {  	[dreg:$0x1] =	wrdreg $0xFFFFFFFF  }
0xd0: {  	_ =	task.clear_ibuf [dreg:s22], $0x2FFFF;
	_ =	strace $0x9FFFFFFF  }
0xd1: {  	(tm) =	ssettm $0x7FFFFFFF  }
tec
execute0_lowered:
.L_overlay_start_1:
0x0: {  	(tag) =	ssettag $0x1  }
0x1: {  	s6 =	rddreg [dreg:$0x0]  }
0x2: {  	s2 =	rddreg [dreg:$0x1]  }
0x3: {  	s1 =	stileid.u32;
	s3 =	srdreg.scid  }
0x4: {  	s0 =	rddreg [dreg:$0x2];
	s18 =	simm.s32 $0x80;
	s19 =	simm.s32 $0x6780  }
0x5: {  	s20 =	simm.s32 $0x1;
	s21 =	simm.s32 $0x2;
	s5 =	smul.u32 $0x2700, s1  }
0x6: {  	s22 =	simm.s32 $0x2680;
	s23 =	simm.s32 $0x10;
	s8 =	smul.u32 $0x4E000, s1  }
0x7: {  	s10 =	sand.u32 $0x1, s3;
	s11 =	sadd.s32 $0x52D400, s6;
	s16 =	smul.u32 $0x271000, s1  }
0x8: {  	s4 =	sshll.u32 s1, $0x1;
	s14 =	sadd.s32 $0x124800, s2;
	s29 =	smul.u32 $0x4E200, s1  }
0x9: {  	s3 =	simm.s32 $0x0;
	p0 =	seq.s32 s1, $0xF;
	s17 =	smul.u32 $0x138800, s10  }
0xa: {  	s7 =	sor.u32 s10, s4;
	[smem:$0x7FF] =	sst s3;
	s30 =	smul.u32 $0x27100, s10  }
0xb: {  	s24 =	ssub.s32 $0x2, s10;
	s4 =	smul.u32 $0x2710, s7;
	_ =	strace $0x8000004A  }
0xc: {  	s5 =	sadd.s32 s5, s6;
	s12 =	sshrl.u32 s24, $0x1;
	s13 =	smul.u32 $0x138800, s7  }
0xd: {  	s8 =	sshrl.u32 s8, $0x2;
	s26 =	smul.u32 $0x27100, s7;
	s12 =	ssub.s32 s24, s12  }
0xe: {  	s15 =	sadd.s32 s8, s2;
	s16 =	sadd.s32 s17, s16;
	s17 =	simm.s32 $0x2780  }
0xf: {  	s24 =	simm.s32 $0x2700;
	s4 =	sshrl.u32 s4, $0x3;
	s25 =	sshrl.u32 s13, $0x3  }
0x10: {  	s8 =	smax.u32 s12, $0x1;
	s13 =	sadd.s32 s11, s26;
	s31 =	sshrl.u32 s16, $0x3  }
0x11: {  	s12 =	sadd.s32 s29, s11;
	s15 =	sshrl.u32 @!p0 s15, $0x3;
	s16 =	simm.s32 $0x3  }
0x12: {  	s9 =	sadd.s32 s4, s6;
	s4 =	sadd.s32 $0x15400, s5;
	s28 =	sadd.s32 s11, s25  }
0x13: {  	s6 =	sadd.s32 $0x39D00, s6;
	s10 =	sadd.s32 $0x26800, s13;
	s11 =	sadd.s32 s31, s11  }
0x14: {  	s12 =	sadd.s32 s30, s12;
	s13 =	sshrl.u32 @p0 s14, $0x3;
	s14 =	sshll.u32 @!p0 s1, $0x6  }
0x15: {  	s25 =	simm.s32 $0x0;
	s5 =	sadd.s32 $0x523600, s9;
	s7 =	sadd.s32 $0x27000, s28  }
0x16: {  	s9 =	sadd.s32 $0x26000, s28;
	s12 =	sadd.s32 $0x800, s12;
	s14 =	sor.u32 @!p0 $0x1C03, s14  }
.LBB2_1:
0x17: {  	s26 =	simm.s32 @p0 $0x1FC3  }
0x18: {  	[spmem:s13], [sflag:s26] =	dma.local @p0 [hbm:s6], $0x2800  }
0x19: {  	s26 =	simm.s32 @p0 $0x3  }
0x1a: {  	_ =	swait.ge @p0 [sflag:s26], $0x2800  }
0x1b: {  	[sflag:s26] =	ssyncset.done @p0 $0x0  }
0x1c: {  	[sflag:s26] =	ssyncadd.s32 @p0 $0xFFFFD800;
	s26 =	simm.s32 @!p0 $0x3  }
0x1d: {  	[spmem:s15], [sflag:s14] =	dma.local @!p0 [hbm:s4], $0x2700  }
0x1e: {  	_ =	swait.ge @!p0 [sflag:s26], $0x2700  }
0x1f: {  	[sflag:s26] =	ssyncset.done @!p0 $0x0  }
0x20: {  	[sflag:s26] =	ssyncadd.s32 @!p0 $0xFFFFD900  }
0x21: {  	[tilespmem:s3], [sflag:$0x3] =	stream.linear.gather [hbm4b:s5+s3], $0x2710, $0x38;
	[tilespmem:$0x1E000] =	vst v63  }
0x22: {  	_ =	swait.ge [sflag:s16], $0x2710  }
0x23: {  	[sflag:s16] =	ssyncset.done $0x0  }
0x24: {  	[sflag:s16] =	ssyncadd.s32 $0xFFFFD8F0  }
0x25: {  	[bflag:$0x0] =	sbarrier.arrive $0xFFFF  }
0x26: {  	[tilespmem:s17], [sflag:$0x1] =	stream.indirect.gather [spmem:s2], $0x80, s3, s18, $0xb8;
	[tilespmem:$0x1E000] =	vst v63  }
0x27: {  	_ = 	snop  }
0x28: {  	[tilespmem:s19], [sflag:$0x2] =	stream.indirect.gather [spmem:s2], $0x80, s18, s18, $0xb8;
	[tilespmem:$0x1E000] =	vst v63  }
0x29: {  	_ =	swait.ge [sflag:s20], $0x4000  }
0x2a: {  	[sflag:s20] =	ssyncset.done $0x0  }
0x2b: {  	s29 =	sadd.s32 $0x0, s11;
	[sflag:s20] =	ssyncadd.s32 $0xFFFFC000  }
0x2c: {  	[hbm4b:s29+s3] =	stream.linear.scatter [tilespmem:s17], [sflag:$0x3], $0x4000, $0x38;
	[tilespmem:$0x1E000] =	vst v63  }
0x2d: {  	_ =	swait.ge [sflag:s16], $0x4000  }
0x2e: {  	[sflag:s16] =	ssyncset.done $0x0  }
0x2f: {  	s30 =	simm.s32 $0x100;
	[sflag:s16] =	ssyncadd.s32 $0xFFFFC000  }
0x30: {  	[tilespmem:s17], [sflag:$0x1] =	stream.indirect.gather [spmem:s2], $0x80, s30, s18, $0xb8;
	[tilespmem:$0x1E000] =	vst v63  }
0x31: {  	_ =	swait.ge [sflag:s21], $0x4000  }
0x32: {  	[sflag:s21] =	ssyncset.done $0x0  }
0x33: {  	s31 =	sadd.s32 $0x0, s12;
	[sflag:s21] =	ssyncadd.s32 $0xFFFFC000  }
0x34: {  	[hbm4b:s31+s3] =	stream.linear.scatter [tilespmem:s19], [sflag:$0x3], $0x4000, $0x38;
	[tilespmem:$0x1E000] =	vst v63  }
0x35: {  	_ =	swait.ge [sflag:s16], $0x4000  }
0x36: {  	s28 =	simm.s32 $0x80;
	s26 =	simm.s32 $0x1000;
	[sflag:s16] =	ssyncset.done $0x0  }
.LBB2_2:
0x37: {  	p1 =	sne.s32 s26, $0x25000;
	[sflag:s16] =	ssyncadd.s32 $0xFFFFC000;
	s28 =	sadd.s32 $0x100, s28  }
0x38: {  	[tilespmem:s19], [sflag:$0x2] =	stream.indirect.gather [spmem:s2], $0x80, s28, s18, $0xb8;
	[tilespmem:$0x1E000] =	vst v63  }
0x39: {  	s29 =	smov.u32 s26;
	s26 =	sadd.s32 $0x1000, s26;
	_ =	swait.ge [sflag:s20], $0x4000  }
0x3a: {  	[sflag:s20] =	ssyncset.done $0x0  }
0x3b: {  	s30 =	sadd.s32 s29, s11;
	[sflag:s20] =	ssyncadd.s32 $0xFFFFC000  }
0x3c: {  	[hbm4b:s30+s3] =	stream.linear.scatter [tilespmem:s17], [sflag:$0x3], $0x4000, $0x38;
	[tilespmem:$0x1E000] =	vst v63  }
0x3d: {  	_ =	swait.ge [sflag:s16], $0x4000  }
0x3e: {  	[sflag:s16] =	ssyncset.done $0x0  }
0x3f: {  	s30 =	sadd.s32 $0x80, s28;
	[sflag:s16] =	ssyncadd.s32 $0xFFFFC000  }
0x40: {  	[tilespmem:s17], [sflag:$0x1] =	stream.indirect.gather [spmem:s2], $0x80, s30, s18, $0xb8;
	[tilespmem:$0x1E000] =	vst v63  }
0x41: {  	_ =	swait.ge [sflag:s21], $0x4000  }
.Ltmp0:
0x42: {  	[sflag:s21] =	ssyncset.done $0x0;
	(pc) =	sbr.rel @p1 .LBB2_2-.Ltmp0, $4  }
0x43: {  	s29 =	sadd.s32 s29, s12;
	[sflag:s21] =	ssyncadd.s32 $0xFFFFC000  }
0x44: {  	[hbm4b:s29+s3] =	stream.linear.scatter [tilespmem:s19], [sflag:$0x3], $0x4000, $0x38;
	[tilespmem:$0x1E000] =	vst v63  }
0x45: {  	_ =	swait.ge [sflag:s16], $0x4000  }
0x46: {  	[sflag:s16] =	ssyncset.done $0x0  }
0x47: {  	[sflag:s16] =	ssyncadd.s32 $0xFFFFC000  }
0x48: {  	[tilespmem:s19], [sflag:$0x2] =	stream.indirect.gather [spmem:s2], $0x80, s22, s18, $0xb8;
	[tilespmem:$0x1E000] =	vst v63  }
0x49: {  	_ =	swait.ge [sflag:s20], $0x4000  }
0x4a: {  	[sflag:s20] =	ssyncset.done $0x0  }
0x4b: {  	[sflag:s20] =	ssyncadd.s32 $0xFFFFC000  }
0x4c: {  	[hbm4b:s9+s3] =	stream.linear.scatter [tilespmem:s17], [sflag:$0x3], $0x4000, $0x38;
	[tilespmem:$0x1E000] =	vst v63  }
0x4d: {  	_ =	swait.ge [sflag:s16], $0x4000  }
0x4e: {  	[sflag:s16] =	ssyncset.done $0x0  }
0x4f: {  	[sflag:s16] =	ssyncadd.s32 $0xFFFFC000  }
0x50: {  	_ =	swait.ge [sflag:s21], $0x4000  }
0x51: {  	[sflag:s21] =	ssyncset.done $0x0  }
0x52: {  	[sflag:s21] =	ssyncadd.s32 $0xFFFFC000  }
0x53: {  	[hbm4b:s10+s3] =	stream.linear.scatter [tilespmem:s19], [sflag:$0x3], $0x4000, $0x38;
	[tilespmem:$0x1E000] =	vst v63  }
0x54: {  	_ =	swait.ge [sflag:s16], $0x4000  }
0x55: {  	[sflag:s16] =	ssyncset.done $0x0  }
0x56: {  	[sflag:s16] =	ssyncadd.s32 $0xFFFFC000  }
0x57: {  	[tilespmem:s17], [sflag:$0x3] =	stream.indirect.gather [spmem:s2], $0x80, s24, s23, $0xb8;
	[tilespmem:$0x1E000] =	vst v63  }
0x58: {  	s25 =	sadd.s32 $0x1, s25;
	_ =	swait.ge [sflag:s16], $0x800  }
0x59: {  	p1 =	sne.s32 s25, s8;
	[sflag:s16] =	ssyncset.done $0x0  }
.Ltmp1:
0x5a: {  	[sflag:s16] =	ssyncadd.s32 $0xFFFFF800;
	(pc) =	sbr.rel @p1 .LBB2_1-.Ltmp1, $4  }
0x5b: {  	[hbm4b:s7+s3] =	stream.linear.scatter [tilespmem:s17], [sflag:$0x3], $0x800, $0x38;
	[tilespmem:$0x1E000] =	vst v63  }
0x5c: {  	_ =	swait.ge [sflag:s16], $0x800  }
0x5d: {  	[sflag:s16] =	ssyncset.done $0x0  }
0x5e: {  	[sflag:s16] =	ssyncadd.s32 $0xFFFFF800  }
0x5f: {  	_ =	sfence.sel $0x180000  }
0x60: {  	[bflag:$0x0] =	sbarrier.arrive $0xFFFF  }
0x61: {  	p0 =	sne.s32 s1, $0x0;
	_ =	strace $0x9000004A  }
0x62: {  	s0 =	sadd.s32 @!p0 $0x100000, s0;
	[bflag:$0x2] =	sbarrier.arrive $0xFFFF  }
0x63: {  	[sflag:s0] =	ssyncadd.tile.s32 @!p0 $0x1;
	_ =	shalt  }
.Lfunc_end2:
_tile_overlayer_lowered:
.L_overlay_start_2:
0x64: {  	(tag) =	ssettag $0x2  }
0x65: {  	s0 =	rddreg [dreg:$0x0];
	s2 =	stileid.u32  }
0x66: {  	s1 =	rddreg [dreg:$0x1];
	p0 =	sne.s32 s2, $0x0  }
0x67: {  	s3 =	rddreg [dreg:$0x2];
	[bflag:$0x3] =	sbarrier.arrive $0xFFFF;
	s2 =	simm.s32 @!p0 $0x1C03  }
0x68: {  	[timem:s3], [sflag:s2] =	dma.local @!p0 [hbm:s0], s1  }
0x69: {  	s0 =	simm.s32 @!p0 $0x3  }
0x6a: {  	_ =	swait.ge @!p0 [sflag:s0], s1  }
0x6b: {  	s1 =	ssub.s32 @!p0 $0x0, s1;
	[sflag:s0] =	ssyncset.done @!p0 $0x0  }
0x6c: {  	[sflag:s0] =	ssyncadd.s32 @!p0 s1  }
0x6d: {  	[bflag:$0x3] =	sbarrier.arrive $0xFFFF  }
0x6e: {  	_ =	shalt  }

// kernel: kernel.15.cloned.1.call-start
scs
__scs_entry_jumppad:
0x0: {  	(pc) =	sbr.rel $0x88, $3  }
0x1: {  	(tag) =	ssettag $0x0;
	lr =	simm.s32 $0x1  }
0x2: {  	[smem:$0x3F91] =	sst lr;
	_ =	strace $0xD0000000  }
0x3: {  	_ = 	snop  }
0x4: {  	_ = 	snop  }
0x5: {  	_ = 	snop  }
0x6: {  	_ = 	snop  }
0x7: {  	_ = 	snop  }
__scs_overlays_trampoline_lowered:
0x8: {  	[smem:$0x3FA0] =	sst s0  }
0x9: {  	[smem:$0x3FA1] =	sst s1  }
0xa: {  	[smem:$0x3FA2] =	sst s2  }
0xb: {  	[smem:$0x3FA3] =	sst s3  }
0xc: {  	[smem:$0x3FA4] =	sst s4  }
0xd: {  	[smem:$0x3FA5] =	sst s5  }
0xe: {  	[smem:$0x3FA6] =	sst s6  }
0xf: {  	[smem:$0x3FA7] =	sst s7  }
0x10: {  	[smem:$0x3FA8] =	sst s8  }
0x11: {  	[smem:$0x3FA9] =	sst s9;
	s0 =	simm.s32 @!p0 $0x0  }
0x12: {  	s1 =	sld [smem:$0x3F8F];
	s0 =	simm.s32 @p0 $0x1  }
0x13: {  	[smem:$0x3FAA] =	sst s0;
	s0 =	simm.s32 @!p1 $0x0  }
0x14: {  	s2 =	sld [smem:$0x3F8E];
	s0 =	simm.s32 @p1 $0x1  }
0x15: {  	[smem:$0x3FAB] =	sst s0;
	s0 =	simm.s32 @!p2 $0x0  }
0x16: {  	s3 =	sld [smem:$0x3FDB];
	s0 =	simm.s32 @p2 $0x1  }
0x17: {  	s4 =	simm.s32 $0x1BF5;
	[smem:$0x3FAD] =	sst s0  }
0x18: {  	s0 =	sld [smem:$0x3F90];
	_ =	swait.ge [sflag:s4], $0x0  }
0x19: {  	s7 =	sld [smem:$0x3F91]  }
0x1a: {  	s8 =	sadd.s32 $0xFFFFE003, lr  }
0x1b: {  	s9 =	sadd.s32 $0xFFFFFEF7, lr;
	s5 =	simm.s32 $0xFFFFFFFF;
	p2 =	slt.u32 s8, $0xFFFFF086  }
0x1c: {  	p1 =	slt.u32 s9, $0xF7A;
	s5 =	simm.s32 @!p2 $0x0  }
0x1d: {  	s5 =	simm.s32 @p1 $0x1;
	p0 =	seq.s32 s7, s2  }
0x1e: {  	s7 =	smul.u32 @!p0 $0xF7A, s2;
	p2 =	seq.s32 @!p0 s5, $0x0  }
0x1f: {  	s9 =	smul.u32 $0xF7A, s1;
	s8 =	simm.s32 @!p0 $0x1BF5;
	p2 =	por !p2, p0  }
0x20: {  	[sflag:s8] =	ssyncset.s32 @!p0 $0xFFFFF086;
	s6 =	sadd.s32 @!p0 s3, s7;
	s7 =	simm.s32 @!p0 $0x108  }
0x21: {  	s3 =	sadd.s32 s3, s9;
	s6 =	sadd.s32 @!p0 $0x88, s6;
	s7 =	simm.s32 @p2 $0x1082  }
0x22: {  	[simem:s7], [sflag:s8] =	dma.local @!p0 [hbm:s6], $0xF7A  }
0x23: {  	s9 =	sor.u32 $0xD0000000, s2;
	s6 =	simm.s32 $0x108;
	_ =	swait.ge @!p0 [sflag:s8], $0x0  }
0x24: {  	s3 =	sadd.s32 $0x88, s3;
	s6 =	simm.s32 @!p1 $0x1082;
	[sflag:s4] =	ssyncset.s32 $0xFFFFF086  }
0x25: {  	[simem:s6], [sflag:s4] =	dma.local [hbm:s3], $0xF7A  }
0x26: {  	[smem:$0x3F91] =	sst s1;
	(tag) =	ssettag s2;
	_ =	strace s9  }
0x27: {  	s1 =	sld [smem:$0x3FA1]  }
0x28: {  	s2 =	sld [smem:$0x3FA2]  }
0x29: {  	s4 =	sld [smem:$0x3FA4]  }
0x2a: {  	p0 =	seq.s32 s5, $0x0;
	s5 =	sld [smem:$0x3FA5]  }
0x2b: {  	s6 =	sld [smem:$0x3FA6]  }
0x2c: {  	s7 =	sld [smem:$0x3FA7]  }
0x2d: {  	s3 =	simm.s32 $0x108;
	s8 =	sld [smem:$0x3FA8]  }
0x2e: {  	s3 =	simm.s32 @!p0 $0x1082;
	s9 =	sld [smem:$0x3FA9]  }
0x2f: {  	lr =	sadd.s32 s0, s3;
	s0 =	sld [smem:$0x3FA0]  }
0x30: {  	s3 =	sld [smem:$0x3FA3]  }
0x31: {  	[smem:$0x3FAC] =	sst s10  }
0x32: {  	s10 =	sld [smem:$0x3FAA];
	_ =	sdelay $0x3  }
0x33: {  	p0 =	seq.s32 s10, $0x1;
	s10 =	sld [smem:$0x3FAC];
	_ =	sdelay $0x3  }
0x34: {  	[smem:$0x3FAC] =	sst s10  }
0x35: {  	s10 =	sld [smem:$0x3FAB];
	_ =	sdelay $0x3  }
0x36: {  	p1 =	seq.s32 s10, $0x1;
	s10 =	sld [smem:$0x3FAC];
	_ =	sdelay $0x3  }
0x37: {  	[smem:$0x3FAC] =	sst s10  }
0x38: {  	s10 =	sld [smem:$0x3FAD]  }
0x39: {  	_ = 	snop;
	(pc) =	sbr.ind lr, $3  }
0x3a: {  	_ = 	snop  }
0x3b: {  	_ = 	snop  }
0x3c: {  	p2 =	seq.s32 s10, $0x1;
	s10 =	sld [smem:$0x3FAC]  }
0x3d: {  	_ =	shalt  }
0x3e: {  	_ =	shalt  }
0x3f: {  	_ =	shalt  }
0x40: {  	_ =	shalt  }
0x41: {  	_ =	shalt  }
0x42: {  	_ =	shalt  }
0x43: {  	_ =	shalt  }
0x44: {  	_ =	shalt  }
0x45: {  	_ =	shalt  }
0x46: {  	_ =	shalt  }
0x47: {  	_ =	shalt  }
0x48: {  	_ =	shalt  }
0x49: {  	_ =	shalt  }
0x4a: {  	_ =	shalt  }
0x4b: {  	_ =	shalt  }
0x4c: {  	_ =	shalt  }
0x4d: {  	_ =	shalt  }
0x4e: {  	_ =	shalt  }
0x4f: {  	_ =	shalt  }
0x50: {  	_ =	shalt  }
0x51: {  	_ =	shalt  }
0x52: {  	_ =	shalt  }
0x53: {  	_ =	shalt  }
0x54: {  	_ =	shalt  }
0x55: {  	_ =	shalt  }
0x56: {  	_ =	shalt  }
0x57: {  	_ =	shalt  }
0x58: {  	_ =	shalt  }
0x59: {  	_ =	shalt  }
0x5a: {  	_ =	shalt  }
0x5b: {  	_ =	shalt  }
0x5c: {  	_ =	shalt  }
0x5d: {  	_ =	shalt  }
0x5e: {  	_ =	shalt  }
0x5f: {  	_ =	shalt  }
0x60: {  	_ =	shalt  }
0x61: {  	_ =	shalt  }
0x62: {  	_ =	shalt  }
0x63: {  	_ =	shalt  }
0x64: {  	_ =	shalt  }
0x65: {  	_ =	shalt  }
0x66: {  	_ =	shalt  }
0x67: {  	_ =	shalt  }
0x68: {  	_ =	shalt  }
0x69: {  	_ =	shalt  }
0x6a: {  	_ =	shalt  }
0x6b: {  	_ =	shalt  }
0x6c: {  	_ =	shalt  }
0x6d: {  	_ =	shalt  }
0x6e: {  	_ =	shalt  }
0x6f: {  	_ =	shalt  }
0x70: {  	_ =	shalt  }
0x71: {  	_ =	shalt  }
0x72: {  	_ =	shalt  }
0x73: {  	_ =	shalt  }
0x74: {  	_ =	shalt  }
0x75: {  	_ =	shalt  }
0x76: {  	_ =	shalt  }
0x77: {  	_ =	shalt  }
0x78: {  	_ =	shalt  }
0x79: {  	_ =	shalt  }
0x7a: {  	_ =	shalt  }
0x7b: {  	_ =	shalt  }
0x7c: {  	_ =	shalt  }
0x7d: {  	_ =	shalt  }
0x7e: {  	_ =	shalt  }
0x7f: {  	_ =	shalt  }
0x80: {  	_ =	shalt  }
0x81: {  	_ =	shalt  }
0x82: {  	_ =	shalt  }
0x83: {  	_ =	shalt  }
0x84: {  	_ =	shalt  }
0x85: {  	_ =	shalt  }
0x86: {  	_ =	shalt  }
0x87: {  	_ =	shalt  }
.Lfunc_end0:
.L_simem_size_0:
called_computation.2_lowered:
.L_overlay_start_0:
0x88: {  	s2 =	sld [smem:$0x3FD9]  }
0x89: {  	s3 =	sld [smem:$0x3FFE];
	_ =	sdelay $0x1  }
0x8a: {  	s1 =	srdreg.scid  }
0x8b: {  	s0 =	sand.u32 $0x1, s1  }
0x8c: {  	s17 =	sshll.u32 s0, $0xA;
	s2 =	sadd.s32 s3, s2  }
0x8d: {  	s2 =	sadd.s32 s2, s17  }
0x8e: {  	[smem:$0x3FB8] =	sst s2  }
0x8f: {  	_ = 	snop  }
0x90: {  	(tm) =	ssettm $0x1  }
0x91: {  	s18 =	sld [smem:$0x3FFB];
	_ =	sdelay $0x3  }
0x92: {  	_ =	strace s18  }
0x93: {  	s2 =	sld [smem:$0x3FFC];
	_ =	sdelay $0x3  }
0x94: {  	_ =	strace s2  }
0x95: {  	s2 =	sld [smem:$0x3FFD];
	_ =	sdelay $0x3  }
0x96: {  	_ =	strace s2  }
0x97: {  	_ =	strace $0x8FFFFFFF  }
0x98: {  	s19 =	sld [smem:$0x3FDB];
	_ =	sdelay $0x1  }
0x99: {  	s20 =	simm.s32 $_scs_section_size  }
0x9a: {  	s4 =	simm.s32 $_size__tile_overlayer_lowered;
	s5 =	simm.s32 $_tile_overlayer_lowered  }
0x9b: {  	s6 =	simm.s32 $0x1BFF;
	s21 =	sshll.u32 s5, $0x1;
	s3 =	sadd.s32 s20, s19  }
0x9c: {  	s22 =	simm.s32 $0x0;
	s4 =	sshll.u32 s4, $0x1;
	s5 =	sadd.s32 s21, s3  }
0x9d: {  	[timem:s22], [sflag:s6] =	dma.local [hbm:s5], s4  }
0x9e: {  	_ =	swait.ge [sflag:s6], s4  }
0x9f: {  	s4 =	ssub.s32 $0x0, s4;
	[sflag:s6] =	ssyncset.done $0x0  }
0xa0: {  	[sflag:s6] =	ssyncadd.s32 s4;
	_ =	sdelay $0x1  }
0xa1: {  	s23 =	simm.s32 $0x1B8B  }
0xa2: {  	_ =	swait.ge [sflag:s23], $0x1  }
0xa3: {  	[sflag:s23] =	ssyncset.done $0x0  }
0xa4: {  	[sflag:s23] =	ssyncadd.s32 $0xFFFFFFFF  }
0xa5: {  	s4 =	sld [smem:$0x0]  }
0xa6: {  	s5 =	sand.u32 $0xFFFFFFFE, s1  }
0xa7: {  	p0 =	sne.s32 s1, s5  }
0xa8: {  	s5 =	sshll.u32 @p0 s5, $0xE  }
0xa9: {  	s5 =	sadd.s32 @p0 $0x11B8D, s5;
	s6 =	sshll.u32 @p0 s4, $0x11  }
0xaa: {  	s5 =	sor.u32 @p0 s6, s5  }
0xab: {  	[sflag:s5] =	ssyncadd.remote.s32 @p0 $0x1;
	_ =	sdelay $0x1  }
0xac: {  	s5 =	simm.s32 @p0 $0x1B8D  }
0xad: {  	_ =	swait.eq @p0 [sflag:s5], $0x1  }
0xae: {  	[sflag:s5] =	ssyncadd.s32 @p0 $0xFFFFFFFF  }
0xaf: {  	s6 =	sshll.u32 @!p0 s1, $0xE  }
0xb0: {  	s6 =	sor.u32 @!p0 $0x4000, s6;
	s5 =	simm.s32 @!p0 $0x1B8D  }
0xb1: {  	s4 =	sshll.u32 @!p0 s4, $0x11;
	s6 =	sadd.s32 @!p0 $0x11B8D, s6;
	_ =	swait.eq @!p0 [sflag:s5], $0x1  }
0xb2: {  	s4 =	sor.u32 @!p0 s4, s6;
	[sflag:s5] =	ssyncadd.s32 @!p0 $0xFFFFFFFF  }
0xb3: {  	s25 =	simm.s32 $0x1B8E;
	s24 =	sld [smem:$0x3FFE];
	[sflag:s4] =	ssyncadd.remote.s32 @!p0 $0x1  }
0xb4: {  	s26 =	simm.s32 $execute0_lowered;
	[smem:$0x3FD2] =	sst s25  }
0xb5: {  	s5 =	sshll.u32 s26, $0x1;
	_ =	strace $0x8000004C;
	[dreg:$0x1] =	wrdreg $0xFFFFFFFF  }
0xb6: {  	s28 =	simm.s32 $_size_execute0_lowered;
	s3 =	sadd.s32 s3, s5;
	[dreg:$0x0] =	wrdreg $0x0  }
0xb7: {  	s5 =	sshll.u32 s28, $0x1;
	[dreg:$0x2] =	wrdreg s3  }
0xb8: {  	[dreg:$0x3] =	wrdreg s5  }
0xb9: {  	[dreg:$0x4] =	wrdreg $0xC0  }
0xba: {  	_ =	task [dreg:s22], $0x5FFFF  }
0xbb: {  	[dreg:$0x1] =	wrdreg $0xFFFFFFFF  }
0xbc: {  	[dreg:$0x0] =	wrdreg $0x60  }
0xbd: {  	[dreg:$0x2] =	wrdreg s24  }
0xbe: {  	[dreg:$0x3] =	wrdreg $0x89800  }
0xbf: {  	[dreg:$0x4] =	wrdreg $0xA  }
0xc0: {  	_ =	task.clear_ibuf [dreg:s22], $0x5FFFF;
	_ =	strace $0x9000004C  }
0xc1: {  	s29 =	simm.s32 $0xA;
	_ =	strace $0x8000004E  }
0xc2: {  	_ =	swait.ge [sflag:s29], $0x1  }
0xc3: {  	[sflag:s29] =	ssyncadd.s32 $0xFFFFFFFF  }
0xc4: {  	_ =	strace $0x9000004E  }
0xc5: {  	_ =	sfence  }
0xc6: {  	s30 =	sld [smem:$0x0];
	_ =	sdelay $0x2  }
0xc7: {  	s31 =	sshll.u32 s1, $0xD;
	s1 =	sshrl.u32 s1, $0x2  }
0xc8: {  	s4 =	sand.u32 $0x4000, s31;
	s1 =	sadd.s32 s1, s30  }
0xc9: {  	s0 =	sor.u32 s4, s0;
	s1 =	sshll.u32 s1, $0x11  }
0xca: {  	s0 =	sor.u32 s1, s0  }
0xcb: {  	s0 =	sadd.s32 $0x8F2B, s0  }
0xcc: {  	[sflag:s0] =	ssyncadd.remote.s32 $0x1  }
0xcd: {  	_ =	sfence.sel $0xFFFF  }
0xce: {  	[dreg:$0x0] =	wrdreg $0xFFFFFFFF;
	(pc) =	sbr.abs _section_cstart, $3  }
0xcf: {  	[dreg:$0x1] =	wrdreg $0xFFFFFFFF  }
0xd0: {  	_ =	task.clear_ibuf [dreg:s22], $0x2FFFF;
	_ =	strace $0x9FFFFFFF  }
0xd1: {  	(tm) =	ssettm $0x7FFFFFFF  }
tec
execute0_lowered:
.L_overlay_start_1:
0x0: {  	(tag) =	ssettag $0x1  }
0x1: {  	s0 =	rddreg [dreg:$0x0]  }
0x2: {  	s1 =	rddreg [dreg:$0x1]  }
0x3: {  	s2 =	simm.s32 $0x0;
	s4 =	srdreg.scid;
	s3 =	stileid.u32  }
0x4: {  	s28 =	simm.s32 $0x3;
	s29 =	simm.s32 $0x2;
	s24 =	smul.u32 $0x2700, s3  }
0x5: {  	s30 =	simm.s32 $0x8180;
	s31 =	simm.s32 $0x8100;
	s7 =	smul.u32 $0x4E000, s3  }
0x6: {  	[smem:$0x7FF] =	sst s2;
	s10 =	sadd.s32 $0xC95400, s0;
	s18 =	smul.u32 $0x2710, s3  }
0x7: {  	s12 =	sand.u32 $0x1, s4;
	s13 =	sadd.s32 $0xF06400, s0;
	s14 =	smul.u32 $0x27100, s3  }
0x8: {  	s15 =	sadd.s32 $0x6600, s0;
	s21 =	sadd.s32 $0xA96700, s0;
	s23 =	smul.u32 $0x4E2, s3  }
0x9: {  	p1 =	seq.s32 s3, $0xF;
	_ =	strace $0x8000004D;
	s5 =	ssub.s32 $0x2, s12  }
0xa: {  	[dreg:$0x5] =	wrdreg s21;
	p0 =	sne.s32 s12, $0x0;
	s6 =	sshrl.u32 s5, $0x1  }
0xb: {  	s16 =	sadd.s32 s24, s0;
	s25 =	sshrl.u32 s7, $0x2;
	s7 =	sadd.s32 $0xA48300, s0  }
0xc: {  	s8 =	sadd.s32 s13, s14;
	s9 =	sshrl.u32 s18, $0x3;
	s11 =	sadd.s32 $0x2700, s18  }
0xd: {  	s14 =	sadd.s32 s10, s14;
	s22 =	sadd.s32 $0x2680, s18;
	s0 =	sadd.s32 $0xA6F500, s0  }
0xe: {  	s17 =	ssub.s32 s5, s6;
	s4 =	sadd.s32 $0xA23A00, s16;
	s5 =	sadd.s32 s25, s1  }
0xf: {  	s6 =	sadd.s32 $0x124800, s1;
	s9 =	sadd.s32 s15, s9;
	s19 =	sshll.u32 s11, $0x4  }
0x10: {  	s11 =	sshrl.u32 s11, $0x3;
	s26 =	sadd.s32 $0xA71E00, s16;
	s16 =	sadd.s32 $0xA4AC00, s16  }
0x11: {  	[dreg:$0x8] =	wrdreg s0;
	s24 =	sshll.u32 s22, $0x4;
	s25 =	sshrl.u32 s22, $0x3  }
0x12: {  	s20 =	sadd.s32 s13, s19;
	s11 =	sadd.s32 s15, s11;
	[dreg:$0x4] =	wrdreg s26  }
0x13: {  	s19 =	sadd.s32 s10, s19;
	[dreg:$0x7] =	wrdreg s16;
	s18 =	smax.u32 s17, $0x1  }
.Ltmp0:
0x14: {  	s13 =	sadd.s32 s13, s24;
	[dreg:$0x3] =	wrdreg s20;
	(pc) =	sbr.rel .LBB2_1-.Ltmp0, $4  }
0x15: {  	s26 =	sadd.s32 s23, s15;
	s0 =	sadd.s32 s10, s24;
	[dreg:$0x6] =	wrdreg s19  }
0x16: {  	s23 =	simm.s32 $0x100;
	s24 =	simm.s32 $0x4100;
	[dreg:$0x9] =	wrdreg s13  }
0x17: {  	s10 =	simm.s32 $0x0;
	s20 =	sadd.s32 s15, s25;
	[dreg:$0xa] =	wrdreg s0  }
0x18: {  	s22 =	sadd.s32 $0x20, s26;
	s25 =	simm.s32 $0x80;
	s26 =	simm.s32 $0x1  }
.LBB2_7:
0x19: {  	s0 =	sadd.s32 $0x800, s17;
	[sflag:s28] =	ssyncadd.s32 $0xFFFFC000  }
0x1a: {  	[tilespmem:s24], [sflag:$0x2] =	stream.linear.gather [hbm4b:s0+s2], $0x4000, $0x38;
	[tilespmem:$0x1C200] =	vst v63  }
0x1b: {  	s21 =	sadd.s32 $0xFFFFFFF0, s16  }
0x1c: {  	[tilespmem:s25], [sflag:$0x2] =	stream.linear.gather [hbm4b:s21+s2], $0x80, $0x38;
	[tilespmem:$0x1C200] =	vst v63  }
0x1d: {  	_ =	swait.ge [sflag:s26], $0x4000  }
0x1e: {  	[sflag:s26] =	ssyncset.done $0x0  }
0x1f: {  	[sflag:s26] =	ssyncadd.s32 $0xFFFFC000  }
0x20: {  	_ =	swait.ge [sflag:s26], $0x80  }
0x21: {  	[sflag:s26] =	ssyncset.done $0x0  }
0x22: {  	[sflag:s26] =	ssyncadd.s32 $0xFFFFFF80  }
0x23: {  	[spmem:s1] =	stream.indirect.scatter.add.f32 [tilespmem:s23], [sflag:$0x3], $0x80, s2, s25, $0xb8;
	[tilespmem:$0x1C200] =	vst v63  }
0x24: {  	_ =	swait.ge [sflag:s28], $0x4000  }
0x25: {  	[sflag:s28] =	ssyncset.done $0x0  }
0x26: {  	s3 =	sadd.s32 $0x1000, s17;
	[sflag:s28] =	ssyncadd.s32 $0xFFFFC000  }
0x27: {  	[tilespmem:s23], [sflag:$0x1] =	stream.linear.gather [hbm4b:s3+s2], $0x4000, $0x38;
	[tilespmem:$0x1C200] =	vst v63  }
0x28: {  	_ = 	snop  }
0x29: {  	[tilespmem:s2], [sflag:$0x1] =	stream.linear.gather [hbm4b:s16+s2], $0x80, $0x38;
	[tilespmem:$0x1C200] =	vst v63  }
0x2a: {  	_ =	swait.ge [sflag:s29], $0x4000  }
0x2b: {  	[sflag:s29] =	ssyncset.done $0x0  }
0x2c: {  	[sflag:s29] =	ssyncadd.s32 $0xFFFFC000  }
0x2d: {  	_ =	swait.ge [sflag:s29], $0x80  }
0x2e: {  	[sflag:s29] =	ssyncset.done $0x0  }
0x2f: {  	[sflag:s29] =	ssyncadd.s32 $0xFFFFFF80  }
0x30: {  	[spmem:s1] =	stream.indirect.scatter.add.f32 [tilespmem:s24], [sflag:$0x3], $0x80, s25, s25, $0xb8;
	[tilespmem:$0x1C200] =	vst v63  }
0x31: {  	_ =	swait.ge [sflag:s28], $0x4000  }
0x32: {  	[sflag:s28] =	ssyncset.done $0x0  }
0x33: {  	s17 =	rddreg [dreg:$0x9];
	[sflag:s28] =	ssyncadd.s32 $0xFFFFC000  }
0x34: {  	[tilespmem:s24], [sflag:$0x2] =	stream.linear.gather [hbm4b:s17+s2], $0x4000, $0x38;
	[tilespmem:$0x1C200] =	vst v63  }
0x35: {  	_ = 	snop  }
0x36: {  	[tilespmem:s25], [sflag:$0x2] =	stream.linear.gather [hbm4b:s20+s2], $0x80, $0x38;
	[tilespmem:$0x1C200] =	vst v63  }
0x37: {  	_ =	swait.ge [sflag:s26], $0x4000  }
0x38: {  	[sflag:s26] =	ssyncset.done $0x0  }
0x39: {  	[sflag:s26] =	ssyncadd.s32 $0xFFFFC000  }
0x3a: {  	_ =	swait.ge [sflag:s26], $0x80  }
0x3b: {  	[sflag:s26] =	ssyncset.done $0x0  }
0x3c: {  	[sflag:s26] =	ssyncadd.s32 $0xFFFFFF80  }
0x3d: {  	[spmem:s1] =	stream.indirect.scatter.add.f32 [tilespmem:s23], [sflag:$0x3], $0x80, s2, s25, $0xb8;
	[tilespmem:$0x1C200] =	vst v63  }
0x3e: {  	_ =	swait.ge [sflag:s28], $0x4000  }
0x3f: {  	[sflag:s28] =	ssyncset.done $0x0  }
0x40: {  	[sflag:s28] =	ssyncadd.s32 $0xFFFFC000  }
0x41: {  	_ =	swait.ge [sflag:s29], $0x4000  }
0x42: {  	[sflag:s29] =	ssyncset.done $0x0  }
0x43: {  	[sflag:s29] =	ssyncadd.s32 $0xFFFFC000  }
0x44: {  	_ =	swait.ge [sflag:s29], $0x80  }
0x45: {  	[sflag:s29] =	ssyncset.done $0x0  }
0x46: {  	[sflag:s29] =	ssyncadd.s32 $0xFFFFFF80  }
0x47: {  	[spmem:s1] =	stream.indirect.scatter.add.f32 [tilespmem:s24], [sflag:$0x3], $0x80, s25, s25, $0xb8;
	[tilespmem:$0x1C200] =	vst v63  }
0x48: {  	_ =	swait.ge [sflag:s28], $0x4000  }
0x49: {  	[sflag:s28] =	ssyncset.done $0x0  }
0x4a: {  	s19 =	rddreg [dreg:$0x3];
	[sflag:s28] =	ssyncadd.s32 $0xFFFFC000  }
0x4b: {  	[tilespmem:s30], [sflag:$0x3] =	stream.linear.gather [hbm4b:s19+s2], $0x800, $0x38;
	[tilespmem:$0x1C200] =	vst v63  }
0x4c: {  	_ =	swait.ge [sflag:s28], $0x800  }
0x4d: {  	[sflag:s28] =	ssyncset.done $0x0  }
0x4e: {  	[sflag:s28] =	ssyncadd.s32 $0xFFFFF800  }
0x4f: {  	[tilespmem:s31], [sflag:$0x3] =	stream.linear.gather [hbm4b:s11+s2], $0x10, $0x38;
	[tilespmem:$0x1C200] =	vst v63  }
0x50: {  	_ =	swait.ge [sflag:s28], $0x10  }
0x51: {  	[sflag:s28] =	ssyncset.done $0x0  }
0x52: {  	s21 =	simm.s32 $0x10;
	[sflag:s28] =	ssyncadd.s32 $0xFFFFFFF0  }
0x53: {  	[spmem:s1] =	stream.indirect.scatter.add.f32 [tilespmem:s30], [sflag:$0x3], $0x80, s31, s21, $0xb8;
	[tilespmem:$0x1C200] =	vst v63  }
0x54: {  	_ =	swait.ge [sflag:s28], $0x800  }
0x55: {  	[sflag:s28] =	ssyncset.done $0x0  }
0x56: {  	[sflag:s28] =	ssyncadd.s32 $0xFFFFF800  }
0x57: {  	[bflag:$0x0] =	sbarrier.arrive $0xFFFF  }
0x58: {  	s0 =	simm.s32 @p1 $0x1FC3;
	s3 =	rddreg [dreg:$0x5]  }
0x59: {  	[hbm:s3], [sflag:s0] =	dma.local @p1 [spmem:s15], $0x2800  }
0x5a: {  	s0 =	simm.s32 @p1 $0x3  }
0x5b: {  	_ =	swait.ge @p1 [sflag:s0], $0x2800  }
0x5c: {  	[sflag:s0] =	ssyncset.done @p1 $0x0  }
0x5d: {  	[sflag:s0] =	ssyncadd.s32 @p1 $0xFFFFD800;
	s0 =	rddreg [dreg:$0x4]  }
0x5e: {  	[hbm:s0], [sflag:s13] =	dma.local @!p1 [spmem:s12], $0x2700  }
0x5f: {  	s0 =	simm.s32 @!p1 $0x3  }
0x60: {  	_ =	swait.ge @!p1 [sflag:s0], $0x2700  }
0x61: {  	[sflag:s0] =	ssyncset.done @!p1 $0x0  }
0x62: {  	[sflag:s0] =	ssyncadd.s32 @!p1 $0xFFFFD900  }
.LBB2_8:
0x63: {  	s10 =	sadd.s32 $0x1, s10  }
0x64: {  	p2 =	sne.s32 s10, s18  }
.Ltmp1:
0x65: {  	_ = 	snop;
	(pc) =	sbr.rel @!p2 .LBB2_9-.Ltmp1, $1  }
0x66: {  	_ =	sdelay $0x3  }
.LBB2_1:
.Ltmp2:
0x67: {  	(pc) =	sbr.rel @p0 .LBB2_5-.Ltmp2, $4  }
0x68: {  	_ = 	snop  }
0x69: {  	s0 =	stileid.u32  }
0x6a: {  	s13 =	sshll.u32 @!p1 s0, $0x6  }
0x6b: {  	s15 =	sshrl.u32 @p1 s6, $0x3;
	s12 =	sshrl.u32 @!p1 s5, $0x3;
	s13 =	sor.u32 @!p1 $0x1C03, s13  }
0x6c: {  	s16 =	simm.s32 @p1 $0x1FC3  }
0x6d: {  	[spmem:s15], [sflag:s16] =	dma.local @p1 [hbm:s7], $0x2800  }
0x6e: {  	s16 =	simm.s32 @p1 $0x3  }
0x6f: {  	_ =	swait.ge @p1 [sflag:s16], $0x2800  }
0x70: {  	[sflag:s16] =	ssyncset.done @p1 $0x0  }
0x71: {  	[sflag:s16] =	ssyncadd.s32 @p1 $0xFFFFD800;
	s16 =	simm.s32 @!p1 $0x3  }
0x72: {  	[spmem:s12], [sflag:s13] =	dma.local @!p1 [hbm:s4], $0x2700  }
0x73: {  	_ =	swait.ge @!p1 [sflag:s16], $0x2700  }
0x74: {  	[sflag:s16] =	ssyncset.done @!p1 $0x0  }
0x75: {  	[sflag:s16] =	ssyncadd.s32 @!p1 $0xFFFFD900  }
0x76: {  	s17 =	simm.s32 $0x0;
	[bflag:$0x0] =	sbarrier.arrive $0xFFFF  }
0x77: {  	[tilespmem:s23], [sflag:$0x1] =	stream.linear.gather [hbm4b:s14+s17], $0x4000, $0x38;
	[tilespmem:$0x1C200] =	vst v63  }
0x78: {  	s19 =	sadd.s32 $0x0, s14  }
0x79: {  	[tilespmem:s17], [sflag:$0x1] =	stream.linear.gather [hbm4b:s9+s17], $0x80, $0x38;
	[tilespmem:$0x1C200] =	vst v63  }
0x7a: {  	s17 =	sadd.s32 $0x800, s19  }
0x7b: {  	[tilespmem:s24], [sflag:$0x2] =	stream.linear.gather [hbm4b:s17+s2], $0x4000, $0x38;
	[tilespmem:$0x1C200] =	vst v63  }
0x7c: {  	s21 =	sadd.s32 $0xFFFFFFF0, s22  }
0x7d: {  	[tilespmem:s25], [sflag:$0x2] =	stream.linear.gather [hbm4b:s21+s2], $0x80, $0x38;
	[tilespmem:$0x1C200] =	vst v63  }
0x7e: {  	_ =	swait.ge [sflag:s26], $0x4000  }
0x7f: {  	[sflag:s26] =	ssyncset.done $0x0  }
0x80: {  	[sflag:s26] =	ssyncadd.s32 $0xFFFFC000  }
0x81: {  	_ =	swait.ge [sflag:s26], $0x80  }
0x82: {  	[sflag:s26] =	ssyncset.done $0x0  }
0x83: {  	[sflag:s26] =	ssyncadd.s32 $0xFFFFFF80  }
0x84: {  	[spmem:s1] =	stream.indirect.scatter.add.f32 [tilespmem:s23], [sflag:$0x3], $0x80, s2, s25, $0xb8;
	[tilespmem:$0x1C200] =	vst v63  }
0x85: {  	_ =	swait.ge [sflag:s28], $0x4000  }
0x86: {  	[sflag:s28] =	ssyncset.done $0x0  }
0x87: {  	s16 =	sadd.s32 $0x1000, s19;
	[sflag:s28] =	ssyncadd.s32 $0xFFFFC000  }
0x88: {  	[tilespmem:s23], [sflag:$0x1] =	stream.linear.gather [hbm4b:s16+s2], $0x4000, $0x38;
	[tilespmem:$0x1C200] =	vst v63  }
0x89: {  	_ = 	snop  }
0x8a: {  	[tilespmem:s2], [sflag:$0x1] =	stream.linear.gather [hbm4b:s22+s2], $0x80, $0x38;
	[tilespmem:$0x1C200] =	vst v63  }
0x8b: {  	_ =	swait.ge [sflag:s29], $0x4000  }
0x8c: {  	[sflag:s29] =	ssyncset.done $0x0  }
0x8d: {  	[sflag:s29] =	ssyncadd.s32 $0xFFFFC000  }
0x8e: {  	_ =	swait.ge [sflag:s29], $0x80  }
0x8f: {  	[sflag:s29] =	ssyncset.done $0x0  }
0x90: {  	[sflag:s29] =	ssyncadd.s32 $0xFFFFFF80  }
0x91: {  	[spmem:s1] =	stream.indirect.scatter.add.f32 [tilespmem:s24], [sflag:$0x3], $0x80, s25, s25, $0xb8;
	[tilespmem:$0x1C200] =	vst v63  }
0x92: {  	s19 =	simm.s32 $0x2000;
	_ =	swait.ge [sflag:s28], $0x4000  }
0x93: {  	s17 =	sadd.s32 $0x1000, s14;
	s16 =	sadd.s32 $0x20, s22;
	[sflag:s28] =	ssyncset.done $0x0  }
.LBB2_3:
0x94: {  	s0 =	sadd.s32 $0x800, s17  }
0x95: {  	[sflag:s28] =	ssyncadd.s32 $0xFFFFC000;
	s21 =	smov.u32 s19;
	s3 =	sadd.s32 $0x1000, s19  }
0x96: {  	[tilespmem:s24], [sflag:$0x2] =	stream.linear.gather [hbm4b:s0+s2], $0x4000, $0x38;
	[tilespmem:$0x1C200] =	vst v63  }
0x97: {  	p2 =	sne.s32 s19, $0x25000;
	s0 =	sadd.s32 $0xFFFFFFF0, s16  }
0x98: {  	[tilespmem:s25], [sflag:$0x2] =	stream.linear.gather [hbm4b:s0+s2], $0x80, $0x38;
	[tilespmem:$0x1C200] =	vst v63  }
0x99: {  	_ =	swait.ge [sflag:s26], $0x4000  }
0x9a: {  	[sflag:s26] =	ssyncset.done $0x0  }
0x9b: {  	[sflag:s26] =	ssyncadd.s32 $0xFFFFC000  }
0x9c: {  	_ =	swait.ge [sflag:s26], $0x80  }
0x9d: {  	[sflag:s26] =	ssyncset.done $0x0  }
0x9e: {  	[sflag:s26] =	ssyncadd.s32 $0xFFFFFF80  }
0x9f: {  	[spmem:s1] =	stream.indirect.scatter.add.f32 [tilespmem:s23], [sflag:$0x3], $0x80, s2, s25, $0xb8;
	[tilespmem:$0x1C200] =	vst v63  }
0xa0: {  	_ =	swait.ge [sflag:s28], $0x4000  }
0xa1: {  	[sflag:s28] =	ssyncset.done $0x0  }
0xa2: {  	s0 =	sadd.s32 $0x1000, s17;
	[sflag:s28] =	ssyncadd.s32 $0xFFFFC000  }
0xa3: {  	[tilespmem:s23], [sflag:$0x1] =	stream.linear.gather [hbm4b:s0+s2], $0x4000, $0x38;
	[tilespmem:$0x1C200] =	vst v63  }
0xa4: {  	_ = 	snop  }
0xa5: {  	[tilespmem:s2], [sflag:$0x1] =	stream.linear.gather [hbm4b:s16+s2], $0x80, $0x38;
	[tilespmem:$0x1C200] =	vst v63  }
0xa6: {  	_ =	swait.ge [sflag:s29], $0x4000  }
0xa7: {  	[sflag:s29] =	ssyncset.done $0x0  }
0xa8: {  	[sflag:s29] =	ssyncadd.s32 $0xFFFFC000  }
0xa9: {  	_ =	swait.ge [sflag:s29], $0x80  }
.Ltmp3:
0xaa: {  	[sflag:s29] =	ssyncset.done $0x0;
	(pc) =	sbr.rel @p2 .LBB2_3-.Ltmp3, $4  }
0xab: {  	[sflag:s29] =	ssyncadd.s32 $0xFFFFFF80  }
0xac: {  	[spmem:s1] =	stream.indirect.scatter.add.f32 [tilespmem:s24], [sflag:$0x3], $0x80, s25, s25, $0xb8;
	[tilespmem:$0x1C200] =	vst v63  }
0xad: {  	s19 =	smov.u32 s3;
	_ =	swait.ge [sflag:s28], $0x4000  }
0xae: {  	s17 =	sadd.s32 s21, s14;
	s16 =	sadd.s32 $0x20, s16;
	[sflag:s28] =	ssyncset.done $0x0  }
0xaf: {  	s0 =	sadd.s32 $0x800, s17;
	[sflag:s28] =	ssyncadd.s32 $0xFFFFC000  }
0xb0: {  	[tilespmem:s24], [sflag:$0x2] =	stream.linear.gather [hbm4b:s0+s2], $0x4000, $0x38;
	[tilespmem:$0x1C200] =	vst v63  }
0xb1: {  	s21 =	sadd.s32 $0xFFFFFFF0, s16  }
0xb2: {  	[tilespmem:s25], [sflag:$0x2] =	stream.linear.gather [hbm4b:s21+s2], $0x80, $0x38;
	[tilespmem:$0x1C200] =	vst v63  }
0xb3: {  	_ =	swait.ge [sflag:s26], $0x4000  }
0xb4: {  	[sflag:s26] =	ssyncset.done $0x0  }
0xb5: {  	[sflag:s26] =	ssyncadd.s32 $0xFFFFC000  }
0xb6: {  	_ =	swait.ge [sflag:s26], $0x80  }
0xb7: {  	[sflag:s26] =	ssyncset.done $0x0  }
0xb8: {  	[sflag:s26] =	ssyncadd.s32 $0xFFFFFF80  }
0xb9: {  	[spmem:s1] =	stream.indirect.scatter.add.f32 [tilespmem:s23], [sflag:$0x3], $0x80, s2, s25, $0xb8;
	[tilespmem:$0x1C200] =	vst v63  }
0xba: {  	_ =	swait.ge [sflag:s28], $0x4000  }
0xbb: {  	[sflag:s28] =	ssyncset.done $0x0  }
0xbc: {  	s3 =	sadd.s32 $0x1000, s17;
	[sflag:s28] =	ssyncadd.s32 $0xFFFFC000  }
0xbd: {  	[tilespmem:s23], [sflag:$0x1] =	stream.linear.gather [hbm4b:s3+s2], $0x4000, $0x38;
	[tilespmem:$0x1C200] =	vst v63  }
0xbe: {  	_ = 	snop  }
0xbf: {  	[tilespmem:s2], [sflag:$0x1] =	stream.linear.gather [hbm4b:s16+s2], $0x80, $0x38;
	[tilespmem:$0x1C200] =	vst v63  }
0xc0: {  	_ =	swait.ge [sflag:s29], $0x4000  }
0xc1: {  	[sflag:s29] =	ssyncset.done $0x0  }
0xc2: {  	[sflag:s29] =	ssyncadd.s32 $0xFFFFC000  }
0xc3: {  	_ =	swait.ge [sflag:s29], $0x80  }
0xc4: {  	[sflag:s29] =	ssyncset.done $0x0  }
0xc5: {  	[sflag:s29] =	ssyncadd.s32 $0xFFFFFF80  }
0xc6: {  	[spmem:s1] =	stream.indirect.scatter.add.f32 [tilespmem:s24], [sflag:$0x3], $0x80, s25, s25, $0xb8;
	[tilespmem:$0x1C200] =	vst v63  }
0xc7: {  	_ =	swait.ge [sflag:s28], $0x4000  }
0xc8: {  	[sflag:s28] =	ssyncset.done $0x0  }
0xc9: {  	s17 =	rddreg [dreg:$0xa];
	[sflag:s28] =	ssyncadd.s32 $0xFFFFC000  }
0xca: {  	[tilespmem:s24], [sflag:$0x2] =	stream.linear.gather [hbm4b:s17+s2], $0x4000, $0x38;
	[tilespmem:$0x1C200] =	vst v63  }
0xcb: {  	_ = 	snop  }
0xcc: {  	[tilespmem:s25], [sflag:$0x2] =	stream.linear.gather [hbm4b:s20+s2], $0x80, $0x38;
	[tilespmem:$0x1C200] =	vst v63  }
0xcd: {  	_ =	swait.ge [sflag:s26], $0x4000  }
0xce: {  	[sflag:s26] =	ssyncset.done $0x0  }
0xcf: {  	[sflag:s26] =	ssyncadd.s32 $0xFFFFC000  }
0xd0: {  	_ =	swait.ge [sflag:s26], $0x80  }
0xd1: {  	[sflag:s26] =	ssyncset.done $0x0  }
0xd2: {  	[sflag:s26] =	ssyncadd.s32 $0xFFFFFF80  }
0xd3: {  	[spmem:s1] =	stream.indirect.scatter.add.f32 [tilespmem:s23], [sflag:$0x3], $0x80, s2, s25, $0xb8;
	[tilespmem:$0x1C200] =	vst v63  }
0xd4: {  	_ =	swait.ge [sflag:s28], $0x4000  }
0xd5: {  	[sflag:s28] =	ssyncset.done $0x0  }
0xd6: {  	[sflag:s28] =	ssyncadd.s32 $0xFFFFC000  }
0xd7: {  	_ =	swait.ge [sflag:s29], $0x4000  }
0xd8: {  	[sflag:s29] =	ssyncset.done $0x0  }
0xd9: {  	[sflag:s29] =	ssyncadd.s32 $0xFFFFC000  }
0xda: {  	_ =	swait.ge [sflag:s29], $0x80  }
0xdb: {  	[sflag:s29] =	ssyncset.done $0x0  }
0xdc: {  	[sflag:s29] =	ssyncadd.s32 $0xFFFFFF80  }
0xdd: {  	[spmem:s1] =	stream.indirect.scatter.add.f32 [tilespmem:s24], [sflag:$0x3], $0x80, s25, s25, $0xb8;
	[tilespmem:$0x1C200] =	vst v63  }
0xde: {  	_ =	swait.ge [sflag:s28], $0x4000  }
0xdf: {  	[sflag:s28] =	ssyncset.done $0x0  }
0xe0: {  	s19 =	rddreg [dreg:$0x6];
	[sflag:s28] =	ssyncadd.s32 $0xFFFFC000  }
0xe1: {  	[tilespmem:s30], [sflag:$0x3] =	stream.linear.gather [hbm4b:s19+s2], $0x800, $0x38;
	[tilespmem:$0x1C200] =	vst v63  }
0xe2: {  	_ =	swait.ge [sflag:s28], $0x800  }
0xe3: {  	[sflag:s28] =	ssyncset.done $0x0  }
0xe4: {  	[sflag:s28] =	ssyncadd.s32 $0xFFFFF800  }
0xe5: {  	[tilespmem:s31], [sflag:$0x3] =	stream.linear.gather [hbm4b:s11+s2], $0x10, $0x38;
	[tilespmem:$0x1C200] =	vst v63  }
0xe6: {  	_ =	swait.ge [sflag:s28], $0x10  }
0xe7: {  	[sflag:s28] =	ssyncset.done $0x0  }
0xe8: {  	s21 =	simm.s32 $0x10;
	[sflag:s28] =	ssyncadd.s32 $0xFFFFFFF0  }
0xe9: {  	[spmem:s1] =	stream.indirect.scatter.add.f32 [tilespmem:s30], [sflag:$0x3], $0x80, s31, s21, $0xb8;
	[tilespmem:$0x1C200] =	vst v63  }
0xea: {  	_ =	swait.ge [sflag:s28], $0x800  }
0xeb: {  	[sflag:s28] =	ssyncset.done $0x0  }
0xec: {  	[sflag:s28] =	ssyncadd.s32 $0xFFFFF800  }
0xed: {  	[bflag:$0x0] =	sbarrier.arrive $0xFFFF  }
0xee: {  	s0 =	simm.s32 @p1 $0x1FC3;
	s3 =	rddreg [dreg:$0x8]  }
0xef: {  	[hbm:s3], [sflag:s0] =	dma.local @p1 [spmem:s15], $0x2800  }
0xf0: {  	s0 =	simm.s32 @p1 $0x3  }
0xf1: {  	_ =	swait.ge @p1 [sflag:s0], $0x2800  }
0xf2: {  	[sflag:s0] =	ssyncset.done @p1 $0x0  }
0xf3: {  	[sflag:s0] =	ssyncadd.s32 @p1 $0xFFFFD800;
	s0 =	rddreg [dreg:$0x7]  }
0xf4: {  	[hbm:s0], [sflag:s13] =	dma.local @!p1 [spmem:s12], $0x2700  }
.Ltmp4:
0xf5: {  	_ = 	snop;
	(pc) =	sbr.rel .LBB2_8-.Ltmp4, $4  }
0xf6: {  	s0 =	simm.s32 @!p1 $0x3  }
0xf7: {  	_ =	swait.ge @!p1 [sflag:s0], $0x2700  }
0xf8: {  	[sflag:s0] =	ssyncset.done @!p1 $0x0  }
0xf9: {  	[sflag:s0] =	ssyncadd.s32 @!p1 $0xFFFFD900  }
.LBB2_5:
0xfa: {  	s16 =	simm.s32 @p1 $0x1FC3  }
0xfb: {  	[spmem:s15], [sflag:s16] =	dma.local @p1 [hbm:s7], $0x2800  }
0xfc: {  	s16 =	simm.s32 @p1 $0x3  }
0xfd: {  	_ =	swait.ge @p1 [sflag:s16], $0x2800  }
0xfe: {  	[sflag:s16] =	ssyncset.done @p1 $0x0  }
0xff: {  	[sflag:s16] =	ssyncadd.s32 @p1 $0xFFFFD800;
	s16 =	simm.s32 @!p1 $0x3  }
0x100: {  	[spmem:s12], [sflag:s13] =	dma.local @!p1 [hbm:s4], $0x2700  }
0x101: {  	_ =	swait.ge @!p1 [sflag:s16], $0x2700  }
0x102: {  	[sflag:s16] =	ssyncset.done @!p1 $0x0  }
0x103: {  	[sflag:s16] =	ssyncadd.s32 @!p1 $0xFFFFD900  }
0x104: {  	s19 =	simm.s32 $0x0;
	[bflag:$0x0] =	sbarrier.arrive $0xFFFF  }
0x105: {  	[tilespmem:s23], [sflag:$0x1] =	stream.linear.gather [hbm4b:s8+s19], $0x4000, $0x38;
	[tilespmem:$0x1C200] =	vst v63  }
0x106: {  	s0 =	sadd.s32 $0x0, s8  }
0x107: {  	[tilespmem:s19], [sflag:$0x1] =	stream.linear.gather [hbm4b:s9+s19], $0x80, $0x38;
	[tilespmem:$0x1C200] =	vst v63  }
0x108: {  	s3 =	sadd.s32 $0x800, s0  }
0x109: {  	[tilespmem:s24], [sflag:$0x2] =	stream.linear.gather [hbm4b:s3+s2], $0x4000, $0x38;
	[tilespmem:$0x1C200] =	vst v63  }
0x10a: {  	s21 =	sadd.s32 $0xFFFFFFF0, s22  }
0x10b: {  	[tilespmem:s25], [sflag:$0x2] =	stream.linear.gather [hbm4b:s21+s2], $0x80, $0x38;
	[tilespmem:$0x1C200] =	vst v63  }
0x10c: {  	_ =	swait.ge [sflag:s26], $0x4000  }
0x10d: {  	[sflag:s26] =	ssyncset.done $0x0  }
0x10e: {  	[sflag:s26] =	ssyncadd.s32 $0xFFFFC000  }
0x10f: {  	_ =	swait.ge [sflag:s26], $0x80  }
0x110: {  	[sflag:s26] =	ssyncset.done $0x0  }
0x111: {  	[sflag:s26] =	ssyncadd.s32 $0xFFFFFF80  }
0x112: {  	[spmem:s1] =	stream.indirect.scatter.add.f32 [tilespmem:s23], [sflag:$0x3], $0x80, s2, s25, $0xb8;
	[tilespmem:$0x1C200] =	vst v63  }
0x113: {  	_ =	swait.ge [sflag:s28], $0x4000  }
0x114: {  	[sflag:s28] =	ssyncset.done $0x0  }
0x115: {  	s0 =	sadd.s32 $0x1000, s0;
	[sflag:s28] =	ssyncadd.s32 $0xFFFFC000  }
0x116: {  	[tilespmem:s23], [sflag:$0x1] =	stream.linear.gather [hbm4b:s0+s2], $0x4000, $0x38;
	[tilespmem:$0x1C200] =	vst v63  }
0x117: {  	_ = 	snop  }
0x118: {  	[tilespmem:s2], [sflag:$0x1] =	stream.linear.gather [hbm4b:s22+s2], $0x80, $0x38;
	[tilespmem:$0x1C200] =	vst v63  }
0x119: {  	_ =	swait.ge [sflag:s29], $0x4000  }
0x11a: {  	[sflag:s29] =	ssyncset.done $0x0  }
0x11b: {  	[sflag:s29] =	ssyncadd.s32 $0xFFFFC000  }
0x11c: {  	_ =	swait.ge [sflag:s29], $0x80  }
0x11d: {  	[sflag:s29] =	ssyncset.done $0x0  }
0x11e: {  	[sflag:s29] =	ssyncadd.s32 $0xFFFFFF80  }
0x11f: {  	[spmem:s1] =	stream.indirect.scatter.add.f32 [tilespmem:s24], [sflag:$0x3], $0x80, s25, s25, $0xb8;
	[tilespmem:$0x1C200] =	vst v63  }
0x120: {  	s17 =	sadd.s32 $0x1000, s8;
	_ =	swait.ge [sflag:s28], $0x4000  }
0x121: {  	s16 =	sadd.s32 $0x20, s22;
	s19 =	simm.s32 $0x2000;
	[sflag:s28] =	ssyncset.done $0x0  }
.LBB2_6:
0x122: {  	s0 =	sadd.s32 $0x800, s17  }
0x123: {  	[sflag:s28] =	ssyncadd.s32 $0xFFFFC000;
	s3 =	smov.u32 s19;
	s21 =	sadd.s32 $0x1000, s19  }
0x124: {  	[tilespmem:s24], [sflag:$0x2] =	stream.linear.gather [hbm4b:s0+s2], $0x4000, $0x38;
	[tilespmem:$0x1C200] =	vst v63  }
0x125: {  	p2 =	sne.s32 s19, $0x25000;
	s0 =	sadd.s32 $0xFFFFFFF0, s16  }
0x126: {  	[tilespmem:s25], [sflag:$0x2] =	stream.linear.gather [hbm4b:s0+s2], $0x80, $0x38;
	[tilespmem:$0x1C200] =	vst v63  }
0x127: {  	_ =	swait.ge [sflag:s26], $0x4000  }
0x128: {  	[sflag:s26] =	ssyncset.done $0x0  }
0x129: {  	[sflag:s26] =	ssyncadd.s32 $0xFFFFC000  }
0x12a: {  	_ =	swait.ge [sflag:s26], $0x80  }
0x12b: {  	[sflag:s26] =	ssyncset.done $0x0  }
0x12c: {  	[sflag:s26] =	ssyncadd.s32 $0xFFFFFF80  }
0x12d: {  	[spmem:s1] =	stream.indirect.scatter.add.f32 [tilespmem:s23], [sflag:$0x3], $0x80, s2, s25, $0xb8;
	[tilespmem:$0x1C200] =	vst v63  }
0x12e: {  	_ =	swait.ge [sflag:s28], $0x4000  }
0x12f: {  	[sflag:s28] =	ssyncset.done $0x0  }
0x130: {  	s0 =	sadd.s32 $0x1000, s17;
	[sflag:s28] =	ssyncadd.s32 $0xFFFFC000  }
0x131: {  	[tilespmem:s23], [sflag:$0x1] =	stream.linear.gather [hbm4b:s0+s2], $0x4000, $0x38;
	[tilespmem:$0x1C200] =	vst v63  }
0x132: {  	_ = 	snop  }
0x133: {  	[tilespmem:s2], [sflag:$0x1] =	stream.linear.gather [hbm4b:s16+s2], $0x80, $0x38;
	[tilespmem:$0x1C200] =	vst v63  }
0x134: {  	_ =	swait.ge [sflag:s29], $0x4000  }
0x135: {  	[sflag:s29] =	ssyncset.done $0x0  }
0x136: {  	[sflag:s29] =	ssyncadd.s32 $0xFFFFC000  }
0x137: {  	_ =	swait.ge [sflag:s29], $0x80  }
.Ltmp5:
0x138: {  	[sflag:s29] =	ssyncset.done $0x0;
	(pc) =	sbr.rel @p2 .LBB2_6-.Ltmp5, $4  }
0x139: {  	[sflag:s29] =	ssyncadd.s32 $0xFFFFFF80  }
0x13a: {  	[spmem:s1] =	stream.indirect.scatter.add.f32 [tilespmem:s24], [sflag:$0x3], $0x80, s25, s25, $0xb8;
	[tilespmem:$0x1C200] =	vst v63  }
0x13b: {  	s19 =	smov.u32 s21;
	_ =	swait.ge [sflag:s28], $0x4000  }
0x13c: {  	s17 =	sadd.s32 s3, s8;
	s16 =	sadd.s32 $0x20, s16;
	[sflag:s28] =	ssyncset.done $0x0  }
.Ltmp6:
0x13d: {  	_ = 	snop;
	(pc) =	sbr.rel .LBB2_7-.Ltmp6, $1  }
0x13e: {  	_ =	sdelay $0x3  }
.LBB2_9:
0x13f: {  	_ =	sfence.sel $0x180000  }
0x140: {  	[bflag:$0x0] =	sbarrier.arrive $0xFFFF  }
0x141: {  	_ =	strace $0x9000004D  }
0x142: {  	s0 =	stileid.u32;
	[bflag:$0x2] =	sbarrier.arrive $0xFFFF  }
0x143: {  	p0 =	sne.s32 s0, $0x0;
	s0 =	rddreg [dreg:$0x2]  }
0x144: {  	s0 =	sadd.s32 @!p0 $0x100000, s0  }
0x145: {  	[sflag:s0] =	ssyncadd.tile.s32 @!p0 $0x1;
	_ =	shalt  }
.Lfunc_end2:
_tile_overlayer_lowered:
.L_overlay_start_2:
0x146: {  	(tag) =	ssettag $0x2  }
0x147: {  	s0 =	rddreg [dreg:$0x0];
	s2 =	stileid.u32  }
0x148: {  	s1 =	rddreg [dreg:$0x1];
	p0 =	sne.s32 s2, $0x0  }
0x149: {  	s3 =	rddreg [dreg:$0x2];
	[bflag:$0x3] =	sbarrier.arrive $0xFFFF;
	s2 =	simm.s32 @!p0 $0x1C03  }
0x14a: {  	[timem:s3], [sflag:s2] =	dma.local @!p0 [hbm:s0], s1  }
0x14b: {  	s0 =	simm.s32 @!p0 $0x3  }
0x14c: {  	_ =	swait.ge @!p0 [sflag:s0], s1  }
0x14d: {  	s1 =	ssub.s32 @!p0 $0x0, s1;
	[sflag:s0] =	ssyncset.done @!p0 $0x0  }
0x14e: {  	[sflag:s0] =	ssyncadd.s32 @!p0 s1  }
0x14f: {  	[bflag:$0x3] =	sbarrier.arrive $0xFFFF  }
0x150: {  	_ =	shalt  }

// kernel: kernel.18.cloned.1.call-start
scs
__scs_entry_jumppad:
0x0: {  	(pc) =	sbr.rel $0x88, $3  }
0x1: {  	(tag) =	ssettag $0x0;
	lr =	simm.s32 $0x1  }
0x2: {  	[smem:$0x3F91] =	sst lr;
	_ =	strace $0xD0000000  }
0x3: {  	_ = 	snop  }
0x4: {  	_ = 	snop  }
0x5: {  	_ = 	snop  }
0x6: {  	_ = 	snop  }
0x7: {  	_ = 	snop  }
__scs_overlays_trampoline_lowered:
0x8: {  	[smem:$0x3FA0] =	sst s0  }
0x9: {  	[smem:$0x3FA1] =	sst s1  }
0xa: {  	[smem:$0x3FA2] =	sst s2  }
0xb: {  	[smem:$0x3FA3] =	sst s3  }
0xc: {  	[smem:$0x3FA4] =	sst s4  }
0xd: {  	[smem:$0x3FA5] =	sst s5  }
0xe: {  	[smem:$0x3FA6] =	sst s6  }
0xf: {  	[smem:$0x3FA7] =	sst s7  }
0x10: {  	[smem:$0x3FA8] =	sst s8  }
0x11: {  	[smem:$0x3FA9] =	sst s9;
	s0 =	simm.s32 @!p0 $0x0  }
0x12: {  	s1 =	sld [smem:$0x3F8F];
	s0 =	simm.s32 @p0 $0x1  }
0x13: {  	[smem:$0x3FAA] =	sst s0;
	s0 =	simm.s32 @!p1 $0x0  }
0x14: {  	s2 =	sld [smem:$0x3F8E];
	s0 =	simm.s32 @p1 $0x1  }
0x15: {  	[smem:$0x3FAB] =	sst s0;
	s0 =	simm.s32 @!p2 $0x0  }
0x16: {  	s3 =	sld [smem:$0x3FDB];
	s0 =	simm.s32 @p2 $0x1  }
0x17: {  	s4 =	simm.s32 $0x1BF5;
	[smem:$0x3FAD] =	sst s0  }
0x18: {  	s0 =	sld [smem:$0x3F90];
	_ =	swait.ge [sflag:s4], $0x0  }
0x19: {  	s7 =	sld [smem:$0x3F91]  }
0x1a: {  	s8 =	sadd.s32 $0xFFFFE003, lr  }
0x1b: {  	s9 =	sadd.s32 $0xFFFFFEF7, lr;
	s5 =	simm.s32 $0xFFFFFFFF;
	p2 =	slt.u32 s8, $0xFFFFF086  }
0x1c: {  	p1 =	slt.u32 s9, $0xF7A;
	s5 =	simm.s32 @!p2 $0x0  }
0x1d: {  	s5 =	simm.s32 @p1 $0x1;
	p0 =	seq.s32 s7, s2  }
0x1e: {  	s7 =	smul.u32 @!p0 $0xF7A, s2;
	p2 =	seq.s32 @!p0 s5, $0x0  }
0x1f: {  	s9 =	smul.u32 $0xF7A, s1;
	s8 =	simm.s32 @!p0 $0x1BF5;
	p2 =	por !p2, p0  }
0x20: {  	[sflag:s8] =	ssyncset.s32 @!p0 $0xFFFFF086;
	s6 =	sadd.s32 @!p0 s3, s7;
	s7 =	simm.s32 @!p0 $0x108  }
0x21: {  	s3 =	sadd.s32 s3, s9;
	s6 =	sadd.s32 @!p0 $0x88, s6;
	s7 =	simm.s32 @p2 $0x1082  }
0x22: {  	[simem:s7], [sflag:s8] =	dma.local @!p0 [hbm:s6], $0xF7A  }
0x23: {  	s9 =	sor.u32 $0xD0000000, s2;
	s6 =	simm.s32 $0x108;
	_ =	swait.ge @!p0 [sflag:s8], $0x0  }
0x24: {  	s3 =	sadd.s32 $0x88, s3;
	s6 =	simm.s32 @!p1 $0x1082;
	[sflag:s4] =	ssyncset.s32 $0xFFFFF086  }
0x25: {  	[simem:s6], [sflag:s4] =	dma.local [hbm:s3], $0xF7A  }
0x26: {  	[smem:$0x3F91] =	sst s1;
	(tag) =	ssettag s2;
	_ =	strace s9  }
0x27: {  	s1 =	sld [smem:$0x3FA1]  }
0x28: {  	s2 =	sld [smem:$0x3FA2]  }
0x29: {  	s4 =	sld [smem:$0x3FA4]  }
0x2a: {  	p0 =	seq.s32 s5, $0x0;
	s5 =	sld [smem:$0x3FA5]  }
0x2b: {  	s6 =	sld [smem:$0x3FA6]  }
0x2c: {  	s7 =	sld [smem:$0x3FA7]  }
0x2d: {  	s3 =	simm.s32 $0x108;
	s8 =	sld [smem:$0x3FA8]  }
0x2e: {  	s3 =	simm.s32 @!p0 $0x1082;
	s9 =	sld [smem:$0x3FA9]  }
0x2f: {  	lr =	sadd.s32 s0, s3;
	s0 =	sld [smem:$0x3FA0]  }
0x30: {  	s3 =	sld [smem:$0x3FA3]  }
0x31: {  	[smem:$0x3FAC] =	sst s10  }
0x32: {  	s10 =	sld [smem:$0x3FAA];
	_ =	sdelay $0x3  }
0x33: {  	p0 =	seq.s32 s10, $0x1;
	s10 =	sld [smem:$0x3FAC];
	_ =	sdelay $0x3  }
0x34: {  	[smem:$0x3FAC] =	sst s10  }
0x35: {  	s10 =	sld [smem:$0x3FAB];
	_ =	sdelay $0x3  }
0x36: {  	p1 =	seq.s32 s10, $0x1;
	s10 =	sld [smem:$0x3FAC];
	_ =	sdelay $0x3  }
0x37: {  	[smem:$0x3FAC] =	sst s10  }
0x38: {  	s10 =	sld [smem:$0x3FAD]  }
0x39: {  	_ = 	snop;
	(pc) =	sbr.ind lr, $3  }
0x3a: {  	_ = 	snop  }
0x3b: {  	_ = 	snop  }
0x3c: {  	p2 =	seq.s32 s10, $0x1;
	s10 =	sld [smem:$0x3FAC]  }
0x3d: {  	_ =	shalt  }
0x3e: {  	_ =	shalt  }
0x3f: {  	_ =	shalt  }
0x40: {  	_ =	shalt  }
0x41: {  	_ =	shalt  }
0x42: {  	_ =	shalt  }
0x43: {  	_ =	shalt  }
0x44: {  	_ =	shalt  }
0x45: {  	_ =	shalt  }
0x46: {  	_ =	shalt  }
0x47: {  	_ =	shalt  }
0x48: {  	_ =	shalt  }
0x49: {  	_ =	shalt  }
0x4a: {  	_ =	shalt  }
0x4b: {  	_ =	shalt  }
0x4c: {  	_ =	shalt  }
0x4d: {  	_ =	shalt  }
0x4e: {  	_ =	shalt  }
0x4f: {  	_ =	shalt  }
0x50: {  	_ =	shalt  }
0x51: {  	_ =	shalt  }
0x52: {  	_ =	shalt  }
0x53: {  	_ =	shalt  }
0x54: {  	_ =	shalt  }
0x55: {  	_ =	shalt  }
0x56: {  	_ =	shalt  }
0x57: {  	_ =	shalt  }
0x58: {  	_ =	shalt  }
0x59: {  	_ =	shalt  }
0x5a: {  	_ =	shalt  }
0x5b: {  	_ =	shalt  }
0x5c: {  	_ =	shalt  }
0x5d: {  	_ =	shalt  }
0x5e: {  	_ =	shalt  }
0x5f: {  	_ =	shalt  }
0x60: {  	_ =	shalt  }
0x61: {  	_ =	shalt  }
0x62: {  	_ =	shalt  }
0x63: {  	_ =	shalt  }
0x64: {  	_ =	shalt  }
0x65: {  	_ =	shalt  }
0x66: {  	_ =	shalt  }
0x67: {  	_ =	shalt  }
0x68: {  	_ =	shalt  }
0x69: {  	_ =	shalt  }
0x6a: {  	_ =	shalt  }
0x6b: {  	_ =	shalt  }
0x6c: {  	_ =	shalt  }
0x6d: {  	_ =	shalt  }
0x6e: {  	_ =	shalt  }
0x6f: {  	_ =	shalt  }
0x70: {  	_ =	shalt  }
0x71: {  	_ =	shalt  }
0x72: {  	_ =	shalt  }
0x73: {  	_ =	shalt  }
0x74: {  	_ =	shalt  }
0x75: {  	_ =	shalt  }
0x76: {  	_ =	shalt  }
0x77: {  	_ =	shalt  }
0x78: {  	_ =	shalt  }
0x79: {  	_ =	shalt  }
0x7a: {  	_ =	shalt  }
0x7b: {  	_ =	shalt  }
0x7c: {  	_ =	shalt  }
0x7d: {  	_ =	shalt  }
0x7e: {  	_ =	shalt  }
0x7f: {  	_ =	shalt  }
0x80: {  	_ =	shalt  }
0x81: {  	_ =	shalt  }
0x82: {  	_ =	shalt  }
0x83: {  	_ =	shalt  }
0x84: {  	_ =	shalt  }
0x85: {  	_ =	shalt  }
0x86: {  	_ =	shalt  }
0x87: {  	_ =	shalt  }
.Lfunc_end0:
.L_simem_size_0:
called_computation.3_lowered:
.L_overlay_start_0:
0x88: {  	s2 =	sld [smem:$0x3FD9]  }
0x89: {  	s3 =	sld [smem:$0x3FFE];
	_ =	sdelay $0x1  }
0x8a: {  	s1 =	srdreg.scid  }
0x8b: {  	s0 =	sand.u32 $0x1, s1  }
0x8c: {  	s16 =	sshll.u32 s0, $0xA;
	s2 =	sadd.s32 s3, s2  }
0x8d: {  	s2 =	sadd.s32 s2, s16  }
0x8e: {  	[smem:$0x3FB8] =	sst s2  }
0x8f: {  	_ = 	snop  }
0x90: {  	(tm) =	ssettm $0x1  }
0x91: {  	s17 =	sld [smem:$0x3FFB];
	_ =	sdelay $0x3  }
0x92: {  	_ =	strace s17  }
0x93: {  	s2 =	sld [smem:$0x3FFC];
	_ =	sdelay $0x3  }
0x94: {  	_ =	strace s2  }
0x95: {  	s2 =	sld [smem:$0x3FFD];
	_ =	sdelay $0x3  }
0x96: {  	_ =	strace s2  }
0x97: {  	_ =	strace $0x8FFFFFFF  }
0x98: {  	s18 =	sld [smem:$0x3FDB];
	_ =	sdelay $0x1  }
0x99: {  	s19 =	simm.s32 $_scs_section_size  }
0x9a: {  	s4 =	simm.s32 $_size__tile_overlayer_lowered;
	s5 =	simm.s32 $_tile_overlayer_lowered  }
0x9b: {  	s22 =	simm.s32 $0x1BFF;
	s21 =	sshll.u32 s5, $0x1;
	s2 =	sadd.s32 s19, s18  }
0x9c: {  	s6 =	simm.s32 $0x0;
	s20 =	sshll.u32 s4, $0x1;
	s4 =	sadd.s32 s21, s2  }
0x9d: {  	[timem:s6], [sflag:s22] =	dma.local [hbm:s4], s20  }
0x9e: {  	_ =	swait.ge [sflag:s22], s20  }
0x9f: {  	s3 =	ssub.s32 $0x0, s20;
	[sflag:s22] =	ssyncset.done $0x0  }
0xa0: {  	[sflag:s22] =	ssyncadd.s32 s3;
	_ =	sdelay $0x1  }
0xa1: {  	s23 =	simm.s32 $0x1B8B  }
0xa2: {  	_ =	swait.ge [sflag:s23], $0x1  }
0xa3: {  	[sflag:s23] =	ssyncset.done $0x0  }
0xa4: {  	s25 =	simm.s32 $0x1B8E;
	s24 =	sld [smem:$0x3FFE];
	[sflag:s23] =	ssyncadd.s32 $0xFFFFFFFF  }
0xa5: {  	s26 =	simm.s32 $execute0_lowered;
	[smem:$0x3FD2] =	sst s25  }
0xa6: {  	s4 =	sshll.u32 s26, $0x1;
	_ =	strace $0x8000004F;
	[dreg:$0x1] =	wrdreg $0xFFFFFFFF  }
0xa7: {  	s28 =	simm.s32 $_size_execute0_lowered;
	s2 =	sadd.s32 s2, s4;
	[dreg:$0x0] =	wrdreg $0x0  }
0xa8: {  	s4 =	sshll.u32 s28, $0x1;
	[dreg:$0x2] =	wrdreg s2  }
0xa9: {  	[dreg:$0x3] =	wrdreg s4  }
0xaa: {  	[dreg:$0x4] =	wrdreg $0xC0  }
0xab: {  	_ =	task [dreg:s6], $0x5FFFF  }
0xac: {  	[dreg:$0x1] =	wrdreg $0xFFFFFFFF  }
0xad: {  	[dreg:$0x0] =	wrdreg $0x60  }
0xae: {  	[dreg:$0x2] =	wrdreg s24  }
0xaf: {  	[dreg:$0x3] =	wrdreg $0x89800  }
0xb0: {  	[dreg:$0x4] =	wrdreg $0x9  }
0xb1: {  	_ =	task.clear_ibuf [dreg:s6], $0x5FFFF;
	_ =	strace $0x9000004F  }
0xb2: {  	s29 =	simm.s32 $0x9;
	_ =	strace $0x80000051  }
0xb3: {  	_ =	swait.ge [sflag:s29], $0x1  }
0xb4: {  	[sflag:s29] =	ssyncadd.s32 $0xFFFFFFFF  }
0xb5: {  	_ =	strace $0x90000051  }
0xb6: {  	_ =	sfence  }
0xb7: {  	s30 =	sld [smem:$0x0];
	_ =	sdelay $0x2  }
0xb8: {  	s31 =	sshll.u32 s1, $0xD;
	s1 =	sshrl.u32 s1, $0x2  }
0xb9: {  	s3 =	sand.u32 $0x4000, s31;
	s1 =	sadd.s32 s1, s30  }
0xba: {  	s0 =	sor.u32 s3, s0;
	s1 =	sshll.u32 s1, $0x11  }
0xbb: {  	s0 =	sor.u32 s1, s0  }
0xbc: {  	s0 =	sadd.s32 $0x8F2B, s0  }
0xbd: {  	[sflag:s0] =	ssyncadd.remote.s32 $0x1  }
0xbe: {  	_ =	sfence.sel $0xFFFF  }
0xbf: {  	[dreg:$0x0] =	wrdreg $0xFFFFFFFF;
	(pc) =	sbr.abs _section_cstart, $3  }
0xc0: {  	[dreg:$0x1] =	wrdreg $0xFFFFFFFF  }
0xc1: {  	_ =	task.clear_ibuf [dreg:s6], $0x2FFFF;
	_ =	strace $0x9FFFFFFF  }
0xc2: {  	(tm) =	ssettm $0x7FFFFFFF  }
0xc3: {  	_ =	shalt  }
tec
execute0_lowered:
.L_overlay_start_1:
0x0: {  	(tag) =	ssettag $0x1  }
0x1: {  	s0 =	rddreg [dreg:$0x0]  }
0x2: {  	s1 =	rddreg [dreg:$0x1];
	s3 =	simm.s32 $0x0  }
0x3: {  	s2 =	stileid.u32;
	s4 =	srdreg.scid;
	s28 =	simm.s32 $0x80  }
0x4: {  	s29 =	simm.s32 $0x1;
	s30 =	simm.s32 $0x3;
	s6 =	smul.u32 $0x2700, s2  }
0x5: {  	s31 =	simm.s32 $0x2;
	s5 =	sadd.s32 $0x2AD600, s0;
	s8 =	smul.u32 $0x4E000, s2  }
0x6: {  	[smem:$0x7FF] =	sst s3;
	s7 =	sadd.s32 $0x1177400, s0;
	s14 =	smul.u32 $0x2710, s2  }
0x7: {  	s10 =	sand.u32 $0x1, s4;
	s12 =	sadd.s32 $0x51E600, s0;
	s16 =	smul.u32 $0x27100, s2  }
0x8: {  	s22 =	sadd.s32 $0xA96700, s0;
	s25 =	sadd.s32 $0x52100, s0;
	p1 =	seq.s32 s2, $0xF  }
0x9: {  	_ =	strace $0x80000050;
	s4 =	ssub.s32 $0x2, s10;
	[dreg:$0x4] =	wrdreg s22  }
0xa: {  	[dreg:$0x7] =	wrdreg s25;
	s22 =	smul.u32 $0x4E2, s2;
	s25 =	sadd.s32 $0xA6F500, s0  }
0xb: {  	p0 =	sne.s32 s10, $0x0;
	s10 =	simm.s32 $0x0;
	s13 =	sadd.s32 s6, s0  }
0xc: {  	s19 =	sshrl.u32 s4, $0x1;
	s20 =	sshrl.u32 s8, $0x2;
	s6 =	sadd.s32 $0x124800, s1  }
0xd: {  	s8 =	sadd.s32 s7, s16;
	s9 =	sadd.s32 $0x2700, s14;
	s11 =	sshrl.u32 s14, $0x3  }
0xe: {  	s26 =	sadd.s32 $0x2680, s14;
	s14 =	sadd.s32 s5, s16;
	[dreg:$0xc] =	wrdreg s25  }
0xf: {  	s0 =	sadd.s32 $0x2AF00, s0;
	s25 =	simm.s32 $0x100;
	s15 =	ssub.s32 s4, s19  }
0x10: {  	s4 =	sadd.s32 s20, s1;
	s21 =	sadd.s32 $0xA71E00, s13;
	s17 =	sshll.u32 s9, $0x4  }
0x11: {  	s18 =	sshrl.u32 s9, $0x3;
	s9 =	sadd.s32 s12, s11;
	[dreg:$0xe] =	wrdreg s0  }
0x12: {  	s24 =	sadd.s32 $0x2D800, s13;
	s20 =	sshll.u32 s26, $0x4;
	[dreg:$0x3] =	wrdreg s21  }
0x13: {  	s0 =	simm.s32 $0x8180;
	s23 =	sadd.s32 s7, s17;
	[dreg:$0x6] =	wrdreg s24  }
0x14: {  	s11 =	sadd.s32 s12, s18;
	s19 =	sadd.s32 s5, s17;
	[dreg:$0x5] =	wrdreg s23  }
0x15: {  	s7 =	sadd.s32 s7, s20;
	s21 =	sshrl.u32 s26, $0x3;
	[dreg:$0x8] =	wrdreg s19  }
.Ltmp0:
0x16: {  	s5 =	sadd.s32 s5, s20;
	[dreg:$0x9] =	wrdreg s7;
	(pc) =	sbr.rel .LBB2_1-.Ltmp0, $4  }
0x17: {  	s24 =	sadd.s32 s22, s12;
	s26 =	sadd.s32 $0x6600, s13;
	[dreg:$0xa] =	wrdreg s5  }
0x18: {  	s23 =	sadd.s32 $0xA4AC00, s13;
	s19 =	sadd.s32 s12, s21;
	[dreg:$0xd] =	wrdreg s26  }
0x19: {  	s24 =	sadd.s32 $0x20, s24;
	s26 =	simm.s32 $0x4100;
	s5 =	simm.s32 $0x8100  }
0x1a: {  	s7 =	simm.s32 $0x10;
	[dreg:$0xb] =	wrdreg s23;
	s23 =	smax.u32 s15, $0x1  }
.LBB2_7:
0x1b: {  	s18 =	sadd.s32 $0x800, s17;
	[sflag:s30] =	ssyncadd.s32 $0xFFFFC000  }
0x1c: {  	[tilespmem:s26], [sflag:$0x2] =	stream.linear.gather [hbm4b:s18+s3], $0x4000, $0x38;
	[tilespmem:$0x1C200] =	vst v63  }
0x1d: {  	s22 =	sadd.s32 $0xFFFFFFF0, s16  }
0x1e: {  	[tilespmem:s28], [sflag:$0x2] =	stream.linear.gather [hbm4b:s22+s3], $0x80, $0x38;
	[tilespmem:$0x1C200] =	vst v63  }
0x1f: {  	_ =	swait.ge [sflag:s29], $0x4000  }
0x20: {  	[sflag:s29] =	ssyncset.done $0x0  }
0x21: {  	[sflag:s29] =	ssyncadd.s32 $0xFFFFC000  }
0x22: {  	_ =	swait.ge [sflag:s29], $0x80  }
0x23: {  	[sflag:s29] =	ssyncset.done $0x0  }
0x24: {  	[sflag:s29] =	ssyncadd.s32 $0xFFFFFF80  }
0x25: {  	[spmem:s1] =	stream.indirect.scatter.add.f32 [tilespmem:s25], [sflag:$0x3], $0x80, s3, s28, $0xb8;
	[tilespmem:$0x1C200] =	vst v63  }
0x26: {  	_ =	swait.ge [sflag:s30], $0x4000  }
0x27: {  	[sflag:s30] =	ssyncset.done $0x0  }
0x28: {  	s20 =	sadd.s32 $0x1000, s17;
	[sflag:s30] =	ssyncadd.s32 $0xFFFFC000  }
0x29: {  	[tilespmem:s25], [sflag:$0x1] =	stream.linear.gather [hbm4b:s20+s3], $0x4000, $0x38;
	[tilespmem:$0x1C200] =	vst v63  }
0x2a: {  	_ = 	snop  }
0x2b: {  	[tilespmem:s3], [sflag:$0x1] =	stream.linear.gather [hbm4b:s16+s3], $0x80, $0x38;
	[tilespmem:$0x1C200] =	vst v63  }
0x2c: {  	_ =	swait.ge [sflag:s31], $0x4000  }
0x2d: {  	[sflag:s31] =	ssyncset.done $0x0  }
0x2e: {  	[sflag:s31] =	ssyncadd.s32 $0xFFFFC000  }
0x2f: {  	_ =	swait.ge [sflag:s31], $0x80  }
0x30: {  	[sflag:s31] =	ssyncset.done $0x0  }
0x31: {  	[sflag:s31] =	ssyncadd.s32 $0xFFFFFF80  }
0x32: {  	[spmem:s1] =	stream.indirect.scatter.add.f32 [tilespmem:s26], [sflag:$0x3], $0x80, s28, s28, $0xb8;
	[tilespmem:$0x1C200] =	vst v63  }
0x33: {  	_ =	swait.ge [sflag:s30], $0x4000  }
0x34: {  	[sflag:s30] =	ssyncset.done $0x0  }
0x35: {  	s21 =	rddreg [dreg:$0x9];
	[sflag:s30] =	ssyncadd.s32 $0xFFFFC000  }
0x36: {  	[tilespmem:s26], [sflag:$0x2] =	stream.linear.gather [hbm4b:s21+s3], $0x4000, $0x38;
	[tilespmem:$0x1C200] =	vst v63  }
0x37: {  	_ = 	snop  }
0x38: {  	[tilespmem:s28], [sflag:$0x2] =	stream.linear.gather [hbm4b:s19+s3], $0x80, $0x38;
	[tilespmem:$0x1C200] =	vst v63  }
0x39: {  	_ =	swait.ge [sflag:s29], $0x4000  }
0x3a: {  	[sflag:s29] =	ssyncset.done $0x0  }
0x3b: {  	[sflag:s29] =	ssyncadd.s32 $0xFFFFC000  }
0x3c: {  	_ =	swait.ge [sflag:s29], $0x80  }
0x3d: {  	[sflag:s29] =	ssyncset.done $0x0  }
0x3e: {  	[sflag:s29] =	ssyncadd.s32 $0xFFFFFF80  }
0x3f: {  	[spmem:s1] =	stream.indirect.scatter.add.f32 [tilespmem:s25], [sflag:$0x3], $0x80, s3, s28, $0xb8;
	[tilespmem:$0x1C200] =	vst v63  }
0x40: {  	_ =	swait.ge [sflag:s30], $0x4000  }
0x41: {  	[sflag:s30] =	ssyncset.done $0x0  }
0x42: {  	[sflag:s30] =	ssyncadd.s32 $0xFFFFC000  }
0x43: {  	_ =	swait.ge [sflag:s31], $0x4000  }
0x44: {  	[sflag:s31] =	ssyncset.done $0x0  }
0x45: {  	[sflag:s31] =	ssyncadd.s32 $0xFFFFC000  }
0x46: {  	_ =	swait.ge [sflag:s31], $0x80  }
0x47: {  	[sflag:s31] =	ssyncset.done $0x0  }
0x48: {  	[sflag:s31] =	ssyncadd.s32 $0xFFFFFF80  }
0x49: {  	[spmem:s1] =	stream.indirect.scatter.add.f32 [tilespmem:s26], [sflag:$0x3], $0x80, s28, s28, $0xb8;
	[tilespmem:$0x1C200] =	vst v63  }
0x4a: {  	_ =	swait.ge [sflag:s30], $0x4000  }
0x4b: {  	[sflag:s30] =	ssyncset.done $0x0  }
0x4c: {  	s22 =	rddreg [dreg:$0x5];
	[sflag:s30] =	ssyncadd.s32 $0xFFFFC000  }
0x4d: {  	[tilespmem:s0], [sflag:$0x3] =	stream.linear.gather [hbm4b:s22+s3], $0x800, $0x38;
	[tilespmem:$0x1C200] =	vst v63  }
0x4e: {  	_ =	swait.ge [sflag:s30], $0x800  }
0x4f: {  	[sflag:s30] =	ssyncset.done $0x0  }
0x50: {  	[sflag:s30] =	ssyncadd.s32 $0xFFFFF800  }
0x51: {  	[tilespmem:s5], [sflag:$0x3] =	stream.linear.gather [hbm4b:s11+s3], $0x10, $0x38;
	[tilespmem:$0x1C200] =	vst v63  }
0x52: {  	_ =	swait.ge [sflag:s30], $0x10  }
0x53: {  	[sflag:s30] =	ssyncset.done $0x0  }
0x54: {  	[sflag:s30] =	ssyncadd.s32 $0xFFFFFFF0  }
0x55: {  	[spmem:s1] =	stream.indirect.scatter.add.f32 [tilespmem:s0], [sflag:$0x3], $0x80, s5, s7, $0xb8;
	[tilespmem:$0x1C200] =	vst v63  }
0x56: {  	_ =	swait.ge [sflag:s30], $0x800  }
0x57: {  	[sflag:s30] =	ssyncset.done $0x0  }
0x58: {  	[sflag:s30] =	ssyncadd.s32 $0xFFFFF800  }
0x59: {  	[bflag:$0x0] =	sbarrier.arrive $0xFFFF  }
0x5a: {  	s16 =	simm.s32 @p1 $0x1FC3;
	s17 =	rddreg [dreg:$0x7]  }
0x5b: {  	[hbm:s17], [sflag:s16] =	dma.local @p1 [spmem:s15], $0x2800  }
0x5c: {  	s15 =	simm.s32 @p1 $0x3  }
0x5d: {  	_ =	swait.ge @p1 [sflag:s15], $0x2800  }
0x5e: {  	[sflag:s15] =	ssyncset.done @p1 $0x0  }
0x5f: {  	[sflag:s15] =	ssyncadd.s32 @p1 $0xFFFFD800;
	s15 =	rddreg [dreg:$0x6]  }
0x60: {  	[hbm:s15], [sflag:s13] =	dma.local @!p1 [spmem:s12], $0x2700  }
0x61: {  	s12 =	simm.s32 @!p1 $0x3  }
0x62: {  	_ =	swait.ge @!p1 [sflag:s12], $0x2700  }
0x63: {  	[sflag:s12] =	ssyncset.done @!p1 $0x0  }
0x64: {  	[sflag:s12] =	ssyncadd.s32 @!p1 $0xFFFFD900  }
.LBB2_8:
0x65: {  	s10 =	sadd.s32 $0x1, s10  }
0x66: {  	p2 =	sne.s32 s10, s23  }
.Ltmp1:
0x67: {  	_ = 	snop;
	(pc) =	sbr.rel @!p2 .LBB2_9-.Ltmp1, $1  }
0x68: {  	_ =	sdelay $0x3  }
.LBB2_1:
.Ltmp2:
0x69: {  	(pc) =	sbr.rel @p0 .LBB2_5-.Ltmp2, $3  }
0x6a: {  	_ =	sdelay $0x1  }
0x6b: {  	s13 =	sshll.u32 @!p1 s2, $0x6  }
0x6c: {  	s15 =	sshrl.u32 @p1 s6, $0x3;
	s12 =	sshrl.u32 @!p1 s4, $0x3;
	s13 =	sor.u32 @!p1 $0x1C03, s13  }
0x6d: {  	s16 =	simm.s32 @p1 $0x1FC3;
	s17 =	rddreg [dreg:$0xc]  }
0x6e: {  	[spmem:s15], [sflag:s16] =	dma.local @p1 [hbm:s17], $0x2800  }
0x6f: {  	s16 =	simm.s32 @p1 $0x3  }
0x70: {  	_ =	swait.ge @p1 [sflag:s16], $0x2800  }
0x71: {  	[sflag:s16] =	ssyncset.done @p1 $0x0  }
0x72: {  	[sflag:s16] =	ssyncadd.s32 @p1 $0xFFFFD800;
	s16 =	rddreg [dreg:$0xb]  }
0x73: {  	[spmem:s12], [sflag:s13] =	dma.local @!p1 [hbm:s16], $0x2700  }
0x74: {  	s16 =	simm.s32 @!p1 $0x3  }
0x75: {  	_ =	swait.ge @!p1 [sflag:s16], $0x2700  }
0x76: {  	[sflag:s16] =	ssyncset.done @!p1 $0x0  }
0x77: {  	[sflag:s16] =	ssyncadd.s32 @!p1 $0xFFFFD900  }
0x78: {  	s18 =	simm.s32 $0x0;
	[bflag:$0x0] =	sbarrier.arrive $0xFFFF  }
0x79: {  	[tilespmem:s25], [sflag:$0x1] =	stream.linear.gather [hbm4b:s14+s18], $0x4000, $0x38;
	[tilespmem:$0x1C200] =	vst v63  }
0x7a: {  	s20 =	sadd.s32 $0x0, s14  }
0x7b: {  	[tilespmem:s18], [sflag:$0x1] =	stream.linear.gather [hbm4b:s9+s18], $0x80, $0x38;
	[tilespmem:$0x1C200] =	vst v63  }
0x7c: {  	s21 =	sadd.s32 $0x800, s20  }
0x7d: {  	[tilespmem:s26], [sflag:$0x2] =	stream.linear.gather [hbm4b:s21+s3], $0x4000, $0x38;
	[tilespmem:$0x1C200] =	vst v63  }
0x7e: {  	s22 =	sadd.s32 $0xFFFFFFF0, s24  }
0x7f: {  	[tilespmem:s28], [sflag:$0x2] =	stream.linear.gather [hbm4b:s22+s3], $0x80, $0x38;
	[tilespmem:$0x1C200] =	vst v63  }
0x80: {  	_ =	swait.ge [sflag:s29], $0x4000  }
0x81: {  	[sflag:s29] =	ssyncset.done $0x0  }
0x82: {  	[sflag:s29] =	ssyncadd.s32 $0xFFFFC000  }
0x83: {  	_ =	swait.ge [sflag:s29], $0x80  }
0x84: {  	[sflag:s29] =	ssyncset.done $0x0  }
0x85: {  	[sflag:s29] =	ssyncadd.s32 $0xFFFFFF80  }
0x86: {  	[spmem:s1] =	stream.indirect.scatter.add.f32 [tilespmem:s25], [sflag:$0x3], $0x80, s3, s28, $0xb8;
	[tilespmem:$0x1C200] =	vst v63  }
0x87: {  	_ =	swait.ge [sflag:s30], $0x4000  }
0x88: {  	[sflag:s30] =	ssyncset.done $0x0  }
0x89: {  	s16 =	sadd.s32 $0x1000, s20;
	[sflag:s30] =	ssyncadd.s32 $0xFFFFC000  }
0x8a: {  	[tilespmem:s25], [sflag:$0x1] =	stream.linear.gather [hbm4b:s16+s3], $0x4000, $0x38;
	[tilespmem:$0x1C200] =	vst v63  }
0x8b: {  	_ = 	snop  }
0x8c: {  	[tilespmem:s3], [sflag:$0x1] =	stream.linear.gather [hbm4b:s24+s3], $0x80, $0x38;
	[tilespmem:$0x1C200] =	vst v63  }
0x8d: {  	_ =	swait.ge [sflag:s31], $0x4000  }
0x8e: {  	[sflag:s31] =	ssyncset.done $0x0  }
0x8f: {  	[sflag:s31] =	ssyncadd.s32 $0xFFFFC000  }
0x90: {  	_ =	swait.ge [sflag:s31], $0x80  }
0x91: {  	[sflag:s31] =	ssyncset.done $0x0  }
0x92: {  	[sflag:s31] =	ssyncadd.s32 $0xFFFFFF80  }
0x93: {  	[spmem:s1] =	stream.indirect.scatter.add.f32 [tilespmem:s26], [sflag:$0x3], $0x80, s28, s28, $0xb8;
	[tilespmem:$0x1C200] =	vst v63  }
0x94: {  	s17 =	sadd.s32 $0x1000, s14;
	_ =	swait.ge [sflag:s30], $0x4000  }
0x95: {  	s18 =	simm.s32 $0x2000;
	s16 =	sadd.s32 $0x20, s24;
	[sflag:s30] =	ssyncset.done $0x0  }
.LBB2_3:
0x96: {  	s20 =	sadd.s32 $0x800, s17  }
0x97: {  	[sflag:s30] =	ssyncadd.s32 $0xFFFFC000;
	s21 =	smov.u32 s18;
	s22 =	sadd.s32 $0x1000, s18  }
0x98: {  	[tilespmem:s26], [sflag:$0x2] =	stream.linear.gather [hbm4b:s20+s3], $0x4000, $0x38;
	[tilespmem:$0x1C200] =	vst v63  }
0x99: {  	p2 =	sne.s32 s18, $0x25000;
	s18 =	sadd.s32 $0xFFFFFFF0, s16  }
0x9a: {  	[tilespmem:s28], [sflag:$0x2] =	stream.linear.gather [hbm4b:s18+s3], $0x80, $0x38;
	[tilespmem:$0x1C200] =	vst v63  }
0x9b: {  	_ =	swait.ge [sflag:s29], $0x4000  }
0x9c: {  	[sflag:s29] =	ssyncset.done $0x0  }
0x9d: {  	[sflag:s29] =	ssyncadd.s32 $0xFFFFC000  }
0x9e: {  	_ =	swait.ge [sflag:s29], $0x80  }
0x9f: {  	[sflag:s29] =	ssyncset.done $0x0  }
0xa0: {  	[sflag:s29] =	ssyncadd.s32 $0xFFFFFF80  }
0xa1: {  	[spmem:s1] =	stream.indirect.scatter.add.f32 [tilespmem:s25], [sflag:$0x3], $0x80, s3, s28, $0xb8;
	[tilespmem:$0x1C200] =	vst v63  }
0xa2: {  	_ =	swait.ge [sflag:s30], $0x4000  }
0xa3: {  	[sflag:s30] =	ssyncset.done $0x0  }
0xa4: {  	s17 =	sadd.s32 $0x1000, s17;
	[sflag:s30] =	ssyncadd.s32 $0xFFFFC000  }
0xa5: {  	[tilespmem:s25], [sflag:$0x1] =	stream.linear.gather [hbm4b:s17+s3], $0x4000, $0x38;
	[tilespmem:$0x1C200] =	vst v63  }
0xa6: {  	_ = 	snop  }
0xa7: {  	[tilespmem:s3], [sflag:$0x1] =	stream.linear.gather [hbm4b:s16+s3], $0x80, $0x38;
	[tilespmem:$0x1C200] =	vst v63  }
0xa8: {  	_ =	swait.ge [sflag:s31], $0x4000  }
0xa9: {  	[sflag:s31] =	ssyncset.done $0x0  }
0xaa: {  	[sflag:s31] =	ssyncadd.s32 $0xFFFFC000  }
0xab: {  	_ =	swait.ge [sflag:s31], $0x80  }
.Ltmp3:
0xac: {  	[sflag:s31] =	ssyncset.done $0x0;
	(pc) =	sbr.rel @p2 .LBB2_3-.Ltmp3, $4  }
0xad: {  	[sflag:s31] =	ssyncadd.s32 $0xFFFFFF80  }
0xae: {  	[spmem:s1] =	stream.indirect.scatter.add.f32 [tilespmem:s26], [sflag:$0x3], $0x80, s28, s28, $0xb8;
	[tilespmem:$0x1C200] =	vst v63  }
0xaf: {  	s18 =	smov.u32 s22;
	_ =	swait.ge [sflag:s30], $0x4000  }
0xb0: {  	s17 =	sadd.s32 s21, s14;
	s16 =	sadd.s32 $0x20, s16;
	[sflag:s30] =	ssyncset.done $0x0  }
0xb1: {  	s18 =	sadd.s32 $0x800, s17;
	[sflag:s30] =	ssyncadd.s32 $0xFFFFC000  }
0xb2: {  	[tilespmem:s26], [sflag:$0x2] =	stream.linear.gather [hbm4b:s18+s3], $0x4000, $0x38;
	[tilespmem:$0x1C200] =	vst v63  }
0xb3: {  	s22 =	sadd.s32 $0xFFFFFFF0, s16  }
0xb4: {  	[tilespmem:s28], [sflag:$0x2] =	stream.linear.gather [hbm4b:s22+s3], $0x80, $0x38;
	[tilespmem:$0x1C200] =	vst v63  }
0xb5: {  	_ =	swait.ge [sflag:s29], $0x4000  }
0xb6: {  	[sflag:s29] =	ssyncset.done $0x0  }
0xb7: {  	[sflag:s29] =	ssyncadd.s32 $0xFFFFC000  }
0xb8: {  	_ =	swait.ge [sflag:s29], $0x80  }
0xb9: {  	[sflag:s29] =	ssyncset.done $0x0  }
0xba: {  	[sflag:s29] =	ssyncadd.s32 $0xFFFFFF80  }
0xbb: {  	[spmem:s1] =	stream.indirect.scatter.add.f32 [tilespmem:s25], [sflag:$0x3], $0x80, s3, s28, $0xb8;
	[tilespmem:$0x1C200] =	vst v63  }
0xbc: {  	_ =	swait.ge [sflag:s30], $0x4000  }
0xbd: {  	[sflag:s30] =	ssyncset.done $0x0  }
0xbe: {  	s20 =	sadd.s32 $0x1000, s17;
	[sflag:s30] =	ssyncadd.s32 $0xFFFFC000  }
0xbf: {  	[tilespmem:s25], [sflag:$0x1] =	stream.linear.gather [hbm4b:s20+s3], $0x4000, $0x38;
	[tilespmem:$0x1C200] =	vst v63  }
0xc0: {  	_ = 	snop  }
0xc1: {  	[tilespmem:s3], [sflag:$0x1] =	stream.linear.gather [hbm4b:s16+s3], $0x80, $0x38;
	[tilespmem:$0x1C200] =	vst v63  }
0xc2: {  	_ =	swait.ge [sflag:s31], $0x4000  }
0xc3: {  	[sflag:s31] =	ssyncset.done $0x0  }
0xc4: {  	[sflag:s31] =	ssyncadd.s32 $0xFFFFC000  }
0xc5: {  	_ =	swait.ge [sflag:s31], $0x80  }
0xc6: {  	[sflag:s31] =	ssyncset.done $0x0  }
0xc7: {  	[sflag:s31] =	ssyncadd.s32 $0xFFFFFF80  }
0xc8: {  	[spmem:s1] =	stream.indirect.scatter.add.f32 [tilespmem:s26], [sflag:$0x3], $0x80, s28, s28, $0xb8;
	[tilespmem:$0x1C200] =	vst v63  }
0xc9: {  	_ =	swait.ge [sflag:s30], $0x4000  }
0xca: {  	[sflag:s30] =	ssyncset.done $0x0  }
0xcb: {  	s21 =	rddreg [dreg:$0xa];
	[sflag:s30] =	ssyncadd.s32 $0xFFFFC000  }
0xcc: {  	[tilespmem:s26], [sflag:$0x2] =	stream.linear.gather [hbm4b:s21+s3], $0x4000, $0x38;
	[tilespmem:$0x1C200] =	vst v63  }
0xcd: {  	_ = 	snop  }
0xce: {  	[tilespmem:s28], [sflag:$0x2] =	stream.linear.gather [hbm4b:s19+s3], $0x80, $0x38;
	[tilespmem:$0x1C200] =	vst v63  }
0xcf: {  	_ =	swait.ge [sflag:s29], $0x4000  }
0xd0: {  	[sflag:s29] =	ssyncset.done $0x0  }
0xd1: {  	[sflag:s29] =	ssyncadd.s32 $0xFFFFC000  }
0xd2: {  	_ =	swait.ge [sflag:s29], $0x80  }
0xd3: {  	[sflag:s29] =	ssyncset.done $0x0  }
0xd4: {  	[sflag:s29] =	ssyncadd.s32 $0xFFFFFF80  }
0xd5: {  	[spmem:s1] =	stream.indirect.scatter.add.f32 [tilespmem:s25], [sflag:$0x3], $0x80, s3, s28, $0xb8;
	[tilespmem:$0x1C200] =	vst v63  }
0xd6: {  	_ =	swait.ge [sflag:s30], $0x4000  }
0xd7: {  	[sflag:s30] =	ssyncset.done $0x0  }
0xd8: {  	[sflag:s30] =	ssyncadd.s32 $0xFFFFC000  }
0xd9: {  	_ =	swait.ge [sflag:s31], $0x4000  }
0xda: {  	[sflag:s31] =	ssyncset.done $0x0  }
0xdb: {  	[sflag:s31] =	ssyncadd.s32 $0xFFFFC000  }
0xdc: {  	_ =	swait.ge [sflag:s31], $0x80  }
0xdd: {  	[sflag:s31] =	ssyncset.done $0x0  }
0xde: {  	[sflag:s31] =	ssyncadd.s32 $0xFFFFFF80  }
0xdf: {  	[spmem:s1] =	stream.indirect.scatter.add.f32 [tilespmem:s26], [sflag:$0x3], $0x80, s28, s28, $0xb8;
	[tilespmem:$0x1C200] =	vst v63  }
0xe0: {  	_ =	swait.ge [sflag:s30], $0x4000  }
0xe1: {  	[sflag:s30] =	ssyncset.done $0x0  }
0xe2: {  	s22 =	rddreg [dreg:$0x8];
	[sflag:s30] =	ssyncadd.s32 $0xFFFFC000  }
0xe3: {  	[tilespmem:s0], [sflag:$0x3] =	stream.linear.gather [hbm4b:s22+s3], $0x800, $0x38;
	[tilespmem:$0x1C200] =	vst v63  }
0xe4: {  	_ =	swait.ge [sflag:s30], $0x800  }
0xe5: {  	[sflag:s30] =	ssyncset.done $0x0  }
0xe6: {  	[sflag:s30] =	ssyncadd.s32 $0xFFFFF800  }
0xe7: {  	[tilespmem:s5], [sflag:$0x3] =	stream.linear.gather [hbm4b:s11+s3], $0x10, $0x38;
	[tilespmem:$0x1C200] =	vst v63  }
0xe8: {  	_ =	swait.ge [sflag:s30], $0x10  }
0xe9: {  	[sflag:s30] =	ssyncset.done $0x0  }
0xea: {  	[sflag:s30] =	ssyncadd.s32 $0xFFFFFFF0  }
0xeb: {  	[spmem:s1] =	stream.indirect.scatter.add.f32 [tilespmem:s0], [sflag:$0x3], $0x80, s5, s7, $0xb8;
	[tilespmem:$0x1C200] =	vst v63  }
0xec: {  	_ =	swait.ge [sflag:s30], $0x800  }
0xed: {  	[sflag:s30] =	ssyncset.done $0x0  }
0xee: {  	[sflag:s30] =	ssyncadd.s32 $0xFFFFF800  }
0xef: {  	[bflag:$0x0] =	sbarrier.arrive $0xFFFF  }
0xf0: {  	s16 =	simm.s32 @p1 $0x1FC3;
	s17 =	rddreg [dreg:$0xe]  }
0xf1: {  	[hbm:s17], [sflag:s16] =	dma.local @p1 [spmem:s15], $0x2800  }
0xf2: {  	s15 =	simm.s32 @p1 $0x3  }
0xf3: {  	_ =	swait.ge @p1 [sflag:s15], $0x2800  }
0xf4: {  	[sflag:s15] =	ssyncset.done @p1 $0x0  }
0xf5: {  	[sflag:s15] =	ssyncadd.s32 @p1 $0xFFFFD800;
	s15 =	rddreg [dreg:$0xd]  }
0xf6: {  	[hbm:s15], [sflag:s13] =	dma.local @!p1 [spmem:s12], $0x2700  }
.Ltmp4:
0xf7: {  	_ = 	snop;
	(pc) =	sbr.rel .LBB2_8-.Ltmp4, $4  }
0xf8: {  	s12 =	simm.s32 @!p1 $0x3  }
0xf9: {  	_ =	swait.ge @!p1 [sflag:s12], $0x2700  }
0xfa: {  	[sflag:s12] =	ssyncset.done @!p1 $0x0  }
0xfb: {  	[sflag:s12] =	ssyncadd.s32 @!p1 $0xFFFFD900  }
.LBB2_5:
0xfc: {  	s16 =	simm.s32 @p1 $0x1FC3;
	s17 =	rddreg [dreg:$0x4]  }
0xfd: {  	[spmem:s15], [sflag:s16] =	dma.local @p1 [hbm:s17], $0x2800  }
0xfe: {  	s16 =	simm.s32 @p1 $0x3  }
0xff: {  	_ =	swait.ge @p1 [sflag:s16], $0x2800  }
0x100: {  	[sflag:s16] =	ssyncset.done @p1 $0x0  }
0x101: {  	[sflag:s16] =	ssyncadd.s32 @p1 $0xFFFFD800;
	s16 =	rddreg [dreg:$0x3]  }
0x102: {  	[spmem:s12], [sflag:s13] =	dma.local @!p1 [hbm:s16], $0x2700  }
0x103: {  	s16 =	simm.s32 @!p1 $0x3  }
0x104: {  	_ =	swait.ge @!p1 [sflag:s16], $0x2700  }
0x105: {  	[sflag:s16] =	ssyncset.done @!p1 $0x0  }
0x106: {  	[sflag:s16] =	ssyncadd.s32 @!p1 $0xFFFFD900  }
0x107: {  	s18 =	simm.s32 $0x0;
	[bflag:$0x0] =	sbarrier.arrive $0xFFFF  }
0x108: {  	[tilespmem:s25], [sflag:$0x1] =	stream.linear.gather [hbm4b:s8+s18], $0x4000, $0x38;
	[tilespmem:$0x1C200] =	vst v63  }
0x109: {  	s20 =	sadd.s32 $0x0, s8  }
0x10a: {  	[tilespmem:s18], [sflag:$0x1] =	stream.linear.gather [hbm4b:s9+s18], $0x80, $0x38;
	[tilespmem:$0x1C200] =	vst v63  }
0x10b: {  	s21 =	sadd.s32 $0x800, s20  }
0x10c: {  	[tilespmem:s26], [sflag:$0x2] =	stream.linear.gather [hbm4b:s21+s3], $0x4000, $0x38;
	[tilespmem:$0x1C200] =	vst v63  }
0x10d: {  	s22 =	sadd.s32 $0xFFFFFFF0, s24  }
0x10e: {  	[tilespmem:s28], [sflag:$0x2] =	stream.linear.gather [hbm4b:s22+s3], $0x80, $0x38;
	[tilespmem:$0x1C200] =	vst v63  }
0x10f: {  	_ =	swait.ge [sflag:s29], $0x4000  }
0x110: {  	[sflag:s29] =	ssyncset.done $0x0  }
0x111: {  	[sflag:s29] =	ssyncadd.s32 $0xFFFFC000  }
0x112: {  	_ =	swait.ge [sflag:s29], $0x80  }
0x113: {  	[sflag:s29] =	ssyncset.done $0x0  }
0x114: {  	[sflag:s29] =	ssyncadd.s32 $0xFFFFFF80  }
0x115: {  	[spmem:s1] =	stream.indirect.scatter.add.f32 [tilespmem:s25], [sflag:$0x3], $0x80, s3, s28, $0xb8;
	[tilespmem:$0x1C200] =	vst v63  }
0x116: {  	_ =	swait.ge [sflag:s30], $0x4000  }
0x117: {  	[sflag:s30] =	ssyncset.done $0x0  }
0x118: {  	s16 =	sadd.s32 $0x1000, s20;
	[sflag:s30] =	ssyncadd.s32 $0xFFFFC000  }
0x119: {  	[tilespmem:s25], [sflag:$0x1] =	stream.linear.gather [hbm4b:s16+s3], $0x4000, $0x38;
	[tilespmem:$0x1C200] =	vst v63  }
0x11a: {  	_ = 	snop  }
0x11b: {  	[tilespmem:s3], [sflag:$0x1] =	stream.linear.gather [hbm4b:s24+s3], $0x80, $0x38;
	[tilespmem:$0x1C200] =	vst v63  }
0x11c: {  	_ =	swait.ge [sflag:s31], $0x4000  }
0x11d: {  	[sflag:s31] =	ssyncset.done $0x0  }
0x11e: {  	[sflag:s31] =	ssyncadd.s32 $0xFFFFC000  }
0x11f: {  	_ =	swait.ge [sflag:s31], $0x80  }
0x120: {  	[sflag:s31] =	ssyncset.done $0x0  }
0x121: {  	[sflag:s31] =	ssyncadd.s32 $0xFFFFFF80  }
0x122: {  	[spmem:s1] =	stream.indirect.scatter.add.f32 [tilespmem:s26], [sflag:$0x3], $0x80, s28, s28, $0xb8;
	[tilespmem:$0x1C200] =	vst v63  }
0x123: {  	s17 =	sadd.s32 $0x1000, s8;
	_ =	swait.ge [sflag:s30], $0x4000  }
0x124: {  	s18 =	simm.s32 $0x2000;
	s16 =	sadd.s32 $0x20, s24;
	[sflag:s30] =	ssyncset.done $0x0  }
.LBB2_6:
0x125: {  	s20 =	sadd.s32 $0x800, s17  }
0x126: {  	[sflag:s30] =	ssyncadd.s32 $0xFFFFC000;
	s21 =	smov.u32 s18;
	s22 =	sadd.s32 $0x1000, s18  }
0x127: {  	[tilespmem:s26], [sflag:$0x2] =	stream.linear.gather [hbm4b:s20+s3], $0x4000, $0x38;
	[tilespmem:$0x1C200] =	vst v63  }
0x128: {  	p2 =	sne.s32 s18, $0x25000;
	s18 =	sadd.s32 $0xFFFFFFF0, s16  }
0x129: {  	[tilespmem:s28], [sflag:$0x2] =	stream.linear.gather [hbm4b:s18+s3], $0x80, $0x38;
	[tilespmem:$0x1C200] =	vst v63  }
0x12a: {  	_ =	swait.ge [sflag:s29], $0x4000  }
0x12b: {  	[sflag:s29] =	ssyncset.done $0x0  }
0x12c: {  	[sflag:s29] =	ssyncadd.s32 $0xFFFFC000  }
0x12d: {  	_ =	swait.ge [sflag:s29], $0x80  }
0x12e: {  	[sflag:s29] =	ssyncset.done $0x0  }
0x12f: {  	[sflag:s29] =	ssyncadd.s32 $0xFFFFFF80  }
0x130: {  	[spmem:s1] =	stream.indirect.scatter.add.f32 [tilespmem:s25], [sflag:$0x3], $0x80, s3, s28, $0xb8;
	[tilespmem:$0x1C200] =	vst v63  }
0x131: {  	_ =	swait.ge [sflag:s30], $0x4000  }
0x132: {  	[sflag:s30] =	ssyncset.done $0x0  }
0x133: {  	s17 =	sadd.s32 $0x1000, s17;
	[sflag:s30] =	ssyncadd.s32 $0xFFFFC000  }
0x134: {  	[tilespmem:s25], [sflag:$0x1] =	stream.linear.gather [hbm4b:s17+s3], $0x4000, $0x38;
	[tilespmem:$0x1C200] =	vst v63  }
0x135: {  	_ = 	snop  }
0x136: {  	[tilespmem:s3], [sflag:$0x1] =	stream.linear.gather [hbm4b:s16+s3], $0x80, $0x38;
	[tilespmem:$0x1C200] =	vst v63  }
0x137: {  	_ =	swait.ge [sflag:s31], $0x4000  }
0x138: {  	[sflag:s31] =	ssyncset.done $0x0  }
0x139: {  	[sflag:s31] =	ssyncadd.s32 $0xFFFFC000  }
0x13a: {  	_ =	swait.ge [sflag:s31], $0x80  }
.Ltmp5:
0x13b: {  	[sflag:s31] =	ssyncset.done $0x0;
	(pc) =	sbr.rel @p2 .LBB2_6-.Ltmp5, $4  }
0x13c: {  	[sflag:s31] =	ssyncadd.s32 $0xFFFFFF80  }
0x13d: {  	[spmem:s1] =	stream.indirect.scatter.add.f32 [tilespmem:s26], [sflag:$0x3], $0x80, s28, s28, $0xb8;
	[tilespmem:$0x1C200] =	vst v63  }
0x13e: {  	s18 =	smov.u32 s22;
	_ =	swait.ge [sflag:s30], $0x4000  }
0x13f: {  	s17 =	sadd.s32 s21, s8;
	s16 =	sadd.s32 $0x20, s16;
	[sflag:s30] =	ssyncset.done $0x0  }
.Ltmp6:
0x140: {  	_ = 	snop;
	(pc) =	sbr.rel .LBB2_7-.Ltmp6, $1  }
0x141: {  	_ =	sdelay $0x3  }
.LBB2_9:
0x142: {  	_ =	sfence.sel $0x180000  }
0x143: {  	[bflag:$0x0] =	sbarrier.arrive $0xFFFF  }
0x144: {  	_ =	strace $0x90000050  }
0x145: {  	[bflag:$0x2] =	sbarrier.arrive $0xFFFF  }
0x146: {  	p0 =	sne.s32 s2, $0x0;
	s0 =	rddreg [dreg:$0x2]  }
0x147: {  	s0 =	sadd.s32 @!p0 $0x100000, s0  }
0x148: {  	[sflag:s0] =	ssyncadd.tile.s32 @!p0 $0x1;
	_ =	shalt  }
.Lfunc_end2:
_tile_overlayer_lowered:
.L_overlay_start_2:
0x149: {  	(tag) =	ssettag $0x2  }
0x14a: {  	s0 =	rddreg [dreg:$0x0];
	s2 =	stileid.u32  }
0x14b: {  	s1 =	rddreg [dreg:$0x1];
	p0 =	sne.s32 s2, $0x0  }
0x14c: {  	s3 =	rddreg [dreg:$0x2];
	[bflag:$0x3] =	sbarrier.arrive $0xFFFF;
	s2 =	simm.s32 @!p0 $0x1C03  }
0x14d: {  	[timem:s3], [sflag:s2] =	dma.local @!p0 [hbm:s0], s1  }
0x14e: {  	s0 =	simm.s32 @!p0 $0x3  }
0x14f: {  	_ =	swait.ge @!p0 [sflag:s0], s1  }
0x150: {  	s1 =	ssub.s32 @!p0 $0x0, s1;
	[sflag:s0] =	ssyncset.done @!p0 $0x0  }
0x151: {  	[sflag:s0] =	ssyncadd.s32 @!p0 s1  }
0x152: {  	[bflag:$0x3] =	sbarrier.arrive $0xFFFF  }
0x153: {  	_ =	shalt  }

// kernel: kernel.9.cloned.1.call-start
scs
__scs_entry_jumppad:
0x0: {  	(pc) =	sbr.rel $0x88, $3  }
0x1: {  	(tag) =	ssettag $0x0;
	lr =	simm.s32 $0x1  }
0x2: {  	[smem:$0x3F91] =	sst lr;
	_ =	strace $0xD0000000  }
0x3: {  	_ = 	snop  }
0x4: {  	_ = 	snop  }
0x5: {  	_ = 	snop  }
0x6: {  	_ = 	snop  }
0x7: {  	_ = 	snop  }
__scs_overlays_trampoline_lowered:
0x8: {  	[smem:$0x3FA0] =	sst s0  }
0x9: {  	[smem:$0x3FA1] =	sst s1  }
0xa: {  	[smem:$0x3FA2] =	sst s2  }
0xb: {  	[smem:$0x3FA3] =	sst s3  }
0xc: {  	[smem:$0x3FA4] =	sst s4  }
0xd: {  	[smem:$0x3FA5] =	sst s5  }
0xe: {  	[smem:$0x3FA6] =	sst s6  }
0xf: {  	[smem:$0x3FA7] =	sst s7  }
0x10: {  	[smem:$0x3FA8] =	sst s8  }
0x11: {  	[smem:$0x3FA9] =	sst s9;
	s0 =	simm.s32 @!p0 $0x0  }
0x12: {  	s1 =	sld [smem:$0x3F8F];
	s0 =	simm.s32 @p0 $0x1  }
0x13: {  	[smem:$0x3FAA] =	sst s0;
	s0 =	simm.s32 @!p1 $0x0  }
0x14: {  	s2 =	sld [smem:$0x3F8E];
	s0 =	simm.s32 @p1 $0x1  }
0x15: {  	[smem:$0x3FAB] =	sst s0;
	s0 =	simm.s32 @!p2 $0x0  }
0x16: {  	s3 =	sld [smem:$0x3FDB];
	s0 =	simm.s32 @p2 $0x1  }
0x17: {  	s4 =	simm.s32 $0x1BF5;
	[smem:$0x3FAD] =	sst s0  }
0x18: {  	s0 =	sld [smem:$0x3F90];
	_ =	swait.ge [sflag:s4], $0x0  }
0x19: {  	s7 =	sld [smem:$0x3F91]  }
0x1a: {  	s8 =	sadd.s32 $0xFFFFE003, lr  }
0x1b: {  	s9 =	sadd.s32 $0xFFFFFEF7, lr;
	s5 =	simm.s32 $0xFFFFFFFF;
	p2 =	slt.u32 s8, $0xFFFFF086  }
0x1c: {  	p1 =	slt.u32 s9, $0xF7A;
	s5 =	simm.s32 @!p2 $0x0  }
0x1d: {  	s5 =	simm.s32 @p1 $0x1;
	p0 =	seq.s32 s7, s2  }
0x1e: {  	s7 =	smul.u32 @!p0 $0xF7A, s2;
	p2 =	seq.s32 @!p0 s5, $0x0  }
0x1f: {  	s9 =	smul.u32 $0xF7A, s1;
	s8 =	simm.s32 @!p0 $0x1BF5;
	p2 =	por !p2, p0  }
0x20: {  	[sflag:s8] =	ssyncset.s32 @!p0 $0xFFFFF086;
	s6 =	sadd.s32 @!p0 s3, s7;
	s7 =	simm.s32 @!p0 $0x108  }
0x21: {  	s3 =	sadd.s32 s3, s9;
	s6 =	sadd.s32 @!p0 $0x88, s6;
	s7 =	simm.s32 @p2 $0x1082  }
0x22: {  	[simem:s7], [sflag:s8] =	dma.local @!p0 [hbm:s6], $0xF7A  }
0x23: {  	s9 =	sor.u32 $0xD0000000, s2;
	s6 =	simm.s32 $0x108;
	_ =	swait.ge @!p0 [sflag:s8], $0x0  }
0x24: {  	s3 =	sadd.s32 $0x88, s3;
	s6 =	simm.s32 @!p1 $0x1082;
	[sflag:s4] =	ssyncset.s32 $0xFFFFF086  }
0x25: {  	[simem:s6], [sflag:s4] =	dma.local [hbm:s3], $0xF7A  }
0x26: {  	[smem:$0x3F91] =	sst s1;
	(tag) =	ssettag s2;
	_ =	strace s9  }
0x27: {  	s1 =	sld [smem:$0x3FA1]  }
0x28: {  	s2 =	sld [smem:$0x3FA2]  }
0x29: {  	s4 =	sld [smem:$0x3FA4]  }
0x2a: {  	p0 =	seq.s32 s5, $0x0;
	s5 =	sld [smem:$0x3FA5]  }
0x2b: {  	s6 =	sld [smem:$0x3FA6]  }
0x2c: {  	s7 =	sld [smem:$0x3FA7]  }
0x2d: {  	s3 =	simm.s32 $0x108;
	s8 =	sld [smem:$0x3FA8]  }
0x2e: {  	s3 =	simm.s32 @!p0 $0x1082;
	s9 =	sld [smem:$0x3FA9]  }
0x2f: {  	lr =	sadd.s32 s0, s3;
	s0 =	sld [smem:$0x3FA0]  }
0x30: {  	s3 =	sld [smem:$0x3FA3]  }
0x31: {  	[smem:$0x3FAC] =	sst s10  }
0x32: {  	s10 =	sld [smem:$0x3FAA];
	_ =	sdelay $0x3  }
0x33: {  	p0 =	seq.s32 s10, $0x1;
	s10 =	sld [smem:$0x3FAC];
	_ =	sdelay $0x3  }
0x34: {  	[smem:$0x3FAC] =	sst s10  }
0x35: {  	s10 =	sld [smem:$0x3FAB];
	_ =	sdelay $0x3  }
0x36: {  	p1 =	seq.s32 s10, $0x1;
	s10 =	sld [smem:$0x3FAC];
	_ =	sdelay $0x3  }
0x37: {  	[smem:$0x3FAC] =	sst s10  }
0x38: {  	s10 =	sld [smem:$0x3FAD]  }
0x39: {  	_ = 	snop;
	(pc) =	sbr.ind lr, $3  }
0x3a: {  	_ = 	snop  }
0x3b: {  	_ = 	snop  }
0x3c: {  	p2 =	seq.s32 s10, $0x1;
	s10 =	sld [smem:$0x3FAC]  }
0x3d: {  	_ =	shalt  }
0x3e: {  	_ =	shalt  }
0x3f: {  	_ =	shalt  }
0x40: {  	_ =	shalt  }
0x41: {  	_ =	shalt  }
0x42: {  	_ =	shalt  }
0x43: {  	_ =	shalt  }
0x44: {  	_ =	shalt  }
0x45: {  	_ =	shalt  }
0x46: {  	_ =	shalt  }
0x47: {  	_ =	shalt  }
0x48: {  	_ =	shalt  }
0x49: {  	_ =	shalt  }
0x4a: {  	_ =	shalt  }
0x4b: {  	_ =	shalt  }
0x4c: {  	_ =	shalt  }
0x4d: {  	_ =	shalt  }
0x4e: {  	_ =	shalt  }
0x4f: {  	_ =	shalt  }
0x50: {  	_ =	shalt  }
0x51: {  	_ =	shalt  }
0x52: {  	_ =	shalt  }
0x53: {  	_ =	shalt  }
0x54: {  	_ =	shalt  }
0x55: {  	_ =	shalt  }
0x56: {  	_ =	shalt  }
0x57: {  	_ =	shalt  }
0x58: {  	_ =	shalt  }
0x59: {  	_ =	shalt  }
0x5a: {  	_ =	shalt  }
0x5b: {  	_ =	shalt  }
0x5c: {  	_ =	shalt  }
0x5d: {  	_ =	shalt  }
0x5e: {  	_ =	shalt  }
0x5f: {  	_ =	shalt  }
0x60: {  	_ =	shalt  }
0x61: {  	_ =	shalt  }
0x62: {  	_ =	shalt  }
0x63: {  	_ =	shalt  }
0x64: {  	_ =	shalt  }
0x65: {  	_ =	shalt  }
0x66: {  	_ =	shalt  }
0x67: {  	_ =	shalt  }
0x68: {  	_ =	shalt  }
0x69: {  	_ =	shalt  }
0x6a: {  	_ =	shalt  }
0x6b: {  	_ =	shalt  }
0x6c: {  	_ =	shalt  }
0x6d: {  	_ =	shalt  }
0x6e: {  	_ =	shalt  }
0x6f: {  	_ =	shalt  }
0x70: {  	_ =	shalt  }
0x71: {  	_ =	shalt  }
0x72: {  	_ =	shalt  }
0x73: {  	_ =	shalt  }
0x74: {  	_ =	shalt  }
0x75: {  	_ =	shalt  }
0x76: {  	_ =	shalt  }
0x77: {  	_ =	shalt  }
0x78: {  	_ =	shalt  }
0x79: {  	_ =	shalt  }
0x7a: {  	_ =	shalt  }
0x7b: {  	_ =	shalt  }
0x7c: {  	_ =	shalt  }
0x7d: {  	_ =	shalt  }
0x7e: {  	_ =	shalt  }
0x7f: {  	_ =	shalt  }
0x80: {  	_ =	shalt  }
0x81: {  	_ =	shalt  }
0x82: {  	_ =	shalt  }
0x83: {  	_ =	shalt  }
0x84: {  	_ =	shalt  }
0x85: {  	_ =	shalt  }
0x86: {  	_ =	shalt  }
0x87: {  	_ =	shalt  }
.Lfunc_end0:
.L_simem_size_0:
called_computation_lowered:
.L_overlay_start_0:
0x88: {  	s2 =	sld [smem:$0x3FD9]  }
0x89: {  	s3 =	sld [smem:$0x3FFE];
	_ =	sdelay $0x1  }
0x8a: {  	s1 =	srdreg.scid  }
0x8b: {  	s0 =	sand.u32 $0x1, s1  }
0x8c: {  	s16 =	sshll.u32 s0, $0xA;
	s2 =	sadd.s32 s3, s2  }
0x8d: {  	s2 =	sadd.s32 s2, s16  }
0x8e: {  	[smem:$0x3FB8] =	sst s2  }
0x8f: {  	_ = 	snop  }
0x90: {  	(tm) =	ssettm $0x1  }
0x91: {  	s17 =	sld [smem:$0x3FFB];
	_ =	sdelay $0x3  }
0x92: {  	_ =	strace s17  }
0x93: {  	s2 =	sld [smem:$0x3FFC];
	_ =	sdelay $0x3  }
0x94: {  	_ =	strace s2  }
0x95: {  	s2 =	sld [smem:$0x3FFD];
	_ =	sdelay $0x3  }
0x96: {  	_ =	strace s2  }
0x97: {  	_ =	strace $0x8FFFFFFF  }
0x98: {  	s18 =	sld [smem:$0x3FDB];
	_ =	sdelay $0x1  }
0x99: {  	s19 =	simm.s32 $_scs_section_size  }
0x9a: {  	s4 =	simm.s32 $_size__tile_overlayer_lowered;
	s5 =	simm.s32 $_tile_overlayer_lowered  }
0x9b: {  	s22 =	simm.s32 $0x1BFF;
	s21 =	sshll.u32 s5, $0x1;
	s2 =	sadd.s32 s19, s18  }
0x9c: {  	s6 =	simm.s32 $0x0;
	s20 =	sshll.u32 s4, $0x1;
	s4 =	sadd.s32 s21, s2  }
0x9d: {  	[timem:s6], [sflag:s22] =	dma.local [hbm:s4], s20  }
0x9e: {  	_ =	swait.ge [sflag:s22], s20  }
0x9f: {  	s3 =	ssub.s32 $0x0, s20;
	[sflag:s22] =	ssyncset.done $0x0  }
0xa0: {  	[sflag:s22] =	ssyncadd.s32 s3;
	_ =	sdelay $0x1  }
0xa1: {  	s23 =	simm.s32 $0x1B8B  }
0xa2: {  	_ =	swait.ge [sflag:s23], $0x1  }
0xa3: {  	[sflag:s23] =	ssyncset.done $0x0  }
0xa4: {  	s25 =	simm.s32 $0x1B8E;
	s24 =	sld [smem:$0x3FFE];
	[sflag:s23] =	ssyncadd.s32 $0xFFFFFFFF  }
0xa5: {  	s26 =	simm.s32 $execute0_lowered;
	[smem:$0x3FD2] =	sst s25  }
0xa6: {  	s4 =	sshll.u32 s26, $0x1;
	_ =	strace $0x80000046;
	[dreg:$0x1] =	wrdreg $0xFFFFFFFF  }
0xa7: {  	s28 =	simm.s32 $_size_execute0_lowered;
	s2 =	sadd.s32 s2, s4;
	[dreg:$0x0] =	wrdreg $0x0  }
0xa8: {  	s4 =	sshll.u32 s28, $0x1;
	[dreg:$0x2] =	wrdreg s2  }
0xa9: {  	[dreg:$0x3] =	wrdreg s4  }
0xaa: {  	[dreg:$0x4] =	wrdreg $0xC0  }
0xab: {  	_ =	task [dreg:s6], $0x5FFFF  }
0xac: {  	[dreg:$0x1] =	wrdreg $0xFFFFFFFF  }
0xad: {  	[dreg:$0x0] =	wrdreg $0x60  }
0xae: {  	[dreg:$0x2] =	wrdreg s24  }
0xaf: {  	[dreg:$0x3] =	wrdreg $0xA7800  }
0xb0: {  	[dreg:$0x4] =	wrdreg $0xA  }
0xb1: {  	_ =	task.clear_ibuf [dreg:s6], $0x5FFFF;
	_ =	strace $0x90000046  }
0xb2: {  	s29 =	simm.s32 $0xA;
	_ =	strace $0x80000048  }
0xb3: {  	_ =	swait.ge [sflag:s29], $0x1  }
0xb4: {  	[sflag:s29] =	ssyncadd.s32 $0xFFFFFFFF  }
0xb5: {  	_ =	strace $0x90000048  }
0xb6: {  	_ =	sfence  }
0xb7: {  	s30 =	sld [smem:$0x0];
	_ =	sdelay $0x2  }
0xb8: {  	s31 =	sshll.u32 s1, $0xD;
	s1 =	sshrl.u32 s1, $0x2  }
0xb9: {  	s3 =	sand.u32 $0x4000, s31;
	s1 =	sadd.s32 s1, s30  }
0xba: {  	s0 =	sor.u32 s3, s0;
	s1 =	sshll.u32 s1, $0x11  }
0xbb: {  	s0 =	sor.u32 s1, s0  }
0xbc: {  	s0 =	sadd.s32 $0x8F2B, s0  }
0xbd: {  	[sflag:s0] =	ssyncadd.remote.s32 $0x1  }
0xbe: {  	_ =	sfence.sel $0xFFFF  }
0xbf: {  	[dreg:$0x0] =	wrdreg $0xFFFFFFFF;
	(pc) =	sbr.abs _section_cstart, $3  }
0xc0: {  	[dreg:$0x1] =	wrdreg $0xFFFFFFFF  }
0xc1: {  	_ =	task.clear_ibuf [dreg:s6], $0x2FFFF;
	_ =	strace $0x9FFFFFFF  }
0xc2: {  	(tm) =	ssettm $0x7FFFFFFF  }
0xc3: {  	_ =	shalt  }
tec
execute0_lowered:
.L_overlay_start_1:
0x0: {  	(tag) =	ssettag $0x1  }
0x1: {  	s5 =	rddreg [dreg:$0x0]  }
0x2: {  	s2 =	rddreg [dreg:$0x1]  }
0x3: {  	s1 =	stileid.u32;
	s3 =	srdreg.scid  }
0x4: {  	s0 =	rddreg [dreg:$0x2];
	s19 =	simm.s32 $0x6780;
	s20 =	simm.s32 $0x1  }
0x5: {  	s21 =	simm.s32 $0x2;
	s22 =	simm.s32 $0x2680;
	s6 =	smul.u32 $0x2700, s1  }
0x6: {  	s23 =	simm.s32 $0x10;
	s10 =	sand.u32 $0x1, s3;
	s8 =	smul.u32 $0x4E000, s1  }
0x7: {  	s4 =	sshll.u32 s1, $0x1;
	s3 =	simm.s32 $0x0;
	s17 =	smul.u32 $0x271000, s1  }
0x8: {  	s11 =	sadd.s32 $0x3C600, s5;
	s14 =	sadd.s32 $0x124800, s2;
	s28 =	smul.u32 $0x4E200, s1  }
0x9: {  	p0 =	seq.s32 s1, $0xF;
	s7 =	sor.u32 s10, s4;
	s18 =	smul.u32 $0x138800, s10  }
0xa: {  	[smem:$0x7FF] =	sst s3;
	s24 =	ssub.s32 $0x2, s10;
	s30 =	smul.u32 $0x27100, s10  }
0xb: {  	s4 =	smul.u32 $0x2710, s7;
	_ =	strace $0x80000047;
	s6 =	sadd.s32 s6, s5  }
0xc: {  	s12 =	sshrl.u32 s24, $0x1;
	s8 =	sshrl.u32 s8, $0x2;
	s13 =	smul.u32 $0x138800, s7  }
0xd: {  	s26 =	smul.u32 $0x27100, s7;
	s12 =	ssub.s32 s24, s12;
	s15 =	sadd.s32 s8, s2  }
0xe: {  	s29 =	sadd.s32 s18, s17;
	s17 =	simm.s32 $0x2780;
	s18 =	simm.s32 $0x80  }
0xf: {  	s24 =	simm.s32 $0x2700;
	s4 =	sshrl.u32 s4, $0x3;
	s25 =	sshrl.u32 s13, $0x3  }
0x10: {  	s8 =	smax.u32 s12, $0x1;
	s13 =	sadd.s32 s11, s26;
	s31 =	sshrl.u32 s29, $0x3  }
0x11: {  	s12 =	sadd.s32 s28, s11;
	s15 =	sshrl.u32 @!p0 s15, $0x3;
	s9 =	sadd.s32 s4, s5  }
0x12: {  	s4 =	sadd.s32 $0x15400, s6;
	s5 =	sadd.s32 $0x39D00, s5;
	s16 =	sadd.s32 s11, s25  }
0x13: {  	s10 =	sadd.s32 $0x26800, s13;
	s11 =	sadd.s32 s31, s11;
	s12 =	sadd.s32 s30, s12  }
0x14: {  	s13 =	sshrl.u32 @p0 s14, $0x3;
	s14 =	sshll.u32 @!p0 s1, $0x6;
	s25 =	simm.s32 $0x0  }
0x15: {  	s6 =	sadd.s32 $0xB600, s9;
	s7 =	sadd.s32 $0x27000, s16;
	s9 =	sadd.s32 $0x26000, s16  }
0x16: {  	s12 =	sadd.s32 $0x800, s12;
	s14 =	sor.u32 @!p0 $0x1C03, s14;
	s16 =	simm.s32 $0x3  }
.LBB2_1:
0x17: {  	s26 =	simm.s32 @p0 $0x1FC3  }
0x18: {  	[spmem:s13], [sflag:s26] =	dma.local @p0 [hbm:s5], $0x2800  }
0x19: {  	s26 =	simm.s32 @p0 $0x3  }
0x1a: {  	_ =	swait.ge @p0 [sflag:s26], $0x2800  }
0x1b: {  	[sflag:s26] =	ssyncset.done @p0 $0x0  }
0x1c: {  	[sflag:s26] =	ssyncadd.s32 @p0 $0xFFFFD800;
	s26 =	simm.s32 @!p0 $0x3  }
0x1d: {  	[spmem:s15], [sflag:s14] =	dma.local @!p0 [hbm:s4], $0x2700  }
0x1e: {  	_ =	swait.ge @!p0 [sflag:s26], $0x2700  }
0x1f: {  	[sflag:s26] =	ssyncset.done @!p0 $0x0  }
0x20: {  	[sflag:s26] =	ssyncadd.s32 @!p0 $0xFFFFD900  }
0x21: {  	[tilespmem:s3], [sflag:$0x3] =	stream.linear.gather [hbm4b:s6+s3], $0x2710, $0x38;
	[tilespmem:$0x1E000] =	vst v63  }
0x22: {  	_ =	swait.ge [sflag:s16], $0x2710  }
0x23: {  	[sflag:s16] =	ssyncset.done $0x0  }
0x24: {  	[sflag:s16] =	ssyncadd.s32 $0xFFFFD8F0  }
0x25: {  	[bflag:$0x0] =	sbarrier.arrive $0xFFFF  }
0x26: {  	[tilespmem:s17], [sflag:$0x1] =	stream.indirect.gather [spmem:s2], $0x80, s3, s18, $0xb8;
	[tilespmem:$0x1E000] =	vst v63  }
0x27: {  	_ = 	snop  }
0x28: {  	[tilespmem:s19], [sflag:$0x2] =	stream.indirect.gather [spmem:s2], $0x80, s18, s18, $0xb8;
	[tilespmem:$0x1E000] =	vst v63  }
0x29: {  	_ =	swait.ge [sflag:s20], $0x4000  }
0x2a: {  	[sflag:s20] =	ssyncset.done $0x0  }
0x2b: {  	s29 =	sadd.s32 $0x0, s11;
	[sflag:s20] =	ssyncadd.s32 $0xFFFFC000  }
0x2c: {  	[hbm4b:s29+s3] =	stream.linear.scatter [tilespmem:s17], [sflag:$0x3], $0x4000, $0x38;
	[tilespmem:$0x1E000] =	vst v63  }
0x2d: {  	_ =	swait.ge [sflag:s16], $0x4000  }
0x2e: {  	[sflag:s16] =	ssyncset.done $0x0  }
0x2f: {  	s30 =	simm.s32 $0x100;
	[sflag:s16] =	ssyncadd.s32 $0xFFFFC000  }
0x30: {  	[tilespmem:s17], [sflag:$0x1] =	stream.indirect.gather [spmem:s2], $0x80, s30, s18, $0xb8;
	[tilespmem:$0x1E000] =	vst v63  }
0x31: {  	_ =	swait.ge [sflag:s21], $0x4000  }
0x32: {  	[sflag:s21] =	ssyncset.done $0x0  }
0x33: {  	s31 =	sadd.s32 $0x0, s12;
	[sflag:s21] =	ssyncadd.s32 $0xFFFFC000  }
0x34: {  	[hbm4b:s31+s3] =	stream.linear.scatter [tilespmem:s19], [sflag:$0x3], $0x4000, $0x38;
	[tilespmem:$0x1E000] =	vst v63  }
0x35: {  	_ =	swait.ge [sflag:s16], $0x4000  }
0x36: {  	s28 =	simm.s32 $0x80;
	s26 =	simm.s32 $0x1000;
	[sflag:s16] =	ssyncset.done $0x0  }
.LBB2_2:
0x37: {  	p1 =	sne.s32 s26, $0x25000;
	[sflag:s16] =	ssyncadd.s32 $0xFFFFC000;
	s28 =	sadd.s32 $0x100, s28  }
0x38: {  	[tilespmem:s19], [sflag:$0x2] =	stream.indirect.gather [spmem:s2], $0x80, s28, s18, $0xb8;
	[tilespmem:$0x1E000] =	vst v63  }
0x39: {  	s29 =	smov.u32 s26;
	s26 =	sadd.s32 $0x1000, s26;
	_ =	swait.ge [sflag:s20], $0x4000  }
0x3a: {  	[sflag:s20] =	ssyncset.done $0x0  }
0x3b: {  	s30 =	sadd.s32 s29, s11;
	[sflag:s20] =	ssyncadd.s32 $0xFFFFC000  }
0x3c: {  	[hbm4b:s30+s3] =	stream.linear.scatter [tilespmem:s17], [sflag:$0x3], $0x4000, $0x38;
	[tilespmem:$0x1E000] =	vst v63  }
0x3d: {  	_ =	swait.ge [sflag:s16], $0x4000  }
0x3e: {  	[sflag:s16] =	ssyncset.done $0x0  }
0x3f: {  	s30 =	sadd.s32 $0x80, s28;
	[sflag:s16] =	ssyncadd.s32 $0xFFFFC000  }
0x40: {  	[tilespmem:s17], [sflag:$0x1] =	stream.indirect.gather [spmem:s2], $0x80, s30, s18, $0xb8;
	[tilespmem:$0x1E000] =	vst v63  }
0x41: {  	_ =	swait.ge [sflag:s21], $0x4000  }
.Ltmp0:
0x42: {  	[sflag:s21] =	ssyncset.done $0x0;
	(pc) =	sbr.rel @p1 .LBB2_2-.Ltmp0, $4  }
0x43: {  	s29 =	sadd.s32 s29, s12;
	[sflag:s21] =	ssyncadd.s32 $0xFFFFC000  }
0x44: {  	[hbm4b:s29+s3] =	stream.linear.scatter [tilespmem:s19], [sflag:$0x3], $0x4000, $0x38;
	[tilespmem:$0x1E000] =	vst v63  }
0x45: {  	_ =	swait.ge [sflag:s16], $0x4000  }
0x46: {  	[sflag:s16] =	ssyncset.done $0x0  }
0x47: {  	[sflag:s16] =	ssyncadd.s32 $0xFFFFC000  }
0x48: {  	[tilespmem:s19], [sflag:$0x2] =	stream.indirect.gather [spmem:s2], $0x80, s22, s18, $0xb8;
	[tilespmem:$0x1E000] =	vst v63  }
0x49: {  	_ =	swait.ge [sflag:s20], $0x4000  }
0x4a: {  	[sflag:s20] =	ssyncset.done $0x0  }
0x4b: {  	[sflag:s20] =	ssyncadd.s32 $0xFFFFC000  }
0x4c: {  	[hbm4b:s9+s3] =	stream.linear.scatter [tilespmem:s17], [sflag:$0x3], $0x4000, $0x38;
	[tilespmem:$0x1E000] =	vst v63  }
0x4d: {  	_ =	swait.ge [sflag:s16], $0x4000  }
0x4e: {  	[sflag:s16] =	ssyncset.done $0x0  }
0x4f: {  	[sflag:s16] =	ssyncadd.s32 $0xFFFFC000  }
0x50: {  	_ =	swait.ge [sflag:s21], $0x4000  }
0x51: {  	[sflag:s21] =	ssyncset.done $0x0  }
0x52: {  	[sflag:s21] =	ssyncadd.s32 $0xFFFFC000  }
0x53: {  	[hbm4b:s10+s3] =	stream.linear.scatter [tilespmem:s19], [sflag:$0x3], $0x4000, $0x38;
	[tilespmem:$0x1E000] =	vst v63  }
0x54: {  	_ =	swait.ge [sflag:s16], $0x4000  }
0x55: {  	[sflag:s16] =	ssyncset.done $0x0  }
0x56: {  	[sflag:s16] =	ssyncadd.s32 $0xFFFFC000  }
0x57: {  	[tilespmem:s17], [sflag:$0x3] =	stream.indirect.gather [spmem:s2], $0x80, s24, s23, $0xb8;
	[tilespmem:$0x1E000] =	vst v63  }
0x58: {  	s25 =	sadd.s32 $0x1, s25;
	_ =	swait.ge [sflag:s16], $0x800  }
0x59: {  	p1 =	sne.s32 s25, s8;
	[sflag:s16] =	ssyncset.done $0x0  }
.Ltmp1:
0x5a: {  	[sflag:s16] =	ssyncadd.s32 $0xFFFFF800;
	(pc) =	sbr.rel @p1 .LBB2_1-.Ltmp1, $4  }
0x5b: {  	[hbm4b:s7+s3] =	stream.linear.scatter [tilespmem:s17], [sflag:$0x3], $0x800, $0x38;
	[tilespmem:$0x1E000] =	vst v63  }
0x5c: {  	_ =	swait.ge [sflag:s16], $0x800  }
0x5d: {  	[sflag:s16] =	ssyncset.done $0x0  }
0x5e: {  	[sflag:s16] =	ssyncadd.s32 $0xFFFFF800  }
0x5f: {  	_ =	sfence.sel $0x180000  }
0x60: {  	[bflag:$0x0] =	sbarrier.arrive $0xFFFF  }
0x61: {  	p0 =	sne.s32 s1, $0x0;
	_ =	strace $0x90000047  }
0x62: {  	s0 =	sadd.s32 @!p0 $0x100000, s0;
	[bflag:$0x2] =	sbarrier.arrive $0xFFFF  }
0x63: {  	[sflag:s0] =	ssyncadd.tile.s32 @!p0 $0x1;
	_ =	shalt  }
.Lfunc_end2:
_tile_overlayer_lowered:
.L_overlay_start_2:
0x64: {  	(tag) =	ssettag $0x2  }
0x65: {  	s0 =	rddreg [dreg:$0x0];
	s2 =	stileid.u32  }
0x66: {  	s1 =	rddreg [dreg:$0x1];
	p0 =	sne.s32 s2, $0x0  }
0x67: {  	s3 =	rddreg [dreg:$0x2];
	[bflag:$0x3] =	sbarrier.arrive $0xFFFF;
	s2 =	simm.s32 @!p0 $0x1C03  }
0x68: {  	[timem:s3], [sflag:s2] =	dma.local @!p0 [hbm:s0], s1  }
0x69: {  	s0 =	simm.s32 @!p0 $0x3  }
0x6a: {  	_ =	swait.ge @!p0 [sflag:s0], s1  }
0x6b: {  	s1 =	ssub.s32 @!p0 $0x0, s1;
	[sflag:s0] =	ssyncset.done @!p0 $0x0  }
0x6c: {  	[sflag:s0] =	ssyncadd.s32 @!p0 s1  }
0x6d: {  	[bflag:$0x3] =	sbarrier.arrive $0xFFFF  }
0x6e: {  	_ =	shalt  }

</sc_bundles>
